<compile_context>
chip_gen: v7x
topology: tpu7x:2x2x1
jax: 0.10.2.dev20260603
libtpu: 0.0.44.dev20260713+nightly
codegen_flags: <defaults>
</compile_context>

<pallas_src>
import functools

import jax
import jax.numpy as jnp
from jax import lax
from jax.experimental import pallas as pl
from jax.experimental.pallas import tpu as pltpu
from jax.experimental.pallas import tpu_sc as plsc

NC = 2
NS = 16
L = 16
NW = NC * NS

N_NODES = 100_000
N_EDGES = 6_400_000
EW = N_EDGES // NW
B = 2_000
NCHUNK = EW // B
G = B // L
UNROLL = 5

_mesh = plsc.VectorSubcoreMesh(
    core_axis_name="c", subcore_axis_name="s", num_cores=NC, num_subcores=NS
)


@functools.partial(
    pl.kernel,
    out_type=jax.ShapeDtypeStruct((N_EDGES,), jnp.int32),
    mesh=_mesh,
    scratch_types=(
        [pltpu.VMEM_SHARED((4 * N_NODES,), jnp.float32)]
        + [pltpu.VMEM((8 * B,), jnp.int32) for _ in range(2)]
        + [pltpu.VMEM((8 * B,), jnp.float32) for _ in range(2)]
        + [pltpu.SemaphoreType.DMA for _ in range(2)]
    ),
)
def _ef_kernel(
    cat_hbm, ei_hbm, ej_hbm, out_hbm,
    cat_sh,
    c0, c1, f0, f1,
    sem0, sem1,
):
    wid = lax.axis_index("s") * NC + lax.axis_index("c")
    sid = lax.axis_index("s")

    @pl.when(sid == 0)
    def _():
        pltpu.sync_copy(cat_hbm, cat_sh)

    plsc.subcore_barrier()

    bufs = [
        dict(c=c0, f=f0, sem=sem0),
        dict(c=c1, f=f1, sem=sem1),
    ]

    def prep_and_fire(ch, bs):
        base = wid * EW + ch * B
        cv = bs["c"]
        pltpu.sync_copy(ei_hbm.at[pl.ds(base, B)], cv.at[pl.ds(0, B)])
        pltpu.sync_copy(ej_hbm.at[pl.ds(base, B)], cv.at[pl.ds(4 * B, B)])

        def build_body(g, carry):
            sl0 = g * L
            vi = cv[pl.ds(sl0, L)]
            vj = cv[pl.ds(4 * B + sl0, L)]
            cv[pl.ds(B + sl0, L)] = vi + N_NODES
            cv[pl.ds(2 * B + sl0, L)] = vi + 2 * N_NODES
            cv[pl.ds(3 * B + sl0, L)] = vi + 3 * N_NODES
            cv[pl.ds(5 * B + sl0, L)] = vj + N_NODES
            cv[pl.ds(6 * B + sl0, L)] = vj + 2 * N_NODES
            cv[pl.ds(7 * B + sl0, L)] = vj + 3 * N_NODES
            return carry

        lax.fori_loop(0, G, build_body, 0, unroll=4)
        pltpu.async_copy(cat_sh.at[cv], bs["f"], bs["sem"])

    def wait_gather(bs):
        pltpu.make_async_copy(cat_sh.at[bs["c"]], bs["f"], bs["sem"]).wait()

    def compute(ch, bs):
        fv = bs["f"]
        o_v = bs["c"]

        def group_body(g, gcarry):
            sl0 = g * L
            ri = fv[pl.ds(sl0, L)]
            phii = fv[pl.ds(B + sl0, L)]
            zi = fv[pl.ds(2 * B + sl0, L)]
            etai = fv[pl.ds(3 * B + sl0, L)]
            rj = fv[pl.ds(4 * B + sl0, L)]
            phij = fv[pl.ds(5 * B + sl0, L)]
            zj = fv[pl.ds(6 * B + sl0, L)]
            etaj = fv[pl.ds(7 * B + sl0, L)]
            dz = zi - zj
            dr = ri - rj
            dphi = phii - phij
            deta = etai - etaj
            s = deta * deta + dphi * dphi
            z0 = zi - ri * dz / dr
            m = (
                (dphi * dphi < 3.6e-05 * s)
                & (jnp.abs(z0) < 150.0)
                & (s < 2.89)
            )
            o_v[pl.ds(sl0, L)] = jnp.where(m, 1, 0).astype(jnp.int32)
            return gcarry

        lax.fori_loop(0, G, group_body, 0, unroll=UNROLL)
        base = wid * EW + ch * B
        pltpu.sync_copy(o_v.at[pl.ds(0, B)], out_hbm.at[pl.ds(base, B)])

    prep_and_fire(0, bufs[0])

    def pair_body(t, carry):
        ch = 2 * t
        prep_and_fire(ch + 1, bufs[1])
        wait_gather(bufs[0])
        compute(ch, bufs[0])

        @pl.when(t < NCHUNK // 2 - 1)
        def _():
            prep_and_fire(ch + 2, bufs[0])

        wait_gather(bufs[1])
        compute(ch + 1, bufs[1])
        return carry

    lax.fori_loop(0, NCHUNK // 2, pair_body, 0)


def kernel(x, edge_index):
    xt = x.T.reshape(-1)
    out = _ef_kernel(xt, edge_index[0], edge_index[1])
    return out.astype(jnp.bool_)

# --- scband reference (transcript-rebuilt; emitter-appended) ---
"""Pipeline reference for scband-geometric-ef-68642167325169 (READ-ONLY COPY).

The authoritative reference and input builder live on the scoring server;
editing this copy changes nothing except your own understanding.
"""

import jax, jax.numpy as jnp
import numpy as np

PHI_SLOPE_MAX = 0.006
Z0_MAX = 150.0
DR_MAX = 1.7

N_NODES = 100000
N_EDGES = 6400000


def setup_inputs(seed: int = 0) -> dict:
    key = jax.random.key(seed)
    k1, k2 = jax.random.split(key)
    x = jax.random.normal(k1, (N_NODES, 4), dtype=jnp.float32)
    edge_index = jax.random.randint(k2, (2, N_EDGES), 0, N_NODES, dtype=jnp.int32)
    return {"x": x, "edge_index": edge_index}


def reference(x, edge_index):
    r = x[:, 0]
    phi = x[:, 1]
    z = x[:, 2]
    eta = x[:, 3]
    i = edge_index[0]
    j = edge_index[1]
    dz = z[i] - z[j]
    dr = r[i] - r[j]
    dphi = phi[i] - phi[j]
    deta = eta[i] - eta[j]
    dR = jnp.sqrt(deta ** 2 + dphi ** 2)
    phi_slope = dphi / dR
    z0 = z[i] - r[i] * dz / dr
    mask = (jnp.abs(phi_slope) < PHI_SLOPE_MAX) & (jnp.abs(z0) < Z0_MAX) & (jnp.abs(dR) < DR_MAX)
    return mask

if __name__ == "__main__":
    import jax
    _d = setup_inputs()
    print(jax.jit(kernel)(*tuple(_d.values())))

</pallas_src>

<mosaic_0001>
#map = affine_map<(d0, d1) -> (0)>
module attributes {stable_mosaic.version = 14 : i64} {
  func.func @_ef_kernel(%arg0: i32, %arg1: i32, %arg2: memref<400000xf32, #tpu.memory_space<hbm>>, %arg3: memref<6400000xi32, #tpu.memory_space<hbm>>, %arg4: memref<6400000xi32, #tpu.memory_space<hbm>>, %arg5: memref<6400000xi32, #tpu.memory_space<hbm>>, %arg6: memref<400000xf32, #tpu.memory_space<vmem_shared>>, %arg7: memref<16000xi32, #tpu.memory_space<vmem>>, %arg8: memref<16000xi32, #tpu.memory_space<vmem>>, %arg9: memref<16000xf32, #tpu.memory_space<vmem>>, %arg10: memref<16000xf32, #tpu.memory_space<vmem>>, %arg11: memref<!tpu.dma_semaphore, #tpu.memory_space<semaphore_mem>>, %arg12: memref<!tpu.dma_semaphore, #tpu.memory_space<semaphore_mem>>) attributes {dimension_semantics = [#tpu.dimension_semantics<core_parallel>, #tpu.dimension_semantics<subcore_parallel>], iteration_bounds = array<i64: 2, 16>, scalar_prefetch = 0 : i64, scratch_operands = 7 : i64, tpu.core_type = #tpu.core_type<sc_vector_subcore>, window_params = [{transform_indices = #map}, {transform_indices = #map}, {transform_indices = #map}, {transform_indices = #map}]} {
    %mul3A = arith.constant 2 : i32
    %mul3A_0 = arith.muli %arg1, %mul3A : i32
    %add3A = arith.addi %mul3A_0, %arg0 : i32
    %eq3A = arith.constant 0 : i32
    %eq3A_1 = arith.cmpi eq, %arg1, %eq3A : i32
    %convert_element_type3A = arith.extui %eq3A_1 : i1 to i32
    %cond3A = arith.constant 0 : i32
    %cond3A_2 = arith.cmpi ne, %convert_element_type3A, %cond3A : i32
    scf.if %cond3A_2 {
      "tpu.region"() ({
        %run_scoped3A = tpu.sem_alloc : memref<!tpu.dma_semaphore, #tpu.memory_space<semaphore_mem>>
        tpu.enqueue_dma source(%arg2 : memref<400000xf32, #tpu.memory_space<hbm>>) target(%arg6 : memref<400000xf32, #tpu.memory_space<vmem_shared>>) target_semaphore(%run_scoped3A : memref<!tpu.dma_semaphore, #tpu.memory_space<semaphore_mem>>)
        tpu.wait_dma2 semaphore(%run_scoped3A : memref<!tpu.dma_semaphore, #tpu.memory_space<semaphore_mem>>) src(%arg2 : memref<400000xf32, #tpu.memory_space<hbm>>) dst(%arg6 : memref<400000xf32, #tpu.memory_space<vmem_shared>>)
        tpu.yield
      }) : () -> ()
    } else {
    }
    %barrier3A = arith.constant 0 : index
    tpu.barrier barrier_id(%barrier3A)
    %mul3A_3 = arith.constant 200000 : i32
    %mul3A_4 = arith.muli %add3A, %mul3A_3 : i32
    %add3A_5 = arith.constant 0 : i32
    %add3A_6 = arith.addi %mul3A_4, %add3A_5 : i32
    "tpu.region"() ({
      %run_scoped3A = tpu.sem_alloc : memref<!tpu.dma_semaphore, #tpu.memory_space<semaphore_mem>>
      %dma_start3A_83 = arith.constant 0 : i32
      %dma_start3A_84 = tpu.memref_slice %arg7[%dma_start3A_83] : memref<16000xi32, #tpu.memory_space<vmem>> -> memref<2000xi32, #tpu.memory_space<vmem>>
      %dma_start3A_85 = tpu.memref_slice %arg3[%add3A_6] : memref<6400000xi32, #tpu.memory_space<hbm>> -> memref<2000xi32, #tpu.memory_space<hbm>>
      %dma_start3A_86 = arith.constant 0 : i32
      %dma_start3A_87 = tpu.memref_slice %arg7[%dma_start3A_86] : memref<16000xi32, #tpu.memory_space<vmem>> -> memref<2000xi32, #tpu.memory_space<vmem>>
      %dma_start3A_88 = tpu.memref_slice %arg3[%add3A_6] : memref<6400000xi32, #tpu.memory_space<hbm>> -> memref<2000xi32, #tpu.memory_space<hbm>>
      tpu.enqueue_dma source(%dma_start3A_88 : memref<2000xi32, #tpu.memory_space<hbm>>) target(%dma_start3A_87 : memref<2000xi32, #tpu.memory_space<vmem>>) target_semaphore(%run_scoped3A : memref<!tpu.dma_semaphore, #tpu.memory_space<semaphore_mem>>)
      %dma_wait3A = arith.constant 0 : i32
      %dma_wait3A_89 = tpu.memref_slice %arg7[%dma_wait3A] : memref<16000xi32, #tpu.memory_space<vmem>> -> memref<2000xi32, #tpu.memory_space<vmem>>
      %dma_wait3A_90 = tpu.memref_slice %arg3[%add3A_6] : memref<6400000xi32, #tpu.memory_space<hbm>> -> memref<2000xi32, #tpu.memory_space<hbm>>
      %dma_wait3A_91 = arith.constant 0 : i32
      %dma_wait3A_92 = tpu.memref_slice %arg7[%dma_wait3A_91] : memref<16000xi32, #tpu.memory_space<vmem>> -> memref<2000xi32, #tpu.memory_space<vmem>>
      %dma_wait3A_93 = tpu.memref_slice %arg3[%add3A_6] : memref<6400000xi32, #tpu.memory_space<hbm>> -> memref<2000xi32, #tpu.memory_space<hbm>>
      tpu.wait_dma2 semaphore(%run_scoped3A : memref<!tpu.dma_semaphore, #tpu.memory_space<semaphore_mem>>) src(%dma_wait3A_93 : memref<2000xi32, #tpu.memory_space<hbm>>) dst(%dma_wait3A_92 : memref<2000xi32, #tpu.memory_space<vmem>>)
      tpu.yield
    }) : () -> ()
    "tpu.region"() ({
      %run_scoped3A = tpu.sem_alloc : memref<!tpu.dma_semaphore, #tpu.memory_space<semaphore_mem>>
      %dma_start3A_83 = arith.constant 8000 : i32
      %dma_start3A_84 = tpu.memref_slice %arg7[%dma_start3A_83] : memref<16000xi32, #tpu.memory_space<vmem>> -> memref<2000xi32, #tpu.memory_space<vmem>>
      %dma_start3A_85 = tpu.memref_slice %arg4[%add3A_6] : memref<6400000xi32, #tpu.memory_space<hbm>> -> memref<2000xi32, #tpu.memory_space<hbm>>
      %dma_start3A_86 = arith.constant 8000 : i32
      %dma_start3A_87 = tpu.memref_slice %arg7[%dma_start3A_86] : memref<16000xi32, #tpu.memory_space<vmem>> -> memref<2000xi32, #tpu.memory_space<vmem>>
      %dma_start3A_88 = tpu.memref_slice %arg4[%add3A_6] : memref<6400000xi32, #tpu.memory_space<hbm>> -> memref<2000xi32, #tpu.memory_space<hbm>>
      tpu.enqueue_dma source(%dma_start3A_88 : memref<2000xi32, #tpu.memory_space<hbm>>) target(%dma_start3A_87 : memref<2000xi32, #tpu.memory_space<vmem>>) target_semaphore(%run_scoped3A : memref<!tpu.dma_semaphore, #tpu.memory_space<semaphore_mem>>)
      %dma_wait3A = arith.constant 8000 : i32
      %dma_wait3A_89 = tpu.memref_slice %arg7[%dma_wait3A] : memref<16000xi32, #tpu.memory_space<vmem>> -> memref<2000xi32, #tpu.memory_space<vmem>>
      %dma_wait3A_90 = tpu.memref_slice %arg4[%add3A_6] : memref<6400000xi32, #tpu.memory_space<hbm>> -> memref<2000xi32, #tpu.memory_space<hbm>>
      %dma_wait3A_91 = arith.constant 8000 : i32
      %dma_wait3A_92 = tpu.memref_slice %arg7[%dma_wait3A_91] : memref<16000xi32, #tpu.memory_space<vmem>> -> memref<2000xi32, #tpu.memory_space<vmem>>
      %dma_wait3A_93 = tpu.memref_slice %arg4[%add3A_6] : memref<6400000xi32, #tpu.memory_space<hbm>> -> memref<2000xi32, #tpu.memory_space<hbm>>
      tpu.wait_dma2 semaphore(%run_scoped3A : memref<!tpu.dma_semaphore, #tpu.memory_space<semaphore_mem>>) src(%dma_wait3A_93 : memref<2000xi32, #tpu.memory_space<hbm>>) dst(%dma_wait3A_92 : memref<2000xi32, #tpu.memory_space<vmem>>)
      tpu.yield
    }) : () -> ()
    %scan3A = arith.constant 0 : i32
    %scan3A_7 = arith.constant 0 : i32
    %scan3A_8 = arith.constant 124 : i32
    %scan3A_9 = arith.addi %scan3A_7, %scan3A_8 : i32
    %scan3A_10 = arith.constant 4 : i32
    scf.for %scan3A_83 = %scan3A_7 to %scan3A_9 step %scan3A_10  : i32 {
      %mul3A_84 = arith.constant 16 : i32
      %mul3A_85 = arith.muli %scan3A_83, %mul3A_84 : i32
      %get3A_86 = arith.index_cast %mul3A_85 : i32 to index
      %get3A_87 = tpu.vector_load %arg7[%get3A_86] {strides = array<i32>} : memref<16000xi32, #tpu.memory_space<vmem>>, vector<16xi32>,
      %get3A_88 = vector.shape_cast %get3A_87 : vector<16xi32> to vector<16xi32>
      %add3A_89 = arith.constant 8000 : i32
      %add3A_90 = arith.addi %add3A_89, %mul3A_85 : i32
      %get3A_91 = arith.index_cast %add3A_90 : i32 to index
      %get3A_92 = tpu.vector_load %arg7[%get3A_91] {strides = array<i32>} : memref<16000xi32, #tpu.memory_space<vmem>>, vector<16xi32>,
      %get3A_93 = vector.shape_cast %get3A_92 : vector<16xi32> to vector<16xi32>
      %add3A_94 = arith.constant 100000 : i32
      %add3A_95 = vector.broadcast %add3A_94 : i32 to vector<16xi32>
      %add3A_96 = arith.addi %get3A_88, %add3A_95 : vector<16xi32>
      %add3A_97 = arith.constant 2000 : i32
      %add3A_98 = arith.addi %add3A_97, %mul3A_85 : i32
      %swap3A_99 = arith.index_cast %add3A_98 : i32 to index
      %swap3A_100 = tpu.vector_load %arg7[%swap3A_99] {strides = array<i32>} : memref<16000xi32, #tpu.memory_space<vmem>>, vector<16xi32>,
      %swap3A_101 = vector.shape_cast %swap3A_100 : vector<16xi32> to vector<16xi32>
      %swap3A_102 = vector.shape_cast %add3A_96 : vector<16xi32> to vector<16xi32>
      tpu.vector_store %arg7[%swap3A_99], %swap3A_102 {strides = array<i32>} : memref<16000xi32, #tpu.memory_space<vmem>>, vector<16xi32>,
      %add3A_103 = arith.constant 200000 : i32
      %add3A_104 = vector.broadcast %add3A_103 : i32 to vector<16xi32>
      %add3A_105 = arith.addi %get3A_88, %add3A_104 : vector<16xi32>
      %add3A_106 = arith.constant 4000 : i32
      %add3A_107 = arith.addi %add3A_106, %mul3A_85 : i32
      %swap3A_108 = arith.index_cast %add3A_107 : i32 to index
      %swap3A_109 = tpu.vector_load %arg7[%swap3A_108] {strides = array<i32>} : memref<16000xi32, #tpu.memory_space<vmem>>, vector<16xi32>,
      %swap3A_110 = vector.shape_cast %swap3A_109 : vector<16xi32> to vector<16xi32>
      %swap3A_111 = vector.shape_cast %add3A_105 : vector<16xi32> to vector<16xi32>
      tpu.vector_store %arg7[%swap3A_108], %swap3A_111 {strides = array<i32>} : memref<16000xi32, #tpu.memory_space<vmem>>, vector<16xi32>,
      %add3A_112 = arith.constant 300000 : i32
      %add3A_113 = vector.broadcast %add3A_112 : i32 to vector<16xi32>
      %add3A_114 = arith.addi %get3A_88, %add3A_113 : vector<16xi32>
      %add3A_115 = arith.constant 6000 : i32
      %add3A_116 = arith.addi %add3A_115, %mul3A_85 : i32
      %swap3A_117 = arith.index_cast %add3A_116 : i32 to index
      %swap3A_118 = tpu.vector_load %arg7[%swap3A_117] {strides = array<i32>} : memref<16000xi32, #tpu.memory_space<vmem>>, vector<16xi32>,
      %swap3A_119 = vector.shape_cast %swap3A_118 : vector<16xi32> to vector<16xi32>
      %swap3A_120 = vector.shape_cast %add3A_114 : vector<16xi32> to vector<16xi32>
      tpu.vector_store %arg7[%swap3A_117], %swap3A_120 {strides = array<i32>} : memref<16000xi32, #tpu.memory_space<vmem>>, vector<16xi32>,
      %add3A_121 = arith.constant 100000 : i32
      %add3A_122 = vector.broadcast %add3A_121 : i32 to vector<16xi32>
      %add3A_123 = arith.addi %get3A_93, %add3A_122 : vector<16xi32>
      %add3A_124 = arith.constant 10000 : i32
      %add3A_125 = arith.addi %add3A_124, %mul3A_85 : i32
      %swap3A_126 = arith.index_cast %add3A_125 : i32 to index
      %swap3A_127 = tpu.vector_load %arg7[%swap3A_126] {strides = array<i32>} : memref<16000xi32, #tpu.memory_space<vmem>>, vector<16xi32>,
      %swap3A_128 = vector.shape_cast %swap3A_127 : vector<16xi32> to vector<16xi32>
      %swap3A_129 = vector.shape_cast %add3A_123 : vector<16xi32> to vector<16xi32>
      tpu.vector_store %arg7[%swap3A_126], %swap3A_129 {strides = array<i32>} : memref<16000xi32, #tpu.memory_space<vmem>>, vector<16xi32>,
      %add3A_130 = arith.constant 200000 : i32
      %add3A_131 = vector.broadcast %add3A_130 : i32 to vector<16xi32>
      %add3A_132 = arith.addi %get3A_93, %add3A_131 : vector<16xi32>
      %add3A_133 = arith.constant 12000 : i32
      %add3A_134 = arith.addi %add3A_133, %mul3A_85 : i32
      %swap3A_135 = arith.index_cast %add3A_134 : i32 to index
      %swap3A_136 = tpu.vector_load %arg7[%swap3A_135] {strides = array<i32>} : memref<16000xi32, #tpu.memory_space<vmem>>, vector<16xi32>,
      %swap3A_137 = vector.shape_cast %swap3A_136 : vector<16xi32> to vector<16xi32>
      %swap3A_138 = vector.shape_cast %add3A_132 : vector<16xi32> to vector<16xi32>
      tpu.vector_store %arg7[%swap3A_135], %swap3A_138 {strides = array<i32>} : memref<16000xi32, #tpu.memory_space<vmem>>, vector<16xi32>,
      %add3A_139 = arith.constant 300000 : i32
      %add3A_140 = vector.broadcast %add3A_139 : i32 to vector<16xi32>
      %add3A_141 = arith.addi %get3A_93, %add3A_140 : vector<16xi32>
      %add3A_142 = arith.constant 14000 : i32
      %add3A_143 = arith.addi %add3A_142, %mul3A_85 : i32
      %swap3A_144 = arith.index_cast %add3A_143 : i32 to index
      %swap3A_145 = tpu.vector_load %arg7[%swap3A_144] {strides = array<i32>} : memref<16000xi32, #tpu.memory_space<vmem>>, vector<16xi32>,
      %swap3A_146 = vector.shape_cast %swap3A_145 : vector<16xi32> to vector<16xi32>
      %swap3A_147 = vector.shape_cast %add3A_141 : vector<16xi32> to vector<16xi32>
      tpu.vector_store %arg7[%swap3A_144], %swap3A_147 {strides = array<i32>} : memref<16000xi32, #tpu.memory_space<vmem>>, vector<16xi32>,
      %scan3A_148 = arith.constant 1 : i32
      %scan3A_149 = arith.addi %scan3A_83, %scan3A_148 : i32
      %mul3A_150 = arith.constant 16 : i32
      %mul3A_151 = arith.muli %scan3A_149, %mul3A_150 : i32
      %get3A_152 = arith.index_cast %mul3A_151 : i32 to index
      %get3A_153 = tpu.vector_load %arg7[%get3A_152] {strides = array<i32>} : memref<16000xi32, #tpu.memory_space<vmem>>, vector<16xi32>,
      %get3A_154 = vector.shape_cast %get3A_153 : vector<16xi32> to vector<16xi32>
      %add3A_155 = arith.constant 8000 : i32
      %add3A_156 = arith.addi %add3A_155, %mul3A_151 : i32
      %get3A_157 = arith.index_cast %add3A_156 : i32 to index
      %get3A_158 = tpu.vector_load %arg7[%get3A_157] {strides = array<i32>} : memref<16000xi32, #tpu.memory_space<vmem>>, vector<16xi32>,
      %get3A_159 = vector.shape_cast %get3A_158 : vector<16xi32> to vector<16xi32>
      %add3A_160 = arith.constant 100000 : i32
      %add3A_161 = vector.broadcast %add3A_160 : i32 to vector<16xi32>
      %add3A_162 = arith.addi %get3A_154, %add3A_161 : vector<16xi32>
      %add3A_163 = arith.constant 2000 : i32
      %add3A_164 = arith.addi %add3A_163, %mul3A_151 : i32
      %swap3A_165 = arith.index_cast %add3A_164 : i32 to index
      %swap3A_166 = tpu.vector_load %arg7[%swap3A_165] {strides = array<i32>} : memref<16000xi32, #tpu.memory_space<vmem>>, vector<16xi32>,
      %swap3A_167 = vector.shape_cast %swap3A_166 : vector<16xi32> to vector<16xi32>
      %swap3A_168 = vector.shape_cast %add3A_162 : vector<16xi32> to vector<16xi32>
      tpu.vector_store %arg7[%swap3A_165], %swap3A_168 {strides = array<i32>} : memref<16000xi32, #tpu.memory_space<vmem>>, vector<16xi32>,
      %add3A_169 = arith.constant 200000 : i32
      %add3A_170 = vector.broadcast %add3A_169 : i32 to vector<16xi32>
      %add3A_171 = arith.addi %get3A_154, %add3A_170 : vector<16xi32>
      %add3A_172 = arith.constant 4000 : i32
      %add3A_173 = arith.addi %add3A_172, %mul3A_151 : i32
      %swap3A_174 = arith.index_cast %add3A_173 : i32 to index
      %swap3A_175 = tpu.vector_load %arg7[%swap3A_174] {strides = array<i32>} : memref<16000xi32, #tpu.memory_space<vmem>>, vector<16xi32>,
      %swap3A_176 = vector.shape_cast %swap3A_175 : vector<16xi32> to vector<16xi32>
      %swap3A_177 = vector.shape_cast %add3A_171 : vector<16xi32> to vector<16xi32>
      tpu.vector_store %arg7[%swap3A_174], %swap3A_177 {strides = array<i32>} : memref<16000xi32, #tpu.memory_space<vmem>>, vector<16xi32>,
      %add3A_178 = arith.constant 300000 : i32
      %add3A_179 = vector.broadcast %add3A_178 : i32 to vector<16xi32>
      %add3A_180 = arith.addi %get3A_154, %add3A_179 : vector<16xi32>
      %add3A_181 = arith.constant 6000 : i32
      %add3A_182 = arith.addi %add3A_181, %mul3A_151 : i32
      %swap3A_183 = arith.index_cast %add3A_182 : i32 to index
      %swap3A_184 = tpu.vector_load %arg7[%swap3A_183] {strides = array<i32>} : memref<16000xi32, #tpu.memory_space<vmem>>, vector<16xi32>,
      %swap3A_185 = vector.shape_cast %swap3A_184 : vector<16xi32> to vector<16xi32>
      %swap3A_186 = vector.shape_cast %add3A_180 : vector<16xi32> to vector<16xi32>
      tpu.vector_store %arg7[%swap3A_183], %swap3A_186 {strides = array<i32>} : memref<16000xi32, #tpu.memory_space<vmem>>, vector<16xi32>,
      %add3A_187 = arith.constant 100000 : i32
      %add3A_188 = vector.broadcast %add3A_187 : i32 to vector<16xi32>
      %add3A_189 = arith.addi %get3A_159, %add3A_188 : vector<16xi32>
      %add3A_190 = arith.constant 10000 : i32
      %add3A_191 = arith.addi %add3A_190, %mul3A_151 : i32
      %swap3A_192 = arith.index_cast %add3A_191 : i32 to index
      %swap3A_193 = tpu.vector_load %arg7[%swap3A_192] {strides = array<i32>} : memref<16000xi32, #tpu.memory_space<vmem>>, vector<16xi32>,
      %swap3A_194 = vector.shape_cast %swap3A_193 : vector<16xi32> to vector<16xi32>
      %swap3A_195 = vector.shape_cast %add3A_189 : vector<16xi32> to vector<16xi32>
      tpu.vector_store %arg7[%swap3A_192], %swap3A_195 {strides = array<i32>} : memref<16000xi32, #tpu.memory_space<vmem>>, vector<16xi32>,
      %add3A_196 = arith.constant 200000 : i32
      %add3A_197 = vector.broadcast %add3A_196 : i32 to vector<16xi32>
      %add3A_198 = arith.addi %get3A_159, %add3A_197 : vector<16xi32>
      %add3A_199 = arith.constant 12000 : i32
      %add3A_200 = arith.addi %add3A_199, %mul3A_151 : i32
      %swap3A_201 = arith.index_cast %add3A_200 : i32 to index
      %swap3A_202 = tpu.vector_load %arg7[%swap3A_201] {strides = array<i32>} : memref<16000xi32, #tpu.memory_space<vmem>>, vector<16xi32>,
      %swap3A_203 = vector.shape_cast %swap3A_202 : vector<16xi32> to vector<16xi32>
      %swap3A_204 = vector.shape_cast %add3A_198 : vector<16xi32> to vector<16xi32>
      tpu.vector_store %arg7[%swap3A_201], %swap3A_204 {strides = array<i32>} : memref<16000xi32, #tpu.memory_space<vmem>>, vector<16xi32>,
      %add3A_205 = arith.constant 300000 : i32
      %add3A_206 = vector.broadcast %add3A_205 : i32 to vector<16xi32>
      %add3A_207 = arith.addi %get3A_159, %add3A_206 : vector<16xi32>
      %add3A_208 = arith.constant 14000 : i32
      %add3A_209 = arith.addi %add3A_208, %mul3A_151 : i32
      %swap3A_210 = arith.index_cast %add3A_209 : i32 to index
      %swap3A_211 = tpu.vector_load %arg7[%swap3A_210] {strides = array<i32>} : memref<16000xi32, #tpu.memory_space<vmem>>, vector<16xi32>,
      %swap3A_212 = vector.shape_cast %swap3A_211 : vector<16xi32> to vector<16xi32>
      %swap3A_213 = vector.shape_cast %add3A_207 : vector<16xi32> to vector<16xi32>
      tpu.vector_store %arg7[%swap3A_210], %swap3A_213 {strides = array<i32>} : memref<16000xi32, #tpu.memory_space<vmem>>, vector<16xi32>,
      %scan3A_214 = arith.constant 2 : i32
      %scan3A_215 = arith.addi %scan3A_83, %scan3A_214 : i32
      %mul3A_216 = arith.constant 16 : i32
      %mul3A_217 = arith.muli %scan3A_215, %mul3A_216 : i32
      %get3A_218 = arith.index_cast %mul3A_217 : i32 to index
      %get3A_219 = tpu.vector_load %arg7[%get3A_218] {strides = array<i32>} : memref<16000xi32, #tpu.memory_space<vmem>>, vector<16xi32>,
      %get3A_220 = vector.shape_cast %get3A_219 : vector<16xi32> to vector<16xi32>
      %add3A_221 = arith.constant 8000 : i32
      %add3A_222 = arith.addi %add3A_221, %mul3A_217 : i32
      %get3A_223 = arith.index_cast %add3A_222 : i32 to index
      %get3A_224 = tpu.vector_load %arg7[%get3A_223] {strides = array<i32>} : memref<16000xi32, #tpu.memory_space<vmem>>, vector<16xi32>,
      %get3A_225 = vector.shape_cast %get3A_224 : vector<16xi32> to vector<16xi32>
      %add3A_226 = arith.constant 100000 : i32
      %add3A_227 = vector.broadcast %add3A_226 : i32 to vector<16xi32>
      %add3A_228 = arith.addi %get3A_220, %add3A_227 : vector<16xi32>
      %add3A_229 = arith.constant 2000 : i32
      %add3A_230 = arith.addi %add3A_229, %mul3A_217 : i32
      %swap3A_231 = arith.index_cast %add3A_230 : i32 to index
      %swap3A_232 = tpu.vector_load %arg7[%swap3A_231] {strides = array<i32>} : memref<16000xi32, #tpu.memory_space<vmem>>, vector<16xi32>,
      %swap3A_233 = vector.shape_cast %swap3A_232 : vector<16xi32> to vector<16xi32>
      %swap3A_234 = vector.shape_cast %add3A_228 : vector<16xi32> to vector<16xi32>
      tpu.vector_store %arg7[%swap3A_231], %swap3A_234 {strides = array<i32>} : memref<16000xi32, #tpu.memory_space<vmem>>, vector<16xi32>,
      %add3A_235 = arith.constant 200000 : i32
      %add3A_236 = vector.broadcast %add3A_235 : i32 to vector<16xi32>
      %add3A_237 = arith.addi %get3A_220, %add3A_236 : vector<16xi32>
      %add3A_238 = arith.constant 4000 : i32
      %add3A_239 = arith.addi %add3A_238, %mul3A_217 : i32
      %swap3A_240 = arith.index_cast %add3A_239 : i32 to index
      %swap3A_241 = tpu.vector_load %arg7[%swap3A_240] {strides = array<i32>} : memref<16000xi32, #tpu.memory_space<vmem>>, vector<16xi32>,
      %swap3A_242 = vector.shape_cast %swap3A_241 : vector<16xi32> to vector<16xi32>
      %swap3A_243 = vector.shape_cast %add3A_237 : vector<16xi32> to vector<16xi32>
      tpu.vector_store %arg7[%swap3A_240], %swap3A_243 {strides = array<i32>} : memref<16000xi32, #tpu.memory_space<vmem>>, vector<16xi32>,
      %add3A_244 = arith.constant 300000 : i32
      %add3A_245 = vector.broadcast %add3A_244 : i32 to vector<16xi32>
      %add3A_246 = arith.addi %get3A_220, %add3A_245 : vector<16xi32>
      %add3A_247 = arith.constant 6000 : i32
      %add3A_248 = arith.addi %add3A_247, %mul3A_217 : i32
      %swap3A_249 = arith.index_cast %add3A_248 : i32 to index
      %swap3A_250 = tpu.vector_load %arg7[%swap3A_249] {strides = array<i32>} : memref<16000xi32, #tpu.memory_space<vmem>>, vector<16xi32>,
      %swap3A_251 = vector.shape_cast %swap3A_250 : vector<16xi32> to vector<16xi32>
      %swap3A_252 = vector.shape_cast %add3A_246 : vector<16xi32> to vector<16xi32>
      tpu.vector_store %arg7[%swap3A_249], %swap3A_252 {strides = array<i32>} : memref<16000xi32, #tpu.memory_space<vmem>>, vector<16xi32>,
      %add3A_253 = arith.constant 100000 : i32
      %add3A_254 = vector.broadcast %add3A_253 : i32 to vector<16xi32>
      %add3A_255 = arith.addi %get3A_225, %add3A_254 : vector<16xi32>
      %add3A_256 = arith.constant 10000 : i32
      %add3A_257 = arith.addi %add3A_256, %mul3A_217 : i32
      %swap3A_258 = arith.index_cast %add3A_257 : i32 to index
      %swap3A_259 = tpu.vector_load %arg7[%swap3A_258] {strides = array<i32>} : memref<16000xi32, #tpu.memory_space<vmem>>, vector<16xi32>,
      %swap3A_260 = vector.shape_cast %swap3A_259 : vector<16xi32> to vector<16xi32>
      %swap3A_261 = vector.shape_cast %add3A_255 : vector<16xi32> to vector<16xi32>
      tpu.vector_store %arg7[%swap3A_258], %swap3A_261 {strides = array<i32>} : memref<16000xi32, #tpu.memory_space<vmem>>, vector<16xi32>,
      %add3A_262 = arith.constant 200000 : i32
      %add3A_263 = vector.broadcast %add3A_262 : i32 to vector<16xi32>
      %add3A_264 = arith.addi %get3A_225, %add3A_263 : vector<16xi32>
      %add3A_265 = arith.constant 12000 : i32
      %add3A_266 = arith.addi %add3A_265, %mul3A_217 : i32
      %swap3A_267 = arith.index_cast %add3A_266 : i32 to index
      %swap3A_268 = tpu.vector_load %arg7[%swap3A_267] {strides = array<i32>} : memref<16000xi32, #tpu.memory_space<vmem>>, vector<16xi32>,
      %swap3A_269 = vector.shape_cast %swap3A_268 : vector<16xi32> to vector<16xi32>
      %swap3A_270 = vector.shape_cast %add3A_264 : vector<16xi32> to vector<16xi32>
      tpu.vector_store %arg7[%swap3A_267], %swap3A_270 {strides = array<i32>} : memref<16000xi32, #tpu.memory_space<vmem>>, vector<16xi32>,
      %add3A_271 = arith.constant 300000 : i32
      %add3A_272 = vector.broadcast %add3A_271 : i32 to vector<16xi32>
      %add3A_273 = arith.addi %get3A_225, %add3A_272 : vector<16xi32>
      %add3A_274 = arith.constant 14000 : i32
      %add3A_275 = arith.addi %add3A_274, %mul3A_217 : i32
      %swap3A_276 = arith.index_cast %add3A_275 : i32 to index
      %swap3A_277 = tpu.vector_load %arg7[%swap3A_276] {strides = array<i32>} : memref<16000xi32, #tpu.memory_space<vmem>>, vector<16xi32>,
      %swap3A_278 = vector.shape_cast %swap3A_277 : vector<16xi32> to vector<16xi32>
      %swap3A_279 = vector.shape_cast %add3A_273 : vector<16xi32> to vector<16xi32>
      tpu.vector_store %arg7[%swap3A_276], %swap3A_279 {strides = array<i32>} : memref<16000xi32, #tpu.memory_space<vmem>>, vector<16xi32>,
      %scan3A_280 = arith.constant 3 : i32
      %scan3A_281 = arith.addi %scan3A_83, %scan3A_280 : i32
      %mul3A_282 = arith.constant 16 : i32
      %mul3A_283 = arith.muli %scan3A_281, %mul3A_282 : i32
      %get3A_284 = arith.index_cast %mul3A_283 : i32 to index
      %get3A_285 = tpu.vector_load %arg7[%get3A_284] {strides = array<i32>} : memref<16000xi32, #tpu.memory_space<vmem>>, vector<16xi32>,
      %get3A_286 = vector.shape_cast %get3A_285 : vector<16xi32> to vector<16xi32>
      %add3A_287 = arith.constant 8000 : i32
      %add3A_288 = arith.addi %add3A_287, %mul3A_283 : i32
      %get3A_289 = arith.index_cast %add3A_288 : i32 to index
      %get3A_290 = tpu.vector_load %arg7[%get3A_289] {strides = array<i32>} : memref<16000xi32, #tpu.memory_space<vmem>>, vector<16xi32>,
      %get3A_291 = vector.shape_cast %get3A_290 : vector<16xi32> to vector<16xi32>
      %add3A_292 = arith.constant 100000 : i32
      %add3A_293 = vector.broadcast %add3A_292 : i32 to vector<16xi32>
      %add3A_294 = arith.addi %get3A_286, %add3A_293 : vector<16xi32>
      %add3A_295 = arith.constant 2000 : i32
      %add3A_296 = arith.addi %add3A_295, %mul3A_283 : i32
      %swap3A_297 = arith.index_cast %add3A_296 : i32 to index
      %swap3A_298 = tpu.vector_load %arg7[%swap3A_297] {strides = array<i32>} : memref<16000xi32, #tpu.memory_space<vmem>>, vector<16xi32>,
      %swap3A_299 = vector.shape_cast %swap3A_298 : vector<16xi32> to vector<16xi32>
      %swap3A_300 = vector.shape_cast %add3A_294 : vector<16xi32> to vector<16xi32>
      tpu.vector_store %arg7[%swap3A_297], %swap3A_300 {strides = array<i32>} : memref<16000xi32, #tpu.memory_space<vmem>>, vector<16xi32>,
      %add3A_301 = arith.constant 200000 : i32
      %add3A_302 = vector.broadcast %add3A_301 : i32 to vector<16xi32>
      %add3A_303 = arith.addi %get3A_286, %add3A_302 : vector<16xi32>
      %add3A_304 = arith.constant 4000 : i32
      %add3A_305 = arith.addi %add3A_304, %mul3A_283 : i32
      %swap3A_306 = arith.index_cast %add3A_305 : i32 to index
      %swap3A_307 = tpu.vector_load %arg7[%swap3A_306] {strides = array<i32>} : memref<16000xi32, #tpu.memory_space<vmem>>, vector<16xi32>,
      %swap3A_308 = vector.shape_cast %swap3A_307 : vector<16xi32> to vector<16xi32>
      %swap3A_309 = vector.shape_cast %add3A_303 : vector<16xi32> to vector<16xi32>
      tpu.vector_store %arg7[%swap3A_306], %swap3A_309 {strides = array<i32>} : memref<16000xi32, #tpu.memory_space<vmem>>, vector<16xi32>,
      %add3A_310 = arith.constant 300000 : i32
      %add3A_311 = vector.broadcast %add3A_310 : i32 to vector<16xi32>
      %add3A_312 = arith.addi %get3A_286, %add3A_311 : vector<16xi32>
      %add3A_313 = arith.constant 6000 : i32
      %add3A_314 = arith.addi %add3A_313, %mul3A_283 : i32
      %swap3A_315 = arith.index_cast %add3A_314 : i32 to index
      %swap3A_316 = tpu.vector_load %arg7[%swap3A_315] {strides = array<i32>} : memref<16000xi32, #tpu.memory_space<vmem>>, vector<16xi32>,
      %swap3A_317 = vector.shape_cast %swap3A_316 : vector<16xi32> to vector<16xi32>
      %swap3A_318 = vector.shape_cast %add3A_312 : vector<16xi32> to vector<16xi32>
      tpu.vector_store %arg7[%swap3A_315], %swap3A_318 {strides = array<i32>} : memref<16000xi32, #tpu.memory_space<vmem>>, vector<16xi32>,
      %add3A_319 = arith.constant 100000 : i32
      %add3A_320 = vector.broadcast %add3A_319 : i32 to vector<16xi32>
      %add3A_321 = arith.addi %get3A_291, %add3A_320 : vector<16xi32>
      %add3A_322 = arith.constant 10000 : i32
      %add3A_323 = arith.addi %add3A_322, %mul3A_283 : i32
      %swap3A_324 = arith.index_cast %add3A_323 : i32 to index
      %swap3A_325 = tpu.vector_load %arg7[%swap3A_324] {strides = array<i32>} : memref<16000xi32, #tpu.memory_space<vmem>>, vector<16xi32>,
      %swap3A_326 = vector.shape_cast %swap3A_325 : vector<16xi32> to vector<16xi32>
      %swap3A_327 = vector.shape_cast %add3A_321 : vector<16xi32> to vector<16xi32>
      tpu.vector_store %arg7[%swap3A_324], %swap3A_327 {strides = array<i32>} : memref<16000xi32, #tpu.memory_space<vmem>>, vector<16xi32>,
      %add3A_328 = arith.constant 200000 : i32
      %add3A_329 = vector.broadcast %add3A_328 : i32 to vector<16xi32>
      %add3A_330 = arith.addi %get3A_291, %add3A_329 : vector<16xi32>
      %add3A_331 = arith.constant 12000 : i32
      %add3A_332 = arith.addi %add3A_331, %mul3A_283 : i32
      %swap3A_333 = arith.index_cast %add3A_332 : i32 to index
      %swap3A_334 = tpu.vector_load %arg7[%swap3A_333] {strides = array<i32>} : memref<16000xi32, #tpu.memory_space<vmem>>, vector<16xi32>,
      %swap3A_335 = vector.shape_cast %swap3A_334 : vector<16xi32> to vector<16xi32>
      %swap3A_336 = vector.shape_cast %add3A_330 : vector<16xi32> to vector<16xi32>
      tpu.vector_store %arg7[%swap3A_333], %swap3A_336 {strides = array<i32>} : memref<16000xi32, #tpu.memory_space<vmem>>, vector<16xi32>,
      %add3A_337 = arith.constant 300000 : i32
      %add3A_338 = vector.broadcast %add3A_337 : i32 to vector<16xi32>
      %add3A_339 = arith.addi %get3A_291, %add3A_338 : vector<16xi32>
      %add3A_340 = arith.constant 14000 : i32
      %add3A_341 = arith.addi %add3A_340, %mul3A_283 : i32
      %swap3A_342 = arith.index_cast %add3A_341 : i32 to index
      %swap3A_343 = tpu.vector_load %arg7[%swap3A_342] {strides = array<i32>} : memref<16000xi32, #tpu.memory_space<vmem>>, vector<16xi32>,
      %swap3A_344 = vector.shape_cast %swap3A_343 : vector<16xi32> to vector<16xi32>
      %swap3A_345 = vector.shape_cast %add3A_339 : vector<16xi32> to vector<16xi32>
      tpu.vector_store %arg7[%swap3A_342], %swap3A_345 {strides = array<i32>} : memref<16000xi32, #tpu.memory_space<vmem>>, vector<16xi32>,
    }
    %scan3A_11 = arith.constant 124 : i32
    %scan3A_12 = arith.addi %scan3A_7, %scan3A_11 : i32
    %mul3A_13 = arith.constant 16 : i32
    %mul3A_14 = arith.muli %scan3A_12, %mul3A_13 : i32
    %get3A = arith.index_cast %mul3A_14 : i32 to index
    %get3A_15 = tpu.vector_load %arg7[%get3A] {strides = array<i32>} : memref<16000xi32, #tpu.memory_space<vmem>>, vector<16xi32>,
    %get3A_16 = vector.shape_cast %get3A_15 : vector<16xi32> to vector<16xi32>
    %add3A_17 = arith.constant 8000 : i32
    %add3A_18 = arith.addi %add3A_17, %mul3A_14 : i32
    %get3A_19 = arith.index_cast %add3A_18 : i32 to index
    %get3A_20 = tpu.vector_load %arg7[%get3A_19] {strides = array<i32>} : memref<16000xi32, #tpu.memory_space<vmem>>, vector<16xi32>,
    %get3A_21 = vector.shape_cast %get3A_20 : vector<16xi32> to vector<16xi32>
    %add3A_22 = arith.constant 100000 : i32
    %add3A_23 = vector.broadcast %add3A_22 : i32 to vector<16xi32>
    %add3A_24 = arith.addi %get3A_16, %add3A_23 : vector<16xi32>
    %add3A_25 = arith.constant 2000 : i32
    %add3A_26 = arith.addi %add3A_25, %mul3A_14 : i32
    %swap3A = arith.index_cast %add3A_26 : i32 to index
    %swap3A_27 = tpu.vector_load %arg7[%swap3A] {strides = array<i32>} : memref<16000xi32, #tpu.memory_space<vmem>>, vector<16xi32>,
    %swap3A_28 = vector.shape_cast %swap3A_27 : vector<16xi32> to vector<16xi32>
    %swap3A_29 = vector.shape_cast %add3A_24 : vector<16xi32> to vector<16xi32>
    tpu.vector_store %arg7[%swap3A], %swap3A_29 {strides = array<i32>} : memref<16000xi32, #tpu.memory_space<vmem>>, vector<16xi32>,
    %add3A_30 = arith.constant 200000 : i32
    %add3A_31 = vector.broadcast %add3A_30 : i32 to vector<16xi32>
    %add3A_32 = arith.addi %get3A_16, %add3A_31 : vector<16xi32>
    %add3A_33 = arith.constant 4000 : i32
    %add3A_34 = arith.addi %add3A_33, %mul3A_14 : i32
    %swap3A_35 = arith.index_cast %add3A_34 : i32 to index
    %swap3A_36 = tpu.vector_load %arg7[%swap3A_35] {strides = array<i32>} : memref<16000xi32, #tpu.memory_space<vmem>>, vector<16xi32>,
    %swap3A_37 = vector.shape_cast %swap3A_36 : vector<16xi32> to vector<16xi32>
    %swap3A_38 = vector.shape_cast %add3A_32 : vector<16xi32> to vector<16xi32>
    tpu.vector_store %arg7[%swap3A_35], %swap3A_38 {strides = array<i32>} : memref<16000xi32, #tpu.memory_space<vmem>>, vector<16xi32>,
    %add3A_39 = arith.constant 300000 : i32
    %add3A_40 = vector.broadcast %add3A_39 : i32 to vector<16xi32>
    %add3A_41 = arith.addi %get3A_16, %add3A_40 : vector<16xi32>
    %add3A_42 = arith.constant 6000 : i32
    %add3A_43 = arith.addi %add3A_42, %mul3A_14 : i32
    %swap3A_44 = arith.index_cast %add3A_43 : i32 to index
    %swap3A_45 = tpu.vector_load %arg7[%swap3A_44] {strides = array<i32>} : memref<16000xi32, #tpu.memory_space<vmem>>, vector<16xi32>,
    %swap3A_46 = vector.shape_cast %swap3A_45 : vector<16xi32> to vector<16xi32>
    %swap3A_47 = vector.shape_cast %add3A_41 : vector<16xi32> to vector<16xi32>
    tpu.vector_store %arg7[%swap3A_44], %swap3A_47 {strides = array<i32>} : memref<16000xi32, #tpu.memory_space<vmem>>, vector<16xi32>,
    %add3A_48 = arith.constant 100000 : i32
    %add3A_49 = vector.broadcast %add3A_48 : i32 to vector<16xi32>
    %add3A_50 = arith.addi %get3A_21, %add3A_49 : vector<16xi32>
    %add3A_51 = arith.constant 10000 : i32
    %add3A_52 = arith.addi %add3A_51, %mul3A_14 : i32
    %swap3A_53 = arith.index_cast %add3A_52 : i32 to index
    %swap3A_54 = tpu.vector_load %arg7[%swap3A_53] {strides = array<i32>} : memref<16000xi32, #tpu.memory_space<vmem>>, vector<16xi32>,
    %swap3A_55 = vector.shape_cast %swap3A_54 : vector<16xi32> to vector<16xi32>
    %swap3A_56 = vector.shape_cast %add3A_50 : vector<16xi32> to vector<16xi32>
    tpu.vector_store %arg7[%swap3A_53], %swap3A_56 {strides = array<i32>} : memref<16000xi32, #tpu.memory_space<vmem>>, vector<16xi32>,
    %add3A_57 = arith.constant 200000 : i32
    %add3A_58 = vector.broadcast %add3A_57 : i32 to vector<16xi32>
    %add3A_59 = arith.addi %get3A_21, %add3A_58 : vector<16xi32>
    %add3A_60 = arith.constant 12000 : i32
    %add3A_61 = arith.addi %add3A_60, %mul3A_14 : i32
    %swap3A_62 = arith.index_cast %add3A_61 : i32 to index
    %swap3A_63 = tpu.vector_load %arg7[%swap3A_62] {strides = array<i32>} : memref<16000xi32, #tpu.memory_space<vmem>>, vector<16xi32>,
    %swap3A_64 = vector.shape_cast %swap3A_63 : vector<16xi32> to vector<16xi32>
    %swap3A_65 = vector.shape_cast %add3A_59 : vector<16xi32> to vector<16xi32>
    tpu.vector_store %arg7[%swap3A_62], %swap3A_65 {strides = array<i32>} : memref<16000xi32, #tpu.memory_space<vmem>>, vector<16xi32>,
    %add3A_66 = arith.constant 300000 : i32
    %add3A_67 = vector.broadcast %add3A_66 : i32 to vector<16xi32>
    %add3A_68 = arith.addi %get3A_21, %add3A_67 : vector<16xi32>
    %add3A_69 = arith.constant 14000 : i32
    %add3A_70 = arith.addi %add3A_69, %mul3A_14 : i32
    %swap3A_71 = arith.index_cast %add3A_70 : i32 to index
    %swap3A_72 = tpu.vector_load %arg7[%swap3A_71] {strides = array<i32>} : memref<16000xi32, #tpu.memory_space<vmem>>, vector<16xi32>,
    %swap3A_73 = vector.shape_cast %swap3A_72 : vector<16xi32> to vector<16xi32>
    %swap3A_74 = vector.shape_cast %add3A_68 : vector<16xi32> to vector<16xi32>
    tpu.vector_store %arg7[%swap3A_71], %swap3A_74 {strides = array<i32>} : memref<16000xi32, #tpu.memory_space<vmem>>, vector<16xi32>,
    %scan3A_75 = arith.constant 125 : i32
    %dma_start3A = arith.constant 0 : i32
    %dma_start3A_76 = tpu.memref_slice %arg6[%dma_start3A] : memref<400000xf32, #tpu.memory_space<vmem_shared>> -> memref<400000xf32, #tpu.memory_space<vmem_shared>>
    tpu.enqueue_indirect_dma source(%dma_start3A_76 : memref<400000xf32, #tpu.memory_space<vmem_shared>>) target(%arg9 : memref<16000xf32, #tpu.memory_space<vmem>>) offsets(%arg7 : memref<16000xi32, #tpu.memory_space<vmem>>) semaphore(%arg11 : memref<!tpu.dma_semaphore, #tpu.memory_space<semaphore_mem>>)
    %scan3A_77 = arith.constant 0 : i32
    %scan3A_78 = arith.constant 0 : i32
    %scan3A_79 = arith.constant 50 : i32
    %scan3A_80 = arith.addi %scan3A_78, %scan3A_79 : i32
    %scan3A_81 = arith.constant 1 : i32
    scf.for %scan3A_83 = %scan3A_78 to %scan3A_80 step %scan3A_81  : i32 {
      %mul3A_84 = arith.constant 2 : i32
      %mul3A_85 = arith.muli %mul3A_84, %scan3A_83 : i32
      %add3A_86 = arith.constant 1 : i32
      %add3A_87 = arith.addi %mul3A_85, %add3A_86 : i32
      %mul3A_88 = arith.constant 200000 : i32
      %mul3A_89 = arith.muli %add3A, %mul3A_88 : i32
      %mul3A_90 = arith.constant 2000 : i32
      %mul3A_91 = arith.muli %add3A_87, %mul3A_90 : i32
      %add3A_92 = arith.addi %mul3A_89, %mul3A_91 : i32
      "tpu.region"() ({
        %run_scoped3A = tpu.sem_alloc : memref<!tpu.dma_semaphore, #tpu.memory_space<semaphore_mem>>
        %dma_start3A_198 = arith.constant 0 : i32
        %dma_start3A_199 = tpu.memref_slice %arg8[%dma_start3A_198] : memref<16000xi32, #tpu.memory_space<vmem>> -> memref<2000xi32, #tpu.memory_space<vmem>>
        %dma_start3A_200 = tpu.memref_slice %arg3[%add3A_92] : memref<6400000xi32, #tpu.memory_space<hbm>> -> memref<2000xi32, #tpu.memory_space<hbm>>
        %dma_start3A_201 = arith.constant 0 : i32
        %dma_start3A_202 = tpu.memref_slice %arg8[%dma_start3A_201] : memref<16000xi32, #tpu.memory_space<vmem>> -> memref<2000xi32, #tpu.memory_space<vmem>>
        %dma_start3A_203 = tpu.memref_slice %arg3[%add3A_92] : memref<6400000xi32, #tpu.memory_space<hbm>> -> memref<2000xi32, #tpu.memory_space<hbm>>
        tpu.enqueue_dma source(%dma_start3A_203 : memref<2000xi32, #tpu.memory_space<hbm>>) target(%dma_start3A_202 : memref<2000xi32, #tpu.memory_space<vmem>>) target_semaphore(%run_scoped3A : memref<!tpu.dma_semaphore, #tpu.memory_space<semaphore_mem>>)
        %dma_wait3A_204 = arith.constant 0 : i32
        %dma_wait3A_205 = tpu.memref_slice %arg8[%dma_wait3A_204] : memref<16000xi32, #tpu.memory_space<vmem>> -> memref<2000xi32, #tpu.memory_space<vmem>>
        %dma_wait3A_206 = tpu.memref_slice %arg3[%add3A_92] : memref<6400000xi32, #tpu.memory_space<hbm>> -> memref<2000xi32, #tpu.memory_space<hbm>>
        %dma_wait3A_207 = arith.constant 0 : i32
        %dma_wait3A_208 = tpu.memref_slice %arg8[%dma_wait3A_207] : memref<16000xi32, #tpu.memory_space<vmem>> -> memref<2000xi32, #tpu.memory_space<vmem>>
        %dma_wait3A_209 = tpu.memref_slice %arg3[%add3A_92] : memref<6400000xi32, #tpu.memory_space<hbm>> -> memref<2000xi32, #tpu.memory_space<hbm>>
        tpu.wait_dma2 semaphore(%run_scoped3A : memref<!tpu.dma_semaphore, #tpu.memory_space<semaphore_mem>>) src(%dma_wait3A_209 : memref<2000xi32, #tpu.memory_space<hbm>>) dst(%dma_wait3A_208 : memref<2000xi32, #tpu.memory_space<vmem>>)
        tpu.yield
      }) : () -> ()
      "tpu.region"() ({
        %run_scoped3A = tpu.sem_alloc : memref<!tpu.dma_semaphore, #tpu.memory_space<semaphore_mem>>
        %dma_start3A_198 = arith.constant 8000 : i32
        %dma_start3A_199 = tpu.memref_slice %arg8[%dma_start3A_198] : memref<16000xi32, #tpu.memory_space<vmem>> -> memref<2000xi32, #tpu.memory_space<vmem>>
        %dma_start3A_200 = tpu.memref_slice %arg4[%add3A_92] : memref<6400000xi32, #tpu.memory_space<hbm>> -> memref<2000xi32, #tpu.memory_space<hbm>>
        %dma_start3A_201 = arith.constant 8000 : i32
        %dma_start3A_202 = tpu.memref_slice %arg8[%dma_start3A_201] : memref<16000xi32, #tpu.memory_space<vmem>> -> memref<2000xi32, #tpu.memory_space<vmem>>
        %dma_start3A_203 = tpu.memref_slice %arg4[%add3A_92] : memref<6400000xi32, #tpu.memory_space<hbm>> -> memref<2000xi32, #tpu.memory_space<hbm>>
        tpu.enqueue_dma source(%dma_start3A_203 : memref<2000xi32, #tpu.memory_space<hbm>>) target(%dma_start3A_202 : memref<2000xi32, #tpu.memory_space<vmem>>) target_semaphore(%run_scoped3A : memref<!tpu.dma_semaphore, #tpu.memory_space<semaphore_mem>>)
        %dma_wait3A_204 = arith.constant 8000 : i32
        %dma_wait3A_205 = tpu.memref_slice %arg8[%dma_wait3A_204] : memref<16000xi32, #tpu.memory_space<vmem>> -> memref<2000xi32, #tpu.memory_space<vmem>>
        %dma_wait3A_206 = tpu.memref_slice %arg4[%add3A_92] : memref<6400000xi32, #tpu.memory_space<hbm>> -> memref<2000xi32, #tpu.memory_space<hbm>>
        %dma_wait3A_207 = arith.constant 8000 : i32
        %dma_wait3A_208 = tpu.memref_slice %arg8[%dma_wait3A_207] : memref<16000xi32, #tpu.memory_space<vmem>> -> memref<2000xi32, #tpu.memory_space<vmem>>
        %dma_wait3A_209 = tpu.memref_slice %arg4[%add3A_92] : memref<6400000xi32, #tpu.memory_space<hbm>> -> memref<2000xi32, #tpu.memory_space<hbm>>
        tpu.wait_dma2 semaphore(%run_scoped3A : memref<!tpu.dma_semaphore, #tpu.memory_space<semaphore_mem>>) src(%dma_wait3A_209 : memref<2000xi32, #tpu.memory_space<hbm>>) dst(%dma_wait3A_208 : memref<2000xi32, #tpu.memory_space<vmem>>)
        tpu.yield
      }) : () -> ()
      %scan3A_93 = arith.constant 0 : i32
      %scan3A_94 = arith.constant 0 : i32
      %scan3A_95 = arith.constant 124 : i32
      %scan3A_96 = arith.addi %scan3A_94, %scan3A_95 : i32
      %scan3A_97 = arith.constant 4 : i32
      scf.for %scan3A_198 = %scan3A_94 to %scan3A_96 step %scan3A_97  : i32 {
        %mul3A_199 = arith.constant 16 : i32
        %mul3A_200 = arith.muli %scan3A_198, %mul3A_199 : i32
        %get3A_201 = arith.index_cast %mul3A_200 : i32 to index
        %get3A_202 = tpu.vector_load %arg8[%get3A_201] {strides = array<i32>} : memref<16000xi32, #tpu.memory_space<vmem>>, vector<16xi32>,
        %get3A_203 = vector.shape_cast %get3A_202 : vector<16xi32> to vector<16xi32>
        %add3A_204 = arith.constant 8000 : i32
        %add3A_205 = arith.addi %add3A_204, %mul3A_200 : i32
        %get3A_206 = arith.index_cast %add3A_205 : i32 to index
        %get3A_207 = tpu.vector_load %arg8[%get3A_206] {strides = array<i32>} : memref<16000xi32, #tpu.memory_space<vmem>>, vector<16xi32>,
        %get3A_208 = vector.shape_cast %get3A_207 : vector<16xi32> to vector<16xi32>
        %add3A_209 = arith.constant 100000 : i32
        %add3A_210 = vector.broadcast %add3A_209 : i32 to vector<16xi32>
        %add3A_211 = arith.addi %get3A_203, %add3A_210 : vector<16xi32>
        %add3A_212 = arith.constant 2000 : i32
        %add3A_213 = arith.addi %add3A_212, %mul3A_200 : i32
        %swap3A_214 = arith.index_cast %add3A_213 : i32 to index
        %swap3A_215 = tpu.vector_load %arg8[%swap3A_214] {strides = array<i32>} : memref<16000xi32, #tpu.memory_space<vmem>>, vector<16xi32>,
        %swap3A_216 = vector.shape_cast %swap3A_215 : vector<16xi32> to vector<16xi32>
        %swap3A_217 = vector.shape_cast %add3A_211 : vector<16xi32> to vector<16xi32>
        tpu.vector_store %arg8[%swap3A_214], %swap3A_217 {strides = array<i32>} : memref<16000xi32, #tpu.memory_space<vmem>>, vector<16xi32>,
        %add3A_218 = arith.constant 200000 : i32
        %add3A_219 = vector.broadcast %add3A_218 : i32 to vector<16xi32>
        %add3A_220 = arith.addi %get3A_203, %add3A_219 : vector<16xi32>
        %add3A_221 = arith.constant 4000 : i32
        %add3A_222 = arith.addi %add3A_221, %mul3A_200 : i32
        %swap3A_223 = arith.index_cast %add3A_222 : i32 to index
        %swap3A_224 = tpu.vector_load %arg8[%swap3A_223] {strides = array<i32>} : memref<16000xi32, #tpu.memory_space<vmem>>, vector<16xi32>,
        %swap3A_225 = vector.shape_cast %swap3A_224 : vector<16xi32> to vector<16xi32>
        %swap3A_226 = vector.shape_cast %add3A_220 : vector<16xi32> to vector<16xi32>
        tpu.vector_store %arg8[%swap3A_223], %swap3A_226 {strides = array<i32>} : memref<16000xi32, #tpu.memory_space<vmem>>, vector<16xi32>,
        %add3A_227 = arith.constant 300000 : i32
        %add3A_228 = vector.broadcast %add3A_227 : i32 to vector<16xi32>
        %add3A_229 = arith.addi %get3A_203, %add3A_228 : vector<16xi32>
        %add3A_230 = arith.constant 6000 : i32
        %add3A_231 = arith.addi %add3A_230, %mul3A_200 : i32
        %swap3A_232 = arith.index_cast %add3A_231 : i32 to index
        %swap3A_233 = tpu.vector_load %arg8[%swap3A_232] {strides = array<i32>} : memref<16000xi32, #tpu.memory_space<vmem>>, vector<16xi32>,
        %swap3A_234 = vector.shape_cast %swap3A_233 : vector<16xi32> to vector<16xi32>
        %swap3A_235 = vector.shape_cast %add3A_229 : vector<16xi32> to vector<16xi32>
        tpu.vector_store %arg8[%swap3A_232], %swap3A_235 {strides = array<i32>} : memref<16000xi32, #tpu.memory_space<vmem>>, vector<16xi32>,
        %add3A_236 = arith.constant 100000 : i32
        %add3A_237 = vector.broadcast %add3A_236 : i32 to vector<16xi32>
        %add3A_238 = arith.addi %get3A_208, %add3A_237 : vector<16xi32>
        %add3A_239 = arith.constant 10000 : i32
        %add3A_240 = arith.addi %add3A_239, %mul3A_200 : i32
        %swap3A_241 = arith.index_cast %add3A_240 : i32 to index
        %swap3A_242 = tpu.vector_load %arg8[%swap3A_241] {strides = array<i32>} : memref<16000xi32, #tpu.memory_space<vmem>>, vector<16xi32>,
        %swap3A_243 = vector.shape_cast %swap3A_242 : vector<16xi32> to vector<16xi32>
        %swap3A_244 = vector.shape_cast %add3A_238 : vector<16xi32> to vector<16xi32>
        tpu.vector_store %arg8[%swap3A_241], %swap3A_244 {strides = array<i32>} : memref<16000xi32, #tpu.memory_space<vmem>>, vector<16xi32>,
        %add3A_245 = arith.constant 200000 : i32
        %add3A_246 = vector.broadcast %add3A_245 : i32 to vector<16xi32>
        %add3A_247 = arith.addi %get3A_208, %add3A_246 : vector<16xi32>
        %add3A_248 = arith.constant 12000 : i32
        %add3A_249 = arith.addi %add3A_248, %mul3A_200 : i32
        %swap3A_250 = arith.index_cast %add3A_249 : i32 to index
        %swap3A_251 = tpu.vector_load %arg8[%swap3A_250] {strides = array<i32>} : memref<16000xi32, #tpu.memory_space<vmem>>, vector<16xi32>,
        %swap3A_252 = vector.shape_cast %swap3A_251 : vector<16xi32> to vector<16xi32>
        %swap3A_253 = vector.shape_cast %add3A_247 : vector<16xi32> to vector<16xi32>
        tpu.vector_store %arg8[%swap3A_250], %swap3A_253 {strides = array<i32>} : memref<16000xi32, #tpu.memory_space<vmem>>, vector<16xi32>,
        %add3A_254 = arith.constant 300000 : i32
        %add3A_255 = vector.broadcast %add3A_254 : i32 to vector<16xi32>
        %add3A_256 = arith.addi %get3A_208, %add3A_255 : vector<16xi32>
        %add3A_257 = arith.constant 14000 : i32
        %add3A_258 = arith.addi %add3A_257, %mul3A_200 : i32
        %swap3A_259 = arith.index_cast %add3A_258 : i32 to index
        %swap3A_260 = tpu.vector_load %arg8[%swap3A_259] {strides = array<i32>} : memref<16000xi32, #tpu.memory_space<vmem>>, vector<16xi32>,
        %swap3A_261 = vector.shape_cast %swap3A_260 : vector<16xi32> to vector<16xi32>
        %swap3A_262 = vector.shape_cast %add3A_256 : vector<16xi32> to vector<16xi32>
        tpu.vector_store %arg8[%swap3A_259], %swap3A_262 {strides = array<i32>} : memref<16000xi32, #tpu.memory_space<vmem>>, vector<16xi32>,
        %scan3A_263 = arith.constant 1 : i32
        %scan3A_264 = arith.addi %scan3A_198, %scan3A_263 : i32
        %mul3A_265 = arith.constant 16 : i32
        %mul3A_266 = arith.muli %scan3A_264, %mul3A_265 : i32
        %get3A_267 = arith.index_cast %mul3A_266 : i32 to index
        %get3A_268 = tpu.vector_load %arg8[%get3A_267] {strides = array<i32>} : memref<16000xi32, #tpu.memory_space<vmem>>, vector<16xi32>,
        %get3A_269 = vector.shape_cast %get3A_268 : vector<16xi32> to vector<16xi32>
        %add3A_270 = arith.constant 8000 : i32
        %add3A_271 = arith.addi %add3A_270, %mul3A_266 : i32
        %get3A_272 = arith.index_cast %add3A_271 : i32 to index
        %get3A_273 = tpu.vector_load %arg8[%get3A_272] {strides = array<i32>} : memref<16000xi32, #tpu.memory_space<vmem>>, vector<16xi32>,
        %get3A_274 = vector.shape_cast %get3A_273 : vector<16xi32> to vector<16xi32>
        %add3A_275 = arith.constant 100000 : i32
        %add3A_276 = vector.broadcast %add3A_275 : i32 to vector<16xi32>
        %add3A_277 = arith.addi %get3A_269, %add3A_276 : vector<16xi32>
        %add3A_278 = arith.constant 2000 : i32
        %add3A_279 = arith.addi %add3A_278, %mul3A_266 : i32
        %swap3A_280 = arith.index_cast %add3A_279 : i32 to index
        %swap3A_281 = tpu.vector_load %arg8[%swap3A_280] {strides = array<i32>} : memref<16000xi32, #tpu.memory_space<vmem>>, vector<16xi32>,
        %swap3A_282 = vector.shape_cast %swap3A_281 : vector<16xi32> to vector<16xi32>
        %swap3A_283 = vector.shape_cast %add3A_277 : vector<16xi32> to vector<16xi32>
        tpu.vector_store %arg8[%swap3A_280], %swap3A_283 {strides = array<i32>} : memref<16000xi32, #tpu.memory_space<vmem>>, vector<16xi32>,
        %add3A_284 = arith.constant 200000 : i32
        %add3A_285 = vector.broadcast %add3A_284 : i32 to vector<16xi32>
        %add3A_286 = arith.addi %get3A_269, %add3A_285 : vector<16xi32>
        %add3A_287 = arith.constant 4000 : i32
        %add3A_288 = arith.addi %add3A_287, %mul3A_266 : i32
        %swap3A_289 = arith.index_cast %add3A_288 : i32 to index
        %swap3A_290 = tpu.vector_load %arg8[%swap3A_289] {strides = array<i32>} : memref<16000xi32, #tpu.memory_space<vmem>>, vector<16xi32>,
        %swap3A_291 = vector.shape_cast %swap3A_290 : vector<16xi32> to vector<16xi32>
        %swap3A_292 = vector.shape_cast %add3A_286 : vector<16xi32> to vector<16xi32>
        tpu.vector_store %arg8[%swap3A_289], %swap3A_292 {strides = array<i32>} : memref<16000xi32, #tpu.memory_space<vmem>>, vector<16xi32>,
        %add3A_293 = arith.constant 300000 : i32
        %add3A_294 = vector.broadcast %add3A_293 : i32 to vector<16xi32>
        %add3A_295 = arith.addi %get3A_269, %add3A_294 : vector<16xi32>
        %add3A_296 = arith.constant 6000 : i32
        %add3A_297 = arith.addi %add3A_296, %mul3A_266 : i32
        %swap3A_298 = arith.index_cast %add3A_297 : i32 to index
        %swap3A_299 = tpu.vector_load %arg8[%swap3A_298] {strides = array<i32>} : memref<16000xi32, #tpu.memory_space<vmem>>, vector<16xi32>,
        %swap3A_300 = vector.shape_cast %swap3A_299 : vector<16xi32> to vector<16xi32>
        %swap3A_301 = vector.shape_cast %add3A_295 : vector<16xi32> to vector<16xi32>
        tpu.vector_store %arg8[%swap3A_298], %swap3A_301 {strides = array<i32>} : memref<16000xi32, #tpu.memory_space<vmem>>, vector<16xi32>,
        %add3A_302 = arith.constant 100000 : i32
        %add3A_303 = vector.broadcast %add3A_302 : i32 to vector<16xi32>
        %add3A_304 = arith.addi %get3A_274, %add3A_303 : vector<16xi32>
        %add3A_305 = arith.constant 10000 : i32
        %add3A_306 = arith.addi %add3A_305, %mul3A_266 : i32
        %swap3A_307 = arith.index_cast %add3A_306 : i32 to index
        %swap3A_308 = tpu.vector_load %arg8[%swap3A_307] {strides = array<i32>} : memref<16000xi32, #tpu.memory_space<vmem>>, vector<16xi32>,
        %swap3A_309 = vector.shape_cast %swap3A_308 : vector<16xi32> to vector<16xi32>
        %swap3A_310 = vector.shape_cast %add3A_304 : vector<16xi32> to vector<16xi32>
        tpu.vector_store %arg8[%swap3A_307], %swap3A_310 {strides = array<i32>} : memref<16000xi32, #tpu.memory_space<vmem>>, vector<16xi32>,
        %add3A_311 = arith.constant 200000 : i32
        %add3A_312 = vector.broadcast %add3A_311 : i32 to vector<16xi32>
        %add3A_313 = arith.addi %get3A_274, %add3A_312 : vector<16xi32>
        %add3A_314 = arith.constant 12000 : i32
        %add3A_315 = arith.addi %add3A_314, %mul3A_266 : i32
        %swap3A_316 = arith.index_cast %add3A_315 : i32 to index
        %swap3A_317 = tpu.vector_load %arg8[%swap3A_316] {strides = array<i32>} : memref<16000xi32, #tpu.memory_space<vmem>>, vector<16xi32>,
        %swap3A_318 = vector.shape_cast %swap3A_317 : vector<16xi32> to vector<16xi32>
        %swap3A_319 = vector.shape_cast %add3A_313 : vector<16xi32> to vector<16xi32>
        tpu.vector_store %arg8[%swap3A_316], %swap3A_319 {strides = array<i32>} : memref<16000xi32, #tpu.memory_space<vmem>>, vector<16xi32>,
        %add3A_320 = arith.constant 300000 : i32
        %add3A_321 = vector.broadcast %add3A_320 : i32 to vector<16xi32>
        %add3A_322 = arith.addi %get3A_274, %add3A_321 : vector<16xi32>
        %add3A_323 = arith.constant 14000 : i32
        %add3A_324 = arith.addi %add3A_323, %mul3A_266 : i32
        %swap3A_325 = arith.index_cast %add3A_324 : i32 to index
        %swap3A_326 = tpu.vector_load %arg8[%swap3A_325] {strides = array<i32>} : memref<16000xi32, #tpu.memory_space<vmem>>, vector<16xi32>,
        %swap3A_327 = vector.shape_cast %swap3A_326 : vector<16xi32> to vector<16xi32>
        %swap3A_328 = vector.shape_cast %add3A_322 : vector<16xi32> to vector<16xi32>
        tpu.vector_store %arg8[%swap3A_325], %swap3A_328 {strides = array<i32>} : memref<16000xi32, #tpu.memory_space<vmem>>, vector<16xi32>,
        %scan3A_329 = arith.constant 2 : i32
        %scan3A_330 = arith.addi %scan3A_198, %scan3A_329 : i32
        %mul3A_331 = arith.constant 16 : i32
        %mul3A_332 = arith.muli %scan3A_330, %mul3A_331 : i32
        %get3A_333 = arith.index_cast %mul3A_332 : i32 to index
        %get3A_334 = tpu.vector_load %arg8[%get3A_333] {strides = array<i32>} : memref<16000xi32, #tpu.memory_space<vmem>>, vector<16xi32>,
        %get3A_335 = vector.shape_cast %get3A_334 : vector<16xi32> to vector<16xi32>
        %add3A_336 = arith.constant 8000 : i32
        %add3A_337 = arith.addi %add3A_336, %mul3A_332 : i32
        %get3A_338 = arith.index_cast %add3A_337 : i32 to index
        %get3A_339 = tpu.vector_load %arg8[%get3A_338] {strides = array<i32>} : memref<16000xi32, #tpu.memory_space<vmem>>, vector<16xi32>,
        %get3A_340 = vector.shape_cast %get3A_339 : vector<16xi32> to vector<16xi32>
        %add3A_341 = arith.constant 100000 : i32
        %add3A_342 = vector.broadcast %add3A_341 : i32 to vector<16xi32>
        %add3A_343 = arith.addi %get3A_335, %add3A_342 : vector<16xi32>
        %add3A_344 = arith.constant 2000 : i32
        %add3A_345 = arith.addi %add3A_344, %mul3A_332 : i32
        %swap3A_346 = arith.index_cast %add3A_345 : i32 to index
        %swap3A_347 = tpu.vector_load %arg8[%swap3A_346] {strides = array<i32>} : memref<16000xi32, #tpu.memory_space<vmem>>, vector<16xi32>,
        %swap3A_348 = vector.shape_cast %swap3A_347 : vector<16xi32> to vector<16xi32>
        %swap3A_349 = vector.shape_cast %add3A_343 : vector<16xi32> to vector<16xi32>
        tpu.vector_store %arg8[%swap3A_346], %swap3A_349 {strides = array<i32>} : memref<16000xi32, #tpu.memory_space<vmem>>, vector<16xi32>,
        %add3A_350 = arith.constant 200000 : i32
        %add3A_351 = vector.broadcast %add3A_350 : i32 to vector<16xi32>
        %add3A_352 = arith.addi %get3A_335, %add3A_351 : vector<16xi32>
        %add3A_353 = arith.constant 4000 : i32
        %add3A_354 = arith.addi %add3A_353, %mul3A_332 : i32
        %swap3A_355 = arith.index_cast %add3A_354 : i32 to index
        %swap3A_356 = tpu.vector_load %arg8[%swap3A_355] {strides = array<i32>} : memref<16000xi32, #tpu.memory_space<vmem>>, vector<16xi32>,
        %swap3A_357 = vector.shape_cast %swap3A_356 : vector<16xi32> to vector<16xi32>
        %swap3A_358 = vector.shape_cast %add3A_352 : vector<16xi32> to vector<16xi32>
        tpu.vector_store %arg8[%swap3A_355], %swap3A_358 {strides = array<i32>} : memref<16000xi32, #tpu.memory_space<vmem>>, vector<16xi32>,
        %add3A_359 = arith.constant 300000 : i32
        %add3A_360 = vector.broadcast %add3A_359 : i32 to vector<16xi32>
        %add3A_361 = arith.addi %get3A_335, %add3A_360 : vector<16xi32>
        %add3A_362 = arith.constant 6000 : i32
        %add3A_363 = arith.addi %add3A_362, %mul3A_332 : i32
        %swap3A_364 = arith.index_cast %add3A_363 : i32 to index
        %swap3A_365 = tpu.vector_load %arg8[%swap3A_364] {strides = array<i32>} : memref<16000xi32, #tpu.memory_space<vmem>>, vector<16xi32>,
        %swap3A_366 = vector.shape_cast %swap3A_365 : vector<16xi32> to vector<16xi32>
        %swap3A_367 = vector.shape_cast %add3A_361 : vector<16xi32> to vector<16xi32>
        tpu.vector_store %arg8[%swap3A_364], %swap3A_367 {strides = array<i32>} : memref<16000xi32, #tpu.memory_space<vmem>>, vector<16xi32>,
        %add3A_368 = arith.constant 100000 : i32
        %add3A_369 = vector.broadcast %add3A_368 : i32 to vector<16xi32>
        %add3A_370 = arith.addi %get3A_340, %add3A_369 : vector<16xi32>
        %add3A_371 = arith.constant 10000 : i32
        %add3A_372 = arith.addi %add3A_371, %mul3A_332 : i32
        %swap3A_373 = arith.index_cast %add3A_372 : i32 to index
        %swap3A_374 = tpu.vector_load %arg8[%swap3A_373] {strides = array<i32>} : memref<16000xi32, #tpu.memory_space<vmem>>, vector<16xi32>,
        %swap3A_375 = vector.shape_cast %swap3A_374 : vector<16xi32> to vector<16xi32>
        %swap3A_376 = vector.shape_cast %add3A_370 : vector<16xi32> to vector<16xi32>
        tpu.vector_store %arg8[%swap3A_373], %swap3A_376 {strides = array<i32>} : memref<16000xi32, #tpu.memory_space<vmem>>, vector<16xi32>,
        %add3A_377 = arith.constant 200000 : i32
        %add3A_378 = vector.broadcast %add3A_377 : i32 to vector<16xi32>
        %add3A_379 = arith.addi %get3A_340, %add3A_378 : vector<16xi32>
        %add3A_380 = arith.constant 12000 : i32
        %add3A_381 = arith.addi %add3A_380, %mul3A_332 : i32
        %swap3A_382 = arith.index_cast %add3A_381 : i32 to index
        %swap3A_383 = tpu.vector_load %arg8[%swap3A_382] {strides = array<i32>} : memref<16000xi32, #tpu.memory_space<vmem>>, vector<16xi32>,
        %swap3A_384 = vector.shape_cast %swap3A_383 : vector<16xi32> to vector<16xi32>
        %swap3A_385 = vector.shape_cast %add3A_379 : vector<16xi32> to vector<16xi32>
        tpu.vector_store %arg8[%swap3A_382], %swap3A_385 {strides = array<i32>} : memref<16000xi32, #tpu.memory_space<vmem>>, vector<16xi32>,
        %add3A_386 = arith.constant 300000 : i32
        %add3A_387 = vector.broadcast %add3A_386 : i32 to vector<16xi32>
        %add3A_388 = arith.addi %get3A_340, %add3A_387 : vector<16xi32>
        %add3A_389 = arith.constant 14000 : i32
        %add3A_390 = arith.addi %add3A_389, %mul3A_332 : i32
        %swap3A_391 = arith.index_cast %add3A_390 : i32 to index
        %swap3A_392 = tpu.vector_load %arg8[%swap3A_391] {strides = array<i32>} : memref<16000xi32, #tpu.memory_space<vmem>>, vector<16xi32>,
        %swap3A_393 = vector.shape_cast %swap3A_392 : vector<16xi32> to vector<16xi32>
        %swap3A_394 = vector.shape_cast %add3A_388 : vector<16xi32> to vector<16xi32>
        tpu.vector_store %arg8[%swap3A_391], %swap3A_394 {strides = array<i32>} : memref<16000xi32, #tpu.memory_space<vmem>>, vector<16xi32>,
        %scan3A_395 = arith.constant 3 : i32
        %scan3A_396 = arith.addi %scan3A_198, %scan3A_395 : i32
        %mul3A_397 = arith.constant 16 : i32
        %mul3A_398 = arith.muli %scan3A_396, %mul3A_397 : i32
        %get3A_399 = arith.index_cast %mul3A_398 : i32 to index
        %get3A_400 = tpu.vector_load %arg8[%get3A_399] {strides = array<i32>} : memref<16000xi32, #tpu.memory_space<vmem>>, vector<16xi32>,
        %get3A_401 = vector.shape_cast %get3A_400 : vector<16xi32> to vector<16xi32>
        %add3A_402 = arith.constant 8000 : i32
        %add3A_403 = arith.addi %add3A_402, %mul3A_398 : i32
        %get3A_404 = arith.index_cast %add3A_403 : i32 to index
        %get3A_405 = tpu.vector_load %arg8[%get3A_404] {strides = array<i32>} : memref<16000xi32, #tpu.memory_space<vmem>>, vector<16xi32>,
        %get3A_406 = vector.shape_cast %get3A_405 : vector<16xi32> to vector<16xi32>
        %add3A_407 = arith.constant 100000 : i32
        %add3A_408 = vector.broadcast %add3A_407 : i32 to vector<16xi32>
        %add3A_409 = arith.addi %get3A_401, %add3A_408 : vector<16xi32>
        %add3A_410 = arith.constant 2000 : i32
        %add3A_411 = arith.addi %add3A_410, %mul3A_398 : i32
        %swap3A_412 = arith.index_cast %add3A_411 : i32 to index
        %swap3A_413 = tpu.vector_load %arg8[%swap3A_412] {strides = array<i32>} : memref<16000xi32, #tpu.memory_space<vmem>>, vector<16xi32>,
        %swap3A_414 = vector.shape_cast %swap3A_413 : vector<16xi32> to vector<16xi32>
        %swap3A_415 = vector.shape_cast %add3A_409 : vector<16xi32> to vector<16xi32>
        tpu.vector_store %arg8[%swap3A_412], %swap3A_415 {strides = array<i32>} : memref<16000xi32, #tpu.memory_space<vmem>>, vector<16xi32>,
        %add3A_416 = arith.constant 200000 : i32
        %add3A_417 = vector.broadcast %add3A_416 : i32 to vector<16xi32>
        %add3A_418 = arith.addi %get3A_401, %add3A_417 : vector<16xi32>
        %add3A_419 = arith.constant 4000 : i32
        %add3A_420 = arith.addi %add3A_419, %mul3A_398 : i32
        %swap3A_421 = arith.index_cast %add3A_420 : i32 to index
        %swap3A_422 = tpu.vector_load %arg8[%swap3A_421] {strides = array<i32>} : memref<16000xi32, #tpu.memory_space<vmem>>, vector<16xi32>,
        %swap3A_423 = vector.shape_cast %swap3A_422 : vector<16xi32> to vector<16xi32>
        %swap3A_424 = vector.shape_cast %add3A_418 : vector<16xi32> to vector<16xi32>
        tpu.vector_store %arg8[%swap3A_421], %swap3A_424 {strides = array<i32>} : memref<16000xi32, #tpu.memory_space<vmem>>, vector<16xi32>,
        %add3A_425 = arith.constant 300000 : i32
        %add3A_426 = vector.broadcast %add3A_425 : i32 to vector<16xi32>
        %add3A_427 = arith.addi %get3A_401, %add3A_426 : vector<16xi32>
        %add3A_428 = arith.constant 6000 : i32
        %add3A_429 = arith.addi %add3A_428, %mul3A_398 : i32
        %swap3A_430 = arith.index_cast %add3A_429 : i32 to index
        %swap3A_431 = tpu.vector_load %arg8[%swap3A_430] {strides = array<i32>} : memref<16000xi32, #tpu.memory_space<vmem>>, vector<16xi32>,
        %swap3A_432 = vector.shape_cast %swap3A_431 : vector<16xi32> to vector<16xi32>
        %swap3A_433 = vector.shape_cast %add3A_427 : vector<16xi32> to vector<16xi32>
        tpu.vector_store %arg8[%swap3A_430], %swap3A_433 {strides = array<i32>} : memref<16000xi32, #tpu.memory_space<vmem>>, vector<16xi32>,
        %add3A_434 = arith.constant 100000 : i32
        %add3A_435 = vector.broadcast %add3A_434 : i32 to vector<16xi32>
        %add3A_436 = arith.addi %get3A_406, %add3A_435 : vector<16xi32>
        %add3A_437 = arith.constant 10000 : i32
        %add3A_438 = arith.addi %add3A_437, %mul3A_398 : i32
        %swap3A_439 = arith.index_cast %add3A_438 : i32 to index
        %swap3A_440 = tpu.vector_load %arg8[%swap3A_439] {strides = array<i32>} : memref<16000xi32, #tpu.memory_space<vmem>>, vector<16xi32>,
        %swap3A_441 = vector.shape_cast %swap3A_440 : vector<16xi32> to vector<16xi32>
        %swap3A_442 = vector.shape_cast %add3A_436 : vector<16xi32> to vector<16xi32>
        tpu.vector_store %arg8[%swap3A_439], %swap3A_442 {strides = array<i32>} : memref<16000xi32, #tpu.memory_space<vmem>>, vector<16xi32>,
        %add3A_443 = arith.constant 200000 : i32
        %add3A_444 = vector.broadcast %add3A_443 : i32 to vector<16xi32>
        %add3A_445 = arith.addi %get3A_406, %add3A_444 : vector<16xi32>
        %add3A_446 = arith.constant 12000 : i32
        %add3A_447 = arith.addi %add3A_446, %mul3A_398 : i32
        %swap3A_448 = arith.index_cast %add3A_447 : i32 to index
        %swap3A_449 = tpu.vector_load %arg8[%swap3A_448] {strides = array<i32>} : memref<16000xi32, #tpu.memory_space<vmem>>, vector<16xi32>,
        %swap3A_450 = vector.shape_cast %swap3A_449 : vector<16xi32> to vector<16xi32>
        %swap3A_451 = vector.shape_cast %add3A_445 : vector<16xi32> to vector<16xi32>
        tpu.vector_store %arg8[%swap3A_448], %swap3A_451 {strides = array<i32>} : memref<16000xi32, #tpu.memory_space<vmem>>, vector<16xi32>,
        %add3A_452 = arith.constant 300000 : i32
        %add3A_453 = vector.broadcast %add3A_452 : i32 to vector<16xi32>
        %add3A_454 = arith.addi %get3A_406, %add3A_453 : vector<16xi32>
        %add3A_455 = arith.constant 14000 : i32
        %add3A_456 = arith.addi %add3A_455, %mul3A_398 : i32
        %swap3A_457 = arith.index_cast %add3A_456 : i32 to index
        %swap3A_458 = tpu.vector_load %arg8[%swap3A_457] {strides = array<i32>} : memref<16000xi32, #tpu.memory_space<vmem>>, vector<16xi32>,
        %swap3A_459 = vector.shape_cast %swap3A_458 : vector<16xi32> to vector<16xi32>
        %swap3A_460 = vector.shape_cast %add3A_454 : vector<16xi32> to vector<16xi32>
        tpu.vector_store %arg8[%swap3A_457], %swap3A_460 {strides = array<i32>} : memref<16000xi32, #tpu.memory_space<vmem>>, vector<16xi32>,
      }
      %scan3A_98 = arith.constant 124 : i32
      %scan3A_99 = arith.addi %scan3A_94, %scan3A_98 : i32
      %mul3A_100 = arith.constant 16 : i32
      %mul3A_101 = arith.muli %scan3A_99, %mul3A_100 : i32
      %get3A_102 = arith.index_cast %mul3A_101 : i32 to index
      %get3A_103 = tpu.vector_load %arg8[%get3A_102] {strides = array<i32>} : memref<16000xi32, #tpu.memory_space<vmem>>, vector<16xi32>,
      %get3A_104 = vector.shape_cast %get3A_103 : vector<16xi32> to vector<16xi32>
      %add3A_105 = arith.constant 8000 : i32
      %add3A_106 = arith.addi %add3A_105, %mul3A_101 : i32
      %get3A_107 = arith.index_cast %add3A_106 : i32 to index
      %get3A_108 = tpu.vector_load %arg8[%get3A_107] {strides = array<i32>} : memref<16000xi32, #tpu.memory_space<vmem>>, vector<16xi32>,
      %get3A_109 = vector.shape_cast %get3A_108 : vector<16xi32> to vector<16xi32>
      %add3A_110 = arith.constant 100000 : i32
      %add3A_111 = vector.broadcast %add3A_110 : i32 to vector<16xi32>
      %add3A_112 = arith.addi %get3A_104, %add3A_111 : vector<16xi32>
      %add3A_113 = arith.constant 2000 : i32
      %add3A_114 = arith.addi %add3A_113, %mul3A_101 : i32
      %swap3A_115 = arith.index_cast %add3A_114 : i32 to index
      %swap3A_116 = tpu.vector_load %arg8[%swap3A_115] {strides = array<i32>} : memref<16000xi32, #tpu.memory_space<vmem>>, vector<16xi32>,
      %swap3A_117 = vector.shape_cast %swap3A_116 : vector<16xi32> to vector<16xi32>
      %swap3A_118 = vector.shape_cast %add3A_112 : vector<16xi32> to vector<16xi32>
      tpu.vector_store %arg8[%swap3A_115], %swap3A_118 {strides = array<i32>} : memref<16000xi32, #tpu.memory_space<vmem>>, vector<16xi32>,
      %add3A_119 = arith.constant 200000 : i32
      %add3A_120 = vector.broadcast %add3A_119 : i32 to vector<16xi32>
      %add3A_121 = arith.addi %get3A_104, %add3A_120 : vector<16xi32>
      %add3A_122 = arith.constant 4000 : i32
      %add3A_123 = arith.addi %add3A_122, %mul3A_101 : i32
      %swap3A_124 = arith.index_cast %add3A_123 : i32 to index
      %swap3A_125 = tpu.vector_load %arg8[%swap3A_124] {strides = array<i32>} : memref<16000xi32, #tpu.memory_space<vmem>>, vector<16xi32>,
      %swap3A_126 = vector.shape_cast %swap3A_125 : vector<16xi32> to vector<16xi32>
      %swap3A_127 = vector.shape_cast %add3A_121 : vector<16xi32> to vector<16xi32>
      tpu.vector_store %arg8[%swap3A_124], %swap3A_127 {strides = array<i32>} : memref<16000xi32, #tpu.memory_space<vmem>>, vector<16xi32>,
      %add3A_128 = arith.constant 300000 : i32
      %add3A_129 = vector.broadcast %add3A_128 : i32 to vector<16xi32>
      %add3A_130 = arith.addi %get3A_104, %add3A_129 : vector<16xi32>
      %add3A_131 = arith.constant 6000 : i32
      %add3A_132 = arith.addi %add3A_131, %mul3A_101 : i32
      %swap3A_133 = arith.index_cast %add3A_132 : i32 to index
      %swap3A_134 = tpu.vector_load %arg8[%swap3A_133] {strides = array<i32>} : memref<16000xi32, #tpu.memory_space<vmem>>, vector<16xi32>,
      %swap3A_135 = vector.shape_cast %swap3A_134 : vector<16xi32> to vector<16xi32>
      %swap3A_136 = vector.shape_cast %add3A_130 : vector<16xi32> to vector<16xi32>
      tpu.vector_store %arg8[%swap3A_133], %swap3A_136 {strides = array<i32>} : memref<16000xi32, #tpu.memory_space<vmem>>, vector<16xi32>,
      %add3A_137 = arith.constant 100000 : i32
      %add3A_138 = vector.broadcast %add3A_137 : i32 to vector<16xi32>
      %add3A_139 = arith.addi %get3A_109, %add3A_138 : vector<16xi32>
      %add3A_140 = arith.constant 10000 : i32
      %add3A_141 = arith.addi %add3A_140, %mul3A_101 : i32
      %swap3A_142 = arith.index_cast %add3A_141 : i32 to index
      %swap3A_143 = tpu.vector_load %arg8[%swap3A_142] {strides = array<i32>} : memref<16000xi32, #tpu.memory_space<vmem>>, vector<16xi32>,
      %swap3A_144 = vector.shape_cast %swap3A_143 : vector<16xi32> to vector<16xi32>
      %swap3A_145 = vector.shape_cast %add3A_139 : vector<16xi32> to vector<16xi32>
      tpu.vector_store %arg8[%swap3A_142], %swap3A_145 {strides = array<i32>} : memref<16000xi32, #tpu.memory_space<vmem>>, vector<16xi32>,
      %add3A_146 = arith.constant 200000 : i32
      %add3A_147 = vector.broadcast %add3A_146 : i32 to vector<16xi32>
      %add3A_148 = arith.addi %get3A_109, %add3A_147 : vector<16xi32>
      %add3A_149 = arith.constant 12000 : i32
      %add3A_150 = arith.addi %add3A_149, %mul3A_101 : i32
      %swap3A_151 = arith.index_cast %add3A_150 : i32 to index
      %swap3A_152 = tpu.vector_load %arg8[%swap3A_151] {strides = array<i32>} : memref<16000xi32, #tpu.memory_space<vmem>>, vector<16xi32>,
      %swap3A_153 = vector.shape_cast %swap3A_152 : vector<16xi32> to vector<16xi32>
      %swap3A_154 = vector.shape_cast %add3A_148 : vector<16xi32> to vector<16xi32>
      tpu.vector_store %arg8[%swap3A_151], %swap3A_154 {strides = array<i32>} : memref<16000xi32, #tpu.memory_space<vmem>>, vector<16xi32>,
      %add3A_155 = arith.constant 300000 : i32
      %add3A_156 = vector.broadcast %add3A_155 : i32 to vector<16xi32>
      %add3A_157 = arith.addi %get3A_109, %add3A_156 : vector<16xi32>
      %add3A_158 = arith.constant 14000 : i32
      %add3A_159 = arith.addi %add3A_158, %mul3A_101 : i32
      %swap3A_160 = arith.index_cast %add3A_159 : i32 to index
      %swap3A_161 = tpu.vector_load %arg8[%swap3A_160] {strides = array<i32>} : memref<16000xi32, #tpu.memory_space<vmem>>, vector<16xi32>,
      %swap3A_162 = vector.shape_cast %swap3A_161 : vector<16xi32> to vector<16xi32>
      %swap3A_163 = vector.shape_cast %add3A_157 : vector<16xi32> to vector<16xi32>
      tpu.vector_store %arg8[%swap3A_160], %swap3A_163 {strides = array<i32>} : memref<16000xi32, #tpu.memory_space<vmem>>, vector<16xi32>,
      %scan3A_164 = arith.constant 125 : i32
      %dma_start3A_165 = arith.constant 0 : i32
      %dma_start3A_166 = tpu.memref_slice %arg6[%dma_start3A_165] : memref<400000xf32, #tpu.memory_space<vmem_shared>> -> memref<400000xf32, #tpu.memory_space<vmem_shared>>
      tpu.enqueue_indirect_dma source(%dma_start3A_166 : memref<400000xf32, #tpu.memory_space<vmem_shared>>) target(%arg10 : memref<16000xf32, #tpu.memory_space<vmem>>) offsets(%arg8 : memref<16000xi32, #tpu.memory_space<vmem>>) semaphore(%arg12 : memref<!tpu.dma_semaphore, #tpu.memory_space<semaphore_mem>>)
      %dma_wait3A = arith.constant 0 : i32
      %dma_wait3A_167 = tpu.memref_slice %arg6[%dma_wait3A] : memref<400000xf32, #tpu.memory_space<vmem_shared>> -> memref<400000xf32, #tpu.memory_space<vmem_shared>>
      tpu.wait_indirect_dma semaphore(%arg11 : memref<!tpu.dma_semaphore, #tpu.memory_space<semaphore_mem>>) src(%dma_wait3A_167 : memref<400000xf32, #tpu.memory_space<vmem_shared>>) dst(%arg9 : memref<16000xf32, #tpu.memory_space<vmem>>)
      %scan3A_168 = arith.constant 0 : i32
      %scan3A_169 = arith.constant 0 : i32
      %scan3A_170 = arith.constant 125 : i32
      %scan3A_171 = arith.addi %scan3A_169, %scan3A_170 : i32
      %scan3A_172 = arith.constant 5 : i32
      scf.for %scan3A_198 = %scan3A_169 to %scan3A_171 step %scan3A_172  : i32 {
        %mul3A_199 = arith.constant 16 : i32
        %mul3A_200 = arith.muli %scan3A_198, %mul3A_199 : i32
        %get3A_201 = arith.index_cast %mul3A_200 : i32 to index
        %get3A_202 = tpu.vector_load %arg9[%get3A_201] {strides = array<i32>} : memref<16000xf32, #tpu.memory_space<vmem>>, vector<16xf32>,
        %get3A_203 = vector.shape_cast %get3A_202 : vector<16xf32> to vector<16xf32>
        %add3A_204 = arith.constant 2000 : i32
        %add3A_205 = arith.addi %add3A_204, %mul3A_200 : i32
        %get3A_206 = arith.index_cast %add3A_205 : i32 to index
        %get3A_207 = tpu.vector_load %arg9[%get3A_206] {strides = array<i32>} : memref<16000xf32, #tpu.memory_space<vmem>>, vector<16xf32>,
        %get3A_208 = vector.shape_cast %get3A_207 : vector<16xf32> to vector<16xf32>
        %add3A_209 = arith.constant 4000 : i32
        %add3A_210 = arith.addi %add3A_209, %mul3A_200 : i32
        %get3A_211 = arith.index_cast %add3A_210 : i32 to index
        %get3A_212 = tpu.vector_load %arg9[%get3A_211] {strides = array<i32>} : memref<16000xf32, #tpu.memory_space<vmem>>, vector<16xf32>,
        %get3A_213 = vector.shape_cast %get3A_212 : vector<16xf32> to vector<16xf32>
        %add3A_214 = arith.constant 6000 : i32
        %add3A_215 = arith.addi %add3A_214, %mul3A_200 : i32
        %get3A_216 = arith.index_cast %add3A_215 : i32 to index
        %get3A_217 = tpu.vector_load %arg9[%get3A_216] {strides = array<i32>} : memref<16000xf32, #tpu.memory_space<vmem>>, vector<16xf32>,
        %get3A_218 = vector.shape_cast %get3A_217 : vector<16xf32> to vector<16xf32>
        %add3A_219 = arith.constant 8000 : i32
        %add3A_220 = arith.addi %add3A_219, %mul3A_200 : i32
        %get3A_221 = arith.index_cast %add3A_220 : i32 to index
        %get3A_222 = tpu.vector_load %arg9[%get3A_221] {strides = array<i32>} : memref<16000xf32, #tpu.memory_space<vmem>>, vector<16xf32>,
        %get3A_223 = vector.shape_cast %get3A_222 : vector<16xf32> to vector<16xf32>
        %add3A_224 = arith.constant 10000 : i32
        %add3A_225 = arith.addi %add3A_224, %mul3A_200 : i32
        %get3A_226 = arith.index_cast %add3A_225 : i32 to index
        %get3A_227 = tpu.vector_load %arg9[%get3A_226] {strides = array<i32>} : memref<16000xf32, #tpu.memory_space<vmem>>, vector<16xf32>,
        %get3A_228 = vector.shape_cast %get3A_227 : vector<16xf32> to vector<16xf32>
        %add3A_229 = arith.constant 12000 : i32
        %add3A_230 = arith.addi %add3A_229, %mul3A_200 : i32
        %get3A_231 = arith.index_cast %add3A_230 : i32 to index
        %get3A_232 = tpu.vector_load %arg9[%get3A_231] {strides = array<i32>} : memref<16000xf32, #tpu.memory_space<vmem>>, vector<16xf32>,
        %get3A_233 = vector.shape_cast %get3A_232 : vector<16xf32> to vector<16xf32>
        %add3A_234 = arith.constant 14000 : i32
        %add3A_235 = arith.addi %add3A_234, %mul3A_200 : i32
        %get3A_236 = arith.index_cast %add3A_235 : i32 to index
        %get3A_237 = tpu.vector_load %arg9[%get3A_236] {strides = array<i32>} : memref<16000xf32, #tpu.memory_space<vmem>>, vector<16xf32>,
        %get3A_238 = vector.shape_cast %get3A_237 : vector<16xf32> to vector<16xf32>
        %sub3A = arith.subf %get3A_213, %get3A_233 : vector<16xf32>
        %sub3A_239 = arith.subf %get3A_203, %get3A_223 : vector<16xf32>
        %sub3A_240 = arith.subf %get3A_208, %get3A_228 : vector<16xf32>
        %sub3A_241 = arith.subf %get3A_218, %get3A_238 : vector<16xf32>
        %mul3A_242 = arith.mulf %sub3A_241, %sub3A_241 : vector<16xf32>
        %mul3A_243 = arith.mulf %sub3A_240, %sub3A_240 : vector<16xf32>
        %add3A_244 = arith.addf %mul3A_242, %mul3A_243 : vector<16xf32>
        %mul3A_245 = arith.mulf %get3A_203, %sub3A : vector<16xf32>
        %div3A = arith.divf %mul3A_245, %sub3A_239 : vector<16xf32>
        %sub3A_246 = arith.subf %get3A_213, %div3A : vector<16xf32>
        %mul3A_247 = arith.mulf %sub3A_240, %sub3A_240 : vector<16xf32>
        %mul3A_248 = arith.constant 3.600000e-05 : f32
        %mul3A_249 = vector.broadcast %mul3A_248 : f32 to vector<16xf32>
        %mul3A_250 = arith.mulf %mul3A_249, %add3A_244 : vector<16xf32>
        %lt3A_251 = arith.cmpf olt, %mul3A_247, %mul3A_250 : vector<16xf32>
        %abs3A = math.absf %sub3A_246 : vector<16xf32>
        %lt3A_252 = arith.constant 1.500000e+02 : f32
        %lt3A_253 = vector.broadcast %lt3A_252 : f32 to vector<16xf32>
        %lt3A_254 = arith.cmpf olt, %abs3A, %lt3A_253 : vector<16xf32>
        %and3A = arith.andi %lt3A_251, %lt3A_254 : vector<16xi1>
        %lt3A_255 = arith.constant 2.890000e+00 : f32
        %lt3A_256 = vector.broadcast %lt3A_255 : f32 to vector<16xf32>
        %lt3A_257 = arith.cmpf olt, %add3A_244, %lt3A_256 : vector<16xf32>
        %and3A_258 = arith.andi %and3A, %lt3A_257 : vector<16xi1>
        %jit3A = arith.constant 1 : i32
        %jit3A_259 = arith.constant 0 : i32
        %broadcast_in_dim3A = vector.broadcast %jit3A : i32 to vector<16xi32>
        %broadcast_in_dim3A_260 = vector.broadcast %jit3A_259 : i32 to vector<16xi32>
        %select_n3A = arith.select %and3A_258, %broadcast_in_dim3A, %broadcast_in_dim3A_260 : vector<16xi1>, vector<16xi32>
        %swap3A_261 = arith.index_cast %mul3A_200 : i32 to index
        %swap3A_262 = tpu.vector_load %arg7[%swap3A_261] {strides = array<i32>} : memref<16000xi32, #tpu.memory_space<vmem>>, vector<16xi32>,
        %swap3A_263 = vector.shape_cast %swap3A_262 : vector<16xi32> to vector<16xi32>
        %swap3A_264 = vector.shape_cast %select_n3A : vector<16xi32> to vector<16xi32>
        tpu.vector_store %arg7[%swap3A_261], %swap3A_264 {strides = array<i32>} : memref<16000xi32, #tpu.memory_space<vmem>>, vector<16xi32>,
        %scan3A_265 = arith.constant 1 : i32
        %scan3A_266 = arith.addi %scan3A_198, %scan3A_265 : i32
        %mul3A_267 = arith.constant 16 : i32
        %mul3A_268 = arith.muli %scan3A_266, %mul3A_267 : i32
        %get3A_269 = arith.index_cast %mul3A_268 : i32 to index
        %get3A_270 = tpu.vector_load %arg9[%get3A_269] {strides = array<i32>} : memref<16000xf32, #tpu.memory_space<vmem>>, vector<16xf32>,
        %get3A_271 = vector.shape_cast %get3A_270 : vector<16xf32> to vector<16xf32>
        %add3A_272 = arith.constant 2000 : i32
        %add3A_273 = arith.addi %add3A_272, %mul3A_268 : i32
        %get3A_274 = arith.index_cast %add3A_273 : i32 to index
        %get3A_275 = tpu.vector_load %arg9[%get3A_274] {strides = array<i32>} : memref<16000xf32, #tpu.memory_space<vmem>>, vector<16xf32>,
        %get3A_276 = vector.shape_cast %get3A_275 : vector<16xf32> to vector<16xf32>
        %add3A_277 = arith.constant 4000 : i32
        %add3A_278 = arith.addi %add3A_277, %mul3A_268 : i32
        %get3A_279 = arith.index_cast %add3A_278 : i32 to index
        %get3A_280 = tpu.vector_load %arg9[%get3A_279] {strides = array<i32>} : memref<16000xf32, #tpu.memory_space<vmem>>, vector<16xf32>,
        %get3A_281 = vector.shape_cast %get3A_280 : vector<16xf32> to vector<16xf32>
        %add3A_282 = arith.constant 6000 : i32
        %add3A_283 = arith.addi %add3A_282, %mul3A_268 : i32
        %get3A_284 = arith.index_cast %add3A_283 : i32 to index
        %get3A_285 = tpu.vector_load %arg9[%get3A_284] {strides = array<i32>} : memref<16000xf32, #tpu.memory_space<vmem>>, vector<16xf32>,
        %get3A_286 = vector.shape_cast %get3A_285 : vector<16xf32> to vector<16xf32>
        %add3A_287 = arith.constant 8000 : i32
        %add3A_288 = arith.addi %add3A_287, %mul3A_268 : i32
        %get3A_289 = arith.index_cast %add3A_288 : i32 to index
        %get3A_290 = tpu.vector_load %arg9[%get3A_289] {strides = array<i32>} : memref<16000xf32, #tpu.memory_space<vmem>>, vector<16xf32>,
        %get3A_291 = vector.shape_cast %get3A_290 : vector<16xf32> to vector<16xf32>
        %add3A_292 = arith.constant 10000 : i32
        %add3A_293 = arith.addi %add3A_292, %mul3A_268 : i32
        %get3A_294 = arith.index_cast %add3A_293 : i32 to index
        %get3A_295 = tpu.vector_load %arg9[%get3A_294] {strides = array<i32>} : memref<16000xf32, #tpu.memory_space<vmem>>, vector<16xf32>,
        %get3A_296 = vector.shape_cast %get3A_295 : vector<16xf32> to vector<16xf32>
        %add3A_297 = arith.constant 12000 : i32
        %add3A_298 = arith.addi %add3A_297, %mul3A_268 : i32
        %get3A_299 = arith.index_cast %add3A_298 : i32 to index
        %get3A_300 = tpu.vector_load %arg9[%get3A_299] {strides = array<i32>} : memref<16000xf32, #tpu.memory_space<vmem>>, vector<16xf32>,
        %get3A_301 = vector.shape_cast %get3A_300 : vector<16xf32> to vector<16xf32>
        %add3A_302 = arith.constant 14000 : i32
        %add3A_303 = arith.addi %add3A_302, %mul3A_268 : i32
        %get3A_304 = arith.index_cast %add3A_303 : i32 to index
        %get3A_305 = tpu.vector_load %arg9[%get3A_304] {strides = array<i32>} : memref<16000xf32, #tpu.memory_space<vmem>>, vector<16xf32>,
        %get3A_306 = vector.shape_cast %get3A_305 : vector<16xf32> to vector<16xf32>
        %sub3A_307 = arith.subf %get3A_281, %get3A_301 : vector<16xf32>
        %sub3A_308 = arith.subf %get3A_271, %get3A_291 : vector<16xf32>
        %sub3A_309 = arith.subf %get3A_276, %get3A_296 : vector<16xf32>
        %sub3A_310 = arith.subf %get3A_286, %get3A_306 : vector<16xf32>
        %mul3A_311 = arith.mulf %sub3A_310, %sub3A_310 : vector<16xf32>
        %mul3A_312 = arith.mulf %sub3A_309, %sub3A_309 : vector<16xf32>
        %add3A_313 = arith.addf %mul3A_311, %mul3A_312 : vector<16xf32>
        %mul3A_314 = arith.mulf %get3A_271, %sub3A_307 : vector<16xf32>
        %div3A_315 = arith.divf %mul3A_314, %sub3A_308 : vector<16xf32>
        %sub3A_316 = arith.subf %get3A_281, %div3A_315 : vector<16xf32>
        %mul3A_317 = arith.mulf %sub3A_309, %sub3A_309 : vector<16xf32>
        %mul3A_318 = arith.constant 3.600000e-05 : f32
        %mul3A_319 = vector.broadcast %mul3A_318 : f32 to vector<16xf32>
        %mul3A_320 = arith.mulf %mul3A_319, %add3A_313 : vector<16xf32>
        %lt3A_321 = arith.cmpf olt, %mul3A_317, %mul3A_320 : vector<16xf32>
        %abs3A_322 = math.absf %sub3A_316 : vector<16xf32>
        %lt3A_323 = arith.constant 1.500000e+02 : f32
        %lt3A_324 = vector.broadcast %lt3A_323 : f32 to vector<16xf32>
        %lt3A_325 = arith.cmpf olt, %abs3A_322, %lt3A_324 : vector<16xf32>
        %and3A_326 = arith.andi %lt3A_321, %lt3A_325 : vector<16xi1>
        %lt3A_327 = arith.constant 2.890000e+00 : f32
        %lt3A_328 = vector.broadcast %lt3A_327 : f32 to vector<16xf32>
        %lt3A_329 = arith.cmpf olt, %add3A_313, %lt3A_328 : vector<16xf32>
        %and3A_330 = arith.andi %and3A_326, %lt3A_329 : vector<16xi1>
        %jit3A_331 = arith.constant 1 : i32
        %jit3A_332 = arith.constant 0 : i32
        %broadcast_in_dim3A_333 = vector.broadcast %jit3A_331 : i32 to vector<16xi32>
        %broadcast_in_dim3A_334 = vector.broadcast %jit3A_332 : i32 to vector<16xi32>
        %select_n3A_335 = arith.select %and3A_330, %broadcast_in_dim3A_333, %broadcast_in_dim3A_334 : vector<16xi1>, vector<16xi32>
        %swap3A_336 = arith.index_cast %mul3A_268 : i32 to index
        %swap3A_337 = tpu.vector_load %arg7[%swap3A_336] {strides = array<i32>} : memref<16000xi32, #tpu.memory_space<vmem>>, vector<16xi32>,
        %swap3A_338 = vector.shape_cast %swap3A_337 : vector<16xi32> to vector<16xi32>
        %swap3A_339 = vector.shape_cast %select_n3A_335 : vector<16xi32> to vector<16xi32>
        tpu.vector_store %arg7[%swap3A_336], %swap3A_339 {strides = array<i32>} : memref<16000xi32, #tpu.memory_space<vmem>>, vector<16xi32>,
        %scan3A_340 = arith.constant 2 : i32
        %scan3A_341 = arith.addi %scan3A_198, %scan3A_340 : i32
        %mul3A_342 = arith.constant 16 : i32
        %mul3A_343 = arith.muli %scan3A_341, %mul3A_342 : i32
        %get3A_344 = arith.index_cast %mul3A_343 : i32 to index
        %get3A_345 = tpu.vector_load %arg9[%get3A_344] {strides = array<i32>} : memref<16000xf32, #tpu.memory_space<vmem>>, vector<16xf32>,
        %get3A_346 = vector.shape_cast %get3A_345 : vector<16xf32> to vector<16xf32>
        %add3A_347 = arith.constant 2000 : i32
        %add3A_348 = arith.addi %add3A_347, %mul3A_343 : i32
        %get3A_349 = arith.index_cast %add3A_348 : i32 to index
        %get3A_350 = tpu.vector_load %arg9[%get3A_349] {strides = array<i32>} : memref<16000xf32, #tpu.memory_space<vmem>>, vector<16xf32>,
        %get3A_351 = vector.shape_cast %get3A_350 : vector<16xf32> to vector<16xf32>
        %add3A_352 = arith.constant 4000 : i32
        %add3A_353 = arith.addi %add3A_352, %mul3A_343 : i32
        %get3A_354 = arith.index_cast %add3A_353 : i32 to index
        %get3A_355 = tpu.vector_load %arg9[%get3A_354] {strides = array<i32>} : memref<16000xf32, #tpu.memory_space<vmem>>, vector<16xf32>,
        %get3A_356 = vector.shape_cast %get3A_355 : vector<16xf32> to vector<16xf32>
        %add3A_357 = arith.constant 6000 : i32
        %add3A_358 = arith.addi %add3A_357, %mul3A_343 : i32
        %get3A_359 = arith.index_cast %add3A_358 : i32 to index
        %get3A_360 = tpu.vector_load %arg9[%get3A_359] {strides = array<i32>} : memref<16000xf32, #tpu.memory_space<vmem>>, vector<16xf32>,
        %get3A_361 = vector.shape_cast %get3A_360 : vector<16xf32> to vector<16xf32>
        %add3A_362 = arith.constant 8000 : i32
        %add3A_363 = arith.addi %add3A_362, %mul3A_343 : i32
        %get3A_364 = arith.index_cast %add3A_363 : i32 to index
        %get3A_365 = tpu.vector_load %arg9[%get3A_364] {strides = array<i32>} : memref<16000xf32, #tpu.memory_space<vmem>>, vector<16xf32>,
        %get3A_366 = vector.shape_cast %get3A_365 : vector<16xf32> to vector<16xf32>
        %add3A_367 = arith.constant 10000 : i32
        %add3A_368 = arith.addi %add3A_367, %mul3A_343 : i32
        %get3A_369 = arith.index_cast %add3A_368 : i32 to index
        %get3A_370 = tpu.vector_load %arg9[%get3A_369] {strides = array<i32>} : memref<16000xf32, #tpu.memory_space<vmem>>, vector<16xf32>,
        %get3A_371 = vector.shape_cast %get3A_370 : vector<16xf32> to vector<16xf32>
        %add3A_372 = arith.constant 12000 : i32
        %add3A_373 = arith.addi %add3A_372, %mul3A_343 : i32
        %get3A_374 = arith.index_cast %add3A_373 : i32 to index
        %get3A_375 = tpu.vector_load %arg9[%get3A_374] {strides = array<i32>} : memref<16000xf32, #tpu.memory_space<vmem>>, vector<16xf32>,
        %get3A_376 = vector.shape_cast %get3A_375 : vector<16xf32> to vector<16xf32>
        %add3A_377 = arith.constant 14000 : i32
        %add3A_378 = arith.addi %add3A_377, %mul3A_343 : i32
        %get3A_379 = arith.index_cast %add3A_378 : i32 to index
        %get3A_380 = tpu.vector_load %arg9[%get3A_379] {strides = array<i32>} : memref<16000xf32, #tpu.memory_space<vmem>>, vector<16xf32>,
        %get3A_381 = vector.shape_cast %get3A_380 : vector<16xf32> to vector<16xf32>
        %sub3A_382 = arith.subf %get3A_356, %get3A_376 : vector<16xf32>
        %sub3A_383 = arith.subf %get3A_346, %get3A_366 : vector<16xf32>
        %sub3A_384 = arith.subf %get3A_351, %get3A_371 : vector<16xf32>
        %sub3A_385 = arith.subf %get3A_361, %get3A_381 : vector<16xf32>
        %mul3A_386 = arith.mulf %sub3A_385, %sub3A_385 : vector<16xf32>
        %mul3A_387 = arith.mulf %sub3A_384, %sub3A_384 : vector<16xf32>
        %add3A_388 = arith.addf %mul3A_386, %mul3A_387 : vector<16xf32>
        %mul3A_389 = arith.mulf %get3A_346, %sub3A_382 : vector<16xf32>
        %div3A_390 = arith.divf %mul3A_389, %sub3A_383 : vector<16xf32>
        %sub3A_391 = arith.subf %get3A_356, %div3A_390 : vector<16xf32>
        %mul3A_392 = arith.mulf %sub3A_384, %sub3A_384 : vector<16xf32>
        %mul3A_393 = arith.constant 3.600000e-05 : f32
        %mul3A_394 = vector.broadcast %mul3A_393 : f32 to vector<16xf32>
        %mul3A_395 = arith.mulf %mul3A_394, %add3A_388 : vector<16xf32>
        %lt3A_396 = arith.cmpf olt, %mul3A_392, %mul3A_395 : vector<16xf32>
        %abs3A_397 = math.absf %sub3A_391 : vector<16xf32>
        %lt3A_398 = arith.constant 1.500000e+02 : f32
        %lt3A_399 = vector.broadcast %lt3A_398 : f32 to vector<16xf32>
        %lt3A_400 = arith.cmpf olt, %abs3A_397, %lt3A_399 : vector<16xf32>
        %and3A_401 = arith.andi %lt3A_396, %lt3A_400 : vector<16xi1>
        %lt3A_402 = arith.constant 2.890000e+00 : f32
        %lt3A_403 = vector.broadcast %lt3A_402 : f32 to vector<16xf32>
        %lt3A_404 = arith.cmpf olt, %add3A_388, %lt3A_403 : vector<16xf32>
        %and3A_405 = arith.andi %and3A_401, %lt3A_404 : vector<16xi1>
        %jit3A_406 = arith.constant 1 : i32
        %jit3A_407 = arith.constant 0 : i32
        %broadcast_in_dim3A_408 = vector.broadcast %jit3A_406 : i32 to vector<16xi32>
        %broadcast_in_dim3A_409 = vector.broadcast %jit3A_407 : i32 to vector<16xi32>
        %select_n3A_410 = arith.select %and3A_405, %broadcast_in_dim3A_408, %broadcast_in_dim3A_409 : vector<16xi1>, vector<16xi32>
        %swap3A_411 = arith.index_cast %mul3A_343 : i32 to index
        %swap3A_412 = tpu.vector_load %arg7[%swap3A_411] {strides = array<i32>} : memref<16000xi32, #tpu.memory_space<vmem>>, vector<16xi32>,
        %swap3A_413 = vector.shape_cast %swap3A_412 : vector<16xi32> to vector<16xi32>
        %swap3A_414 = vector.shape_cast %select_n3A_410 : vector<16xi32> to vector<16xi32>
        tpu.vector_store %arg7[%swap3A_411], %swap3A_414 {strides = array<i32>} : memref<16000xi32, #tpu.memory_space<vmem>>, vector<16xi32>,
        %scan3A_415 = arith.constant 3 : i32
        %scan3A_416 = arith.addi %scan3A_198, %scan3A_415 : i32
        %mul3A_417 = arith.constant 16 : i32
        %mul3A_418 = arith.muli %scan3A_416, %mul3A_417 : i32
        %get3A_419 = arith.index_cast %mul3A_418 : i32 to index
        %get3A_420 = tpu.vector_load %arg9[%get3A_419] {strides = array<i32>} : memref<16000xf32, #tpu.memory_space<vmem>>, vector<16xf32>,
        %get3A_421 = vector.shape_cast %get3A_420 : vector<16xf32> to vector<16xf32>
        %add3A_422 = arith.constant 2000 : i32
        %add3A_423 = arith.addi %add3A_422, %mul3A_418 : i32
        %get3A_424 = arith.index_cast %add3A_423 : i32 to index
        %get3A_425 = tpu.vector_load %arg9[%get3A_424] {strides = array<i32>} : memref<16000xf32, #tpu.memory_space<vmem>>, vector<16xf32>,
        %get3A_426 = vector.shape_cast %get3A_425 : vector<16xf32> to vector<16xf32>
        %add3A_427 = arith.constant 4000 : i32
        %add3A_428 = arith.addi %add3A_427, %mul3A_418 : i32
        %get3A_429 = arith.index_cast %add3A_428 : i32 to index
        %get3A_430 = tpu.vector_load %arg9[%get3A_429] {strides = array<i32>} : memref<16000xf32, #tpu.memory_space<vmem>>, vector<16xf32>,
        %get3A_431 = vector.shape_cast %get3A_430 : vector<16xf32> to vector<16xf32>
        %add3A_432 = arith.constant 6000 : i32
        %add3A_433 = arith.addi %add3A_432, %mul3A_418 : i32
        %get3A_434 = arith.index_cast %add3A_433 : i32 to index
        %get3A_435 = tpu.vector_load %arg9[%get3A_434] {strides = array<i32>} : memref<16000xf32, #tpu.memory_space<vmem>>, vector<16xf32>,
        %get3A_436 = vector.shape_cast %get3A_435 : vector<16xf32> to vector<16xf32>
        %add3A_437 = arith.constant 8000 : i32
        %add3A_438 = arith.addi %add3A_437, %mul3A_418 : i32
        %get3A_439 = arith.index_cast %add3A_438 : i32 to index
        %get3A_440 = tpu.vector_load %arg9[%get3A_439] {strides = array<i32>} : memref<16000xf32, #tpu.memory_space<vmem>>, vector<16xf32>,
        %get3A_441 = vector.shape_cast %get3A_440 : vector<16xf32> to vector<16xf32>
        %add3A_442 = arith.constant 10000 : i32
        %add3A_443 = arith.addi %add3A_442, %mul3A_418 : i32
        %get3A_444 = arith.index_cast %add3A_443 : i32 to index
        %get3A_445 = tpu.vector_load %arg9[%get3A_444] {strides = array<i32>} : memref<16000xf32, #tpu.memory_space<vmem>>, vector<16xf32>,
        %get3A_446 = vector.shape_cast %get3A_445 : vector<16xf32> to vector<16xf32>
        %add3A_447 = arith.constant 12000 : i32
        %add3A_448 = arith.addi %add3A_447, %mul3A_418 : i32
        %get3A_449 = arith.index_cast %add3A_448 : i32 to index
        %get3A_450 = tpu.vector_load %arg9[%get3A_449] {strides = array<i32>} : memref<16000xf32, #tpu.memory_space<vmem>>, vector<16xf32>,
        %get3A_451 = vector.shape_cast %get3A_450 : vector<16xf32> to vector<16xf32>
        %add3A_452 = arith.constant 14000 : i32
        %add3A_453 = arith.addi %add3A_452, %mul3A_418 : i32
        %get3A_454 = arith.index_cast %add3A_453 : i32 to index
        %get3A_455 = tpu.vector_load %arg9[%get3A_454] {strides = array<i32>} : memref<16000xf32, #tpu.memory_space<vmem>>, vector<16xf32>,
        %get3A_456 = vector.shape_cast %get3A_455 : vector<16xf32> to vector<16xf32>
        %sub3A_457 = arith.subf %get3A_431, %get3A_451 : vector<16xf32>
        %sub3A_458 = arith.subf %get3A_421, %get3A_441 : vector<16xf32>
        %sub3A_459 = arith.subf %get3A_426, %get3A_446 : vector<16xf32>
        %sub3A_460 = arith.subf %get3A_436, %get3A_456 : vector<16xf32>
        %mul3A_461 = arith.mulf %sub3A_460, %sub3A_460 : vector<16xf32>
        %mul3A_462 = arith.mulf %sub3A_459, %sub3A_459 : vector<16xf32>
        %add3A_463 = arith.addf %mul3A_461, %mul3A_462 : vector<16xf32>
        %mul3A_464 = arith.mulf %get3A_421, %sub3A_457 : vector<16xf32>
        %div3A_465 = arith.divf %mul3A_464, %sub3A_458 : vector<16xf32>
        %sub3A_466 = arith.subf %get3A_431, %div3A_465 : vector<16xf32>
        %mul3A_467 = arith.mulf %sub3A_459, %sub3A_459 : vector<16xf32>
        %mul3A_468 = arith.constant 3.600000e-05 : f32
        %mul3A_469 = vector.broadcast %mul3A_468 : f32 to vector<16xf32>
        %mul3A_470 = arith.mulf %mul3A_469, %add3A_463 : vector<16xf32>
        %lt3A_471 = arith.cmpf olt, %mul3A_467, %mul3A_470 : vector<16xf32>
        %abs3A_472 = math.absf %sub3A_466 : vector<16xf32>
        %lt3A_473 = arith.constant 1.500000e+02 : f32
        %lt3A_474 = vector.broadcast %lt3A_473 : f32 to vector<16xf32>
        %lt3A_475 = arith.cmpf olt, %abs3A_472, %lt3A_474 : vector<16xf32>
        %and3A_476 = arith.andi %lt3A_471, %lt3A_475 : vector<16xi1>
        %lt3A_477 = arith.constant 2.890000e+00 : f32
        %lt3A_478 = vector.broadcast %lt3A_477 : f32 to vector<16xf32>
        %lt3A_479 = arith.cmpf olt, %add3A_463, %lt3A_478 : vector<16xf32>
        %and3A_480 = arith.andi %and3A_476, %lt3A_479 : vector<16xi1>
        %jit3A_481 = arith.constant 1 : i32
        %jit3A_482 = arith.constant 0 : i32
        %broadcast_in_dim3A_483 = vector.broadcast %jit3A_481 : i32 to vector<16xi32>
        %broadcast_in_dim3A_484 = vector.broadcast %jit3A_482 : i32 to vector<16xi32>
        %select_n3A_485 = arith.select %and3A_480, %broadcast_in_dim3A_483, %broadcast_in_dim3A_484 : vector<16xi1>, vector<16xi32>
        %swap3A_486 = arith.index_cast %mul3A_418 : i32 to index
        %swap3A_487 = tpu.vector_load %arg7[%swap3A_486] {strides = array<i32>} : memref<16000xi32, #tpu.memory_space<vmem>>, vector<16xi32>,
        %swap3A_488 = vector.shape_cast %swap3A_487 : vector<16xi32> to vector<16xi32>
        %swap3A_489 = vector.shape_cast %select_n3A_485 : vector<16xi32> to vector<16xi32>
        tpu.vector_store %arg7[%swap3A_486], %swap3A_489 {strides = array<i32>} : memref<16000xi32, #tpu.memory_space<vmem>>, vector<16xi32>,
        %scan3A_490 = arith.constant 4 : i32
        %scan3A_491 = arith.addi %scan3A_198, %scan3A_490 : i32
        %mul3A_492 = arith.constant 16 : i32
        %mul3A_493 = arith.muli %scan3A_491, %mul3A_492 : i32
        %get3A_494 = arith.index_cast %mul3A_493 : i32 to index
        %get3A_495 = tpu.vector_load %arg9[%get3A_494] {strides = array<i32>} : memref<16000xf32, #tpu.memory_space<vmem>>, vector<16xf32>,
        %get3A_496 = vector.shape_cast %get3A_495 : vector<16xf32> to vector<16xf32>
        %add3A_497 = arith.constant 2000 : i32
        %add3A_498 = arith.addi %add3A_497, %mul3A_493 : i32
        %get3A_499 = arith.index_cast %add3A_498 : i32 to index
        %get3A_500 = tpu.vector_load %arg9[%get3A_499] {strides = array<i32>} : memref<16000xf32, #tpu.memory_space<vmem>>, vector<16xf32>,
        %get3A_501 = vector.shape_cast %get3A_500 : vector<16xf32> to vector<16xf32>
        %add3A_502 = arith.constant 4000 : i32
        %add3A_503 = arith.addi %add3A_502, %mul3A_493 : i32
        %get3A_504 = arith.index_cast %add3A_503 : i32 to index
        %get3A_505 = tpu.vector_load %arg9[%get3A_504] {strides = array<i32>} : memref<16000xf32, #tpu.memory_space<vmem>>, vector<16xf32>,
        %get3A_506 = vector.shape_cast %get3A_505 : vector<16xf32> to vector<16xf32>
        %add3A_507 = arith.constant 6000 : i32
        %add3A_508 = arith.addi %add3A_507, %mul3A_493 : i32
        %get3A_509 = arith.index_cast %add3A_508 : i32 to index
        %get3A_510 = tpu.vector_load %arg9[%get3A_509] {strides = array<i32>} : memref<16000xf32, #tpu.memory_space<vmem>>, vector<16xf32>,
        %get3A_511 = vector.shape_cast %get3A_510 : vector<16xf32> to vector<16xf32>
        %add3A_512 = arith.constant 8000 : i32
        %add3A_513 = arith.addi %add3A_512, %mul3A_493 : i32
        %get3A_514 = arith.index_cast %add3A_513 : i32 to index
        %get3A_515 = tpu.vector_load %arg9[%get3A_514] {strides = array<i32>} : memref<16000xf32, #tpu.memory_space<vmem>>, vector<16xf32>,
        %get3A_516 = vector.shape_cast %get3A_515 : vector<16xf32> to vector<16xf32>
        %add3A_517 = arith.constant 10000 : i32
        %add3A_518 = arith.addi %add3A_517, %mul3A_493 : i32
        %get3A_519 = arith.index_cast %add3A_518 : i32 to index
        %get3A_520 = tpu.vector_load %arg9[%get3A_519] {strides = array<i32>} : memref<16000xf32, #tpu.memory_space<vmem>>, vector<16xf32>,
        %get3A_521 = vector.shape_cast %get3A_520 : vector<16xf32> to vector<16xf32>
        %add3A_522 = arith.constant 12000 : i32
        %add3A_523 = arith.addi %add3A_522, %mul3A_493 : i32
        %get3A_524 = arith.index_cast %add3A_523 : i32 to index
        %get3A_525 = tpu.vector_load %arg9[%get3A_524] {strides = array<i32>} : memref<16000xf32, #tpu.memory_space<vmem>>, vector<16xf32>,
        %get3A_526 = vector.shape_cast %get3A_525 : vector<16xf32> to vector<16xf32>
        %add3A_527 = arith.constant 14000 : i32
        %add3A_528 = arith.addi %add3A_527, %mul3A_493 : i32
        %get3A_529 = arith.index_cast %add3A_528 : i32 to index
        %get3A_530 = tpu.vector_load %arg9[%get3A_529] {strides = array<i32>} : memref<16000xf32, #tpu.memory_space<vmem>>, vector<16xf32>,
        %get3A_531 = vector.shape_cast %get3A_530 : vector<16xf32> to vector<16xf32>
        %sub3A_532 = arith.subf %get3A_506, %get3A_526 : vector<16xf32>
        %sub3A_533 = arith.subf %get3A_496, %get3A_516 : vector<16xf32>
        %sub3A_534 = arith.subf %get3A_501, %get3A_521 : vector<16xf32>
        %sub3A_535 = arith.subf %get3A_511, %get3A_531 : vector<16xf32>
        %mul3A_536 = arith.mulf %sub3A_535, %sub3A_535 : vector<16xf32>
        %mul3A_537 = arith.mulf %sub3A_534, %sub3A_534 : vector<16xf32>
        %add3A_538 = arith.addf %mul3A_536, %mul3A_537 : vector<16xf32>
        %mul3A_539 = arith.mulf %get3A_496, %sub3A_532 : vector<16xf32>
        %div3A_540 = arith.divf %mul3A_539, %sub3A_533 : vector<16xf32>
        %sub3A_541 = arith.subf %get3A_506, %div3A_540 : vector<16xf32>
        %mul3A_542 = arith.mulf %sub3A_534, %sub3A_534 : vector<16xf32>
        %mul3A_543 = arith.constant 3.600000e-05 : f32
        %mul3A_544 = vector.broadcast %mul3A_543 : f32 to vector<16xf32>
        %mul3A_545 = arith.mulf %mul3A_544, %add3A_538 : vector<16xf32>
        %lt3A_546 = arith.cmpf olt, %mul3A_542, %mul3A_545 : vector<16xf32>
        %abs3A_547 = math.absf %sub3A_541 : vector<16xf32>
        %lt3A_548 = arith.constant 1.500000e+02 : f32
        %lt3A_549 = vector.broadcast %lt3A_548 : f32 to vector<16xf32>
        %lt3A_550 = arith.cmpf olt, %abs3A_547, %lt3A_549 : vector<16xf32>
        %and3A_551 = arith.andi %lt3A_546, %lt3A_550 : vector<16xi1>
        %lt3A_552 = arith.constant 2.890000e+00 : f32
        %lt3A_553 = vector.broadcast %lt3A_552 : f32 to vector<16xf32>
        %lt3A_554 = arith.cmpf olt, %add3A_538, %lt3A_553 : vector<16xf32>
        %and3A_555 = arith.andi %and3A_551, %lt3A_554 : vector<16xi1>
        %jit3A_556 = arith.constant 1 : i32
        %jit3A_557 = arith.constant 0 : i32
        %broadcast_in_dim3A_558 = vector.broadcast %jit3A_556 : i32 to vector<16xi32>
        %broadcast_in_dim3A_559 = vector.broadcast %jit3A_557 : i32 to vector<16xi32>
        %select_n3A_560 = arith.select %and3A_555, %broadcast_in_dim3A_558, %broadcast_in_dim3A_559 : vector<16xi1>, vector<16xi32>
        %swap3A_561 = arith.index_cast %mul3A_493 : i32 to index
        %swap3A_562 = tpu.vector_load %arg7[%swap3A_561] {strides = array<i32>} : memref<16000xi32, #tpu.memory_space<vmem>>, vector<16xi32>,
        %swap3A_563 = vector.shape_cast %swap3A_562 : vector<16xi32> to vector<16xi32>
        %swap3A_564 = vector.shape_cast %select_n3A_560 : vector<16xi32> to vector<16xi32>
        tpu.vector_store %arg7[%swap3A_561], %swap3A_564 {strides = array<i32>} : memref<16000xi32, #tpu.memory_space<vmem>>, vector<16xi32>,
      }
      %scan3A_173 = arith.constant 125 : i32
      %mul3A_174 = arith.constant 200000 : i32
      %mul3A_175 = arith.muli %add3A, %mul3A_174 : i32
      %mul3A_176 = arith.constant 2000 : i32
      %mul3A_177 = arith.muli %mul3A_85, %mul3A_176 : i32
      %add3A_178 = arith.addi %mul3A_175, %mul3A_177 : i32
      "tpu.region"() ({
        %run_scoped3A = tpu.sem_alloc : memref<!tpu.dma_semaphore, #tpu.memory_space<semaphore_mem>>
        %dma_start3A_198 = arith.constant 0 : i32
        %dma_start3A_199 = tpu.memref_slice %arg7[%dma_start3A_198] : memref<16000xi32, #tpu.memory_space<vmem>> -> memref<2000xi32, #tpu.memory_space<vmem>>
        %dma_start3A_200 = tpu.memref_slice %arg5[%add3A_178] : memref<6400000xi32, #tpu.memory_space<hbm>> -> memref<2000xi32, #tpu.memory_space<hbm>>
        %dma_start3A_201 = tpu.memref_slice %arg5[%add3A_178] : memref<6400000xi32, #tpu.memory_space<hbm>> -> memref<2000xi32, #tpu.memory_space<hbm>>
        %dma_start3A_202 = arith.constant 0 : i32
        %dma_start3A_203 = tpu.memref_slice %arg7[%dma_start3A_202] : memref<16000xi32, #tpu.memory_space<vmem>> -> memref<2000xi32, #tpu.memory_space<vmem>>
        tpu.enqueue_dma source(%dma_start3A_203 : memref<2000xi32, #tpu.memory_space<vmem>>) target(%dma_start3A_201 : memref<2000xi32, #tpu.memory_space<hbm>>) target_semaphore(%run_scoped3A : memref<!tpu.dma_semaphore, #tpu.memory_space<semaphore_mem>>)
        %dma_wait3A_204 = arith.constant 0 : i32
        %dma_wait3A_205 = tpu.memref_slice %arg7[%dma_wait3A_204] : memref<16000xi32, #tpu.memory_space<vmem>> -> memref<2000xi32, #tpu.memory_space<vmem>>
        %dma_wait3A_206 = tpu.memref_slice %arg5[%add3A_178] : memref<6400000xi32, #tpu.memory_space<hbm>> -> memref<2000xi32, #tpu.memory_space<hbm>>
        %dma_wait3A_207 = tpu.memref_slice %arg5[%add3A_178] : memref<6400000xi32, #tpu.memory_space<hbm>> -> memref<2000xi32, #tpu.memory_space<hbm>>
        %dma_wait3A_208 = arith.constant 0 : i32
        %dma_wait3A_209 = tpu.memref_slice %arg7[%dma_wait3A_208] : memref<16000xi32, #tpu.memory_space<vmem>> -> memref<2000xi32, #tpu.memory_space<vmem>>
        tpu.wait_dma2 semaphore(%run_scoped3A : memref<!tpu.dma_semaphore, #tpu.memory_space<semaphore_mem>>) src(%dma_wait3A_209 : memref<2000xi32, #tpu.memory_space<vmem>>) dst(%dma_wait3A_207 : memref<2000xi32, #tpu.memory_space<hbm>>)
        tpu.yield
      }) : () -> ()
      %lt3A = arith.constant 49 : i32
      %lt3A_179 = arith.cmpi slt, %scan3A_83, %lt3A : i32
      %convert_element_type3A_180 = arith.extui %lt3A_179 : i1 to i32
      %cond3A_181 = arith.constant 0 : i32
      %cond3A_182 = arith.cmpi ne, %convert_element_type3A_180, %cond3A_181 : i32
      scf.if %cond3A_182 {
        %add3A_198 = arith.constant 2 : i32
        %add3A_199 = arith.addi %mul3A_85, %add3A_198 : i32
        %mul3A_200 = arith.constant 200000 : i32
        %mul3A_201 = arith.muli %add3A, %mul3A_200 : i32
        %mul3A_202 = arith.constant 2000 : i32
        %mul3A_203 = arith.muli %add3A_199, %mul3A_202 : i32
        %add3A_204 = arith.addi %mul3A_201, %mul3A_203 : i32
        "tpu.region"() ({
          %run_scoped3A = tpu.sem_alloc : memref<!tpu.dma_semaphore, #tpu.memory_space<semaphore_mem>>
          %dma_start3A_279 = arith.constant 0 : i32
          %dma_start3A_280 = tpu.memref_slice %arg7[%dma_start3A_279] : memref<16000xi32, #tpu.memory_space<vmem>> -> memref<2000xi32, #tpu.memory_space<vmem>>
          %dma_start3A_281 = tpu.memref_slice %arg3[%add3A_204] : memref<6400000xi32, #tpu.memory_space<hbm>> -> memref<2000xi32, #tpu.memory_space<hbm>>
          %dma_start3A_282 = arith.constant 0 : i32
          %dma_start3A_283 = tpu.memref_slice %arg7[%dma_start3A_282] : memref<16000xi32, #tpu.memory_space<vmem>> -> memref<2000xi32, #tpu.memory_space<vmem>>
          %dma_start3A_284 = tpu.memref_slice %arg3[%add3A_204] : memref<6400000xi32, #tpu.memory_space<hbm>> -> memref<2000xi32, #tpu.memory_space<hbm>>
          tpu.enqueue_dma source(%dma_start3A_284 : memref<2000xi32, #tpu.memory_space<hbm>>) target(%dma_start3A_283 : memref<2000xi32, #tpu.memory_space<vmem>>) target_semaphore(%run_scoped3A : memref<!tpu.dma_semaphore, #tpu.memory_space<semaphore_mem>>)
          %dma_wait3A_285 = arith.constant 0 : i32
          %dma_wait3A_286 = tpu.memref_slice %arg7[%dma_wait3A_285] : memref<16000xi32, #tpu.memory_space<vmem>> -> memref<2000xi32, #tpu.memory_space<vmem>>
          %dma_wait3A_287 = tpu.memref_slice %arg3[%add3A_204] : memref<6400000xi32, #tpu.memory_space<hbm>> -> memref<2000xi32, #tpu.memory_space<hbm>>
          %dma_wait3A_288 = arith.constant 0 : i32
          %dma_wait3A_289 = tpu.memref_slice %arg7[%dma_wait3A_288] : memref<16000xi32, #tpu.memory_space<vmem>> -> memref<2000xi32, #tpu.memory_space<vmem>>
          %dma_wait3A_290 = tpu.memref_slice %arg3[%add3A_204] : memref<6400000xi32, #tpu.memory_space<hbm>> -> memref<2000xi32, #tpu.memory_space<hbm>>
          tpu.wait_dma2 semaphore(%run_scoped3A : memref<!tpu.dma_semaphore, #tpu.memory_space<semaphore_mem>>) src(%dma_wait3A_290 : memref<2000xi32, #tpu.memory_space<hbm>>) dst(%dma_wait3A_289 : memref<2000xi32, #tpu.memory_space<vmem>>)
          tpu.yield
        }) : () -> ()
        "tpu.region"() ({
          %run_scoped3A = tpu.sem_alloc : memref<!tpu.dma_semaphore, #tpu.memory_space<semaphore_mem>>
          %dma_start3A_279 = arith.constant 8000 : i32
          %dma_start3A_280 = tpu.memref_slice %arg7[%dma_start3A_279] : memref<16000xi32, #tpu.memory_space<vmem>> -> memref<2000xi32, #tpu.memory_space<vmem>>
          %dma_start3A_281 = tpu.memref_slice %arg4[%add3A_204] : memref<6400000xi32, #tpu.memory_space<hbm>> -> memref<2000xi32, #tpu.memory_space<hbm>>
          %dma_start3A_282 = arith.constant 8000 : i32
          %dma_start3A_283 = tpu.memref_slice %arg7[%dma_start3A_282] : memref<16000xi32, #tpu.memory_space<vmem>> -> memref<2000xi32, #tpu.memory_space<vmem>>
          %dma_start3A_284 = tpu.memref_slice %arg4[%add3A_204] : memref<6400000xi32, #tpu.memory_space<hbm>> -> memref<2000xi32, #tpu.memory_space<hbm>>
          tpu.enqueue_dma source(%dma_start3A_284 : memref<2000xi32, #tpu.memory_space<hbm>>) target(%dma_start3A_283 : memref<2000xi32, #tpu.memory_space<vmem>>) target_semaphore(%run_scoped3A : memref<!tpu.dma_semaphore, #tpu.memory_space<semaphore_mem>>)
          %dma_wait3A_285 = arith.constant 8000 : i32
          %dma_wait3A_286 = tpu.memref_slice %arg7[%dma_wait3A_285] : memref<16000xi32, #tpu.memory_space<vmem>> -> memref<2000xi32, #tpu.memory_space<vmem>>
          %dma_wait3A_287 = tpu.memref_slice %arg4[%add3A_204] : memref<6400000xi32, #tpu.memory_space<hbm>> -> memref<2000xi32, #tpu.memory_space<hbm>>
          %dma_wait3A_288 = arith.constant 8000 : i32
          %dma_wait3A_289 = tpu.memref_slice %arg7[%dma_wait3A_288] : memref<16000xi32, #tpu.memory_space<vmem>> -> memref<2000xi32, #tpu.memory_space<vmem>>
          %dma_wait3A_290 = tpu.memref_slice %arg4[%add3A_204] : memref<6400000xi32, #tpu.memory_space<hbm>> -> memref<2000xi32, #tpu.memory_space<hbm>>
          tpu.wait_dma2 semaphore(%run_scoped3A : memref<!tpu.dma_semaphore, #tpu.memory_space<semaphore_mem>>) src(%dma_wait3A_290 : memref<2000xi32, #tpu.memory_space<hbm>>) dst(%dma_wait3A_289 : memref<2000xi32, #tpu.memory_space<vmem>>)
          tpu.yield
        }) : () -> ()
        %scan3A_205 = arith.constant 0 : i32
        %scan3A_206 = arith.constant 0 : i32
        %scan3A_207 = arith.constant 124 : i32
        %scan3A_208 = arith.addi %scan3A_206, %scan3A_207 : i32
        %scan3A_209 = arith.constant 4 : i32
        scf.for %scan3A_279 = %scan3A_206 to %scan3A_208 step %scan3A_209  : i32 {
          %mul3A_280 = arith.constant 16 : i32
          %mul3A_281 = arith.muli %scan3A_279, %mul3A_280 : i32
          %get3A_282 = arith.index_cast %mul3A_281 : i32 to index
          %get3A_283 = tpu.vector_load %arg7[%get3A_282] {strides = array<i32>} : memref<16000xi32, #tpu.memory_space<vmem>>, vector<16xi32>,
          %get3A_284 = vector.shape_cast %get3A_283 : vector<16xi32> to vector<16xi32>
          %add3A_285 = arith.constant 8000 : i32
          %add3A_286 = arith.addi %add3A_285, %mul3A_281 : i32
          %get3A_287 = arith.index_cast %add3A_286 : i32 to index
          %get3A_288 = tpu.vector_load %arg7[%get3A_287] {strides = array<i32>} : memref<16000xi32, #tpu.memory_space<vmem>>, vector<16xi32>,
          %get3A_289 = vector.shape_cast %get3A_288 : vector<16xi32> to vector<16xi32>
          %add3A_290 = arith.constant 100000 : i32
          %add3A_291 = vector.broadcast %add3A_290 : i32 to vector<16xi32>
          %add3A_292 = arith.addi %get3A_284, %add3A_291 : vector<16xi32>
          %add3A_293 = arith.constant 2000 : i32
          %add3A_294 = arith.addi %add3A_293, %mul3A_281 : i32
          %swap3A_295 = arith.index_cast %add3A_294 : i32 to index
          %swap3A_296 = tpu.vector_load %arg7[%swap3A_295] {strides = array<i32>} : memref<16000xi32, #tpu.memory_space<vmem>>, vector<16xi32>,
          %swap3A_297 = vector.shape_cast %swap3A_296 : vector<16xi32> to vector<16xi32>
          %swap3A_298 = vector.shape_cast %add3A_292 : vector<16xi32> to vector<16xi32>
          tpu.vector_store %arg7[%swap3A_295], %swap3A_298 {strides = array<i32>} : memref<16000xi32, #tpu.memory_space<vmem>>, vector<16xi32>,
          %add3A_299 = arith.constant 200000 : i32
          %add3A_300 = vector.broadcast %add3A_299 : i32 to vector<16xi32>
          %add3A_301 = arith.addi %get3A_284, %add3A_300 : vector<16xi32>
          %add3A_302 = arith.constant 4000 : i32
          %add3A_303 = arith.addi %add3A_302, %mul3A_281 : i32
          %swap3A_304 = arith.index_cast %add3A_303 : i32 to index
          %swap3A_305 = tpu.vector_load %arg7[%swap3A_304] {strides = array<i32>} : memref<16000xi32, #tpu.memory_space<vmem>>, vector<16xi32>,
          %swap3A_306 = vector.shape_cast %swap3A_305 : vector<16xi32> to vector<16xi32>
          %swap3A_307 = vector.shape_cast %add3A_301 : vector<16xi32> to vector<16xi32>
          tpu.vector_store %arg7[%swap3A_304], %swap3A_307 {strides = array<i32>} : memref<16000xi32, #tpu.memory_space<vmem>>, vector<16xi32>,
          %add3A_308 = arith.constant 300000 : i32
          %add3A_309 = vector.broadcast %add3A_308 : i32 to vector<16xi32>
          %add3A_310 = arith.addi %get3A_284, %add3A_309 : vector<16xi32>
          %add3A_311 = arith.constant 6000 : i32
          %add3A_312 = arith.addi %add3A_311, %mul3A_281 : i32
          %swap3A_313 = arith.index_cast %add3A_312 : i32 to index
          %swap3A_314 = tpu.vector_load %arg7[%swap3A_313] {strides = array<i32>} : memref<16000xi32, #tpu.memory_space<vmem>>, vector<16xi32>,
          %swap3A_315 = vector.shape_cast %swap3A_314 : vector<16xi32> to vector<16xi32>
          %swap3A_316 = vector.shape_cast %add3A_310 : vector<16xi32> to vector<16xi32>
          tpu.vector_store %arg7[%swap3A_313], %swap3A_316 {strides = array<i32>} : memref<16000xi32, #tpu.memory_space<vmem>>, vector<16xi32>,
          %add3A_317 = arith.constant 100000 : i32
          %add3A_318 = vector.broadcast %add3A_317 : i32 to vector<16xi32>
          %add3A_319 = arith.addi %get3A_289, %add3A_318 : vector<16xi32>
          %add3A_320 = arith.constant 10000 : i32
          %add3A_321 = arith.addi %add3A_320, %mul3A_281 : i32
          %swap3A_322 = arith.index_cast %add3A_321 : i32 to index
          %swap3A_323 = tpu.vector_load %arg7[%swap3A_322] {strides = array<i32>} : memref<16000xi32, #tpu.memory_space<vmem>>, vector<16xi32>,
          %swap3A_324 = vector.shape_cast %swap3A_323 : vector<16xi32> to vector<16xi32>
          %swap3A_325 = vector.shape_cast %add3A_319 : vector<16xi32> to vector<16xi32>
          tpu.vector_store %arg7[%swap3A_322], %swap3A_325 {strides = array<i32>} : memref<16000xi32, #tpu.memory_space<vmem>>, vector<16xi32>,
          %add3A_326 = arith.constant 200000 : i32
          %add3A_327 = vector.broadcast %add3A_326 : i32 to vector<16xi32>
          %add3A_328 = arith.addi %get3A_289, %add3A_327 : vector<16xi32>
          %add3A_329 = arith.constant 12000 : i32
          %add3A_330 = arith.addi %add3A_329, %mul3A_281 : i32
          %swap3A_331 = arith.index_cast %add3A_330 : i32 to index
          %swap3A_332 = tpu.vector_load %arg7[%swap3A_331] {strides = array<i32>} : memref<16000xi32, #tpu.memory_space<vmem>>, vector<16xi32>,
          %swap3A_333 = vector.shape_cast %swap3A_332 : vector<16xi32> to vector<16xi32>
          %swap3A_334 = vector.shape_cast %add3A_328 : vector<16xi32> to vector<16xi32>
          tpu.vector_store %arg7[%swap3A_331], %swap3A_334 {strides = array<i32>} : memref<16000xi32, #tpu.memory_space<vmem>>, vector<16xi32>,
          %add3A_335 = arith.constant 300000 : i32
          %add3A_336 = vector.broadcast %add3A_335 : i32 to vector<16xi32>
          %add3A_337 = arith.addi %get3A_289, %add3A_336 : vector<16xi32>
          %add3A_338 = arith.constant 14000 : i32
          %add3A_339 = arith.addi %add3A_338, %mul3A_281 : i32
          %swap3A_340 = arith.index_cast %add3A_339 : i32 to index
          %swap3A_341 = tpu.vector_load %arg7[%swap3A_340] {strides = array<i32>} : memref<16000xi32, #tpu.memory_space<vmem>>, vector<16xi32>,
          %swap3A_342 = vector.shape_cast %swap3A_341 : vector<16xi32> to vector<16xi32>
          %swap3A_343 = vector.shape_cast %add3A_337 : vector<16xi32> to vector<16xi32>
          tpu.vector_store %arg7[%swap3A_340], %swap3A_343 {strides = array<i32>} : memref<16000xi32, #tpu.memory_space<vmem>>, vector<16xi32>,
          %scan3A_344 = arith.constant 1 : i32
          %scan3A_345 = arith.addi %scan3A_279, %scan3A_344 : i32
          %mul3A_346 = arith.constant 16 : i32
          %mul3A_347 = arith.muli %scan3A_345, %mul3A_346 : i32
          %get3A_348 = arith.index_cast %mul3A_347 : i32 to index
          %get3A_349 = tpu.vector_load %arg7[%get3A_348] {strides = array<i32>} : memref<16000xi32, #tpu.memory_space<vmem>>, vector<16xi32>,
          %get3A_350 = vector.shape_cast %get3A_349 : vector<16xi32> to vector<16xi32>
          %add3A_351 = arith.constant 8000 : i32
          %add3A_352 = arith.addi %add3A_351, %mul3A_347 : i32
          %get3A_353 = arith.index_cast %add3A_352 : i32 to index
          %get3A_354 = tpu.vector_load %arg7[%get3A_353] {strides = array<i32>} : memref<16000xi32, #tpu.memory_space<vmem>>, vector<16xi32>,
          %get3A_355 = vector.shape_cast %get3A_354 : vector<16xi32> to vector<16xi32>
          %add3A_356 = arith.constant 100000 : i32
          %add3A_357 = vector.broadcast %add3A_356 : i32 to vector<16xi32>
          %add3A_358 = arith.addi %get3A_350, %add3A_357 : vector<16xi32>
          %add3A_359 = arith.constant 2000 : i32
          %add3A_360 = arith.addi %add3A_359, %mul3A_347 : i32
          %swap3A_361 = arith.index_cast %add3A_360 : i32 to index
          %swap3A_362 = tpu.vector_load %arg7[%swap3A_361] {strides = array<i32>} : memref<16000xi32, #tpu.memory_space<vmem>>, vector<16xi32>,
          %swap3A_363 = vector.shape_cast %swap3A_362 : vector<16xi32> to vector<16xi32>
          %swap3A_364 = vector.shape_cast %add3A_358 : vector<16xi32> to vector<16xi32>
          tpu.vector_store %arg7[%swap3A_361], %swap3A_364 {strides = array<i32>} : memref<16000xi32, #tpu.memory_space<vmem>>, vector<16xi32>,
          %add3A_365 = arith.constant 200000 : i32
          %add3A_366 = vector.broadcast %add3A_365 : i32 to vector<16xi32>
          %add3A_367 = arith.addi %get3A_350, %add3A_366 : vector<16xi32>
          %add3A_368 = arith.constant 4000 : i32
          %add3A_369 = arith.addi %add3A_368, %mul3A_347 : i32
          %swap3A_370 = arith.index_cast %add3A_369 : i32 to index
          %swap3A_371 = tpu.vector_load %arg7[%swap3A_370] {strides = array<i32>} : memref<16000xi32, #tpu.memory_space<vmem>>, vector<16xi32>,
          %swap3A_372 = vector.shape_cast %swap3A_371 : vector<16xi32> to vector<16xi32>
          %swap3A_373 = vector.shape_cast %add3A_367 : vector<16xi32> to vector<16xi32>
          tpu.vector_store %arg7[%swap3A_370], %swap3A_373 {strides = array<i32>} : memref<16000xi32, #tpu.memory_space<vmem>>, vector<16xi32>,
          %add3A_374 = arith.constant 300000 : i32
          %add3A_375 = vector.broadcast %add3A_374 : i32 to vector<16xi32>
          %add3A_376 = arith.addi %get3A_350, %add3A_375 : vector<16xi32>
          %add3A_377 = arith.constant 6000 : i32
          %add3A_378 = arith.addi %add3A_377, %mul3A_347 : i32
          %swap3A_379 = arith.index_cast %add3A_378 : i32 to index
          %swap3A_380 = tpu.vector_load %arg7[%swap3A_379] {strides = array<i32>} : memref<16000xi32, #tpu.memory_space<vmem>>, vector<16xi32>,
          %swap3A_381 = vector.shape_cast %swap3A_380 : vector<16xi32> to vector<16xi32>
          %swap3A_382 = vector.shape_cast %add3A_376 : vector<16xi32> to vector<16xi32>
          tpu.vector_store %arg7[%swap3A_379], %swap3A_382 {strides = array<i32>} : memref<16000xi32, #tpu.memory_space<vmem>>, vector<16xi32>,
          %add3A_383 = arith.constant 100000 : i32
          %add3A_384 = vector.broadcast %add3A_383 : i32 to vector<16xi32>
          %add3A_385 = arith.addi %get3A_355, %add3A_384 : vector<16xi32>
          %add3A_386 = arith.constant 10000 : i32
          %add3A_387 = arith.addi %add3A_386, %mul3A_347 : i32
          %swap3A_388 = arith.index_cast %add3A_387 : i32 to index
          %swap3A_389 = tpu.vector_load %arg7[%swap3A_388] {strides = array<i32>} : memref<16000xi32, #tpu.memory_space<vmem>>, vector<16xi32>,
          %swap3A_390 = vector.shape_cast %swap3A_389 : vector<16xi32> to vector<16xi32>
          %swap3A_391 = vector.shape_cast %add3A_385 : vector<16xi32> to vector<16xi32>
          tpu.vector_store %arg7[%swap3A_388], %swap3A_391 {strides = array<i32>} : memref<16000xi32, #tpu.memory_space<vmem>>, vector<16xi32>,
          %add3A_392 = arith.constant 200000 : i32
          %add3A_393 = vector.broadcast %add3A_392 : i32 to vector<16xi32>
          %add3A_394 = arith.addi %get3A_355, %add3A_393 : vector<16xi32>
          %add3A_395 = arith.constant 12000 : i32
          %add3A_396 = arith.addi %add3A_395, %mul3A_347 : i32
          %swap3A_397 = arith.index_cast %add3A_396 : i32 to index
          %swap3A_398 = tpu.vector_load %arg7[%swap3A_397] {strides = array<i32>} : memref<16000xi32, #tpu.memory_space<vmem>>, vector<16xi32>,
          %swap3A_399 = vector.shape_cast %swap3A_398 : vector<16xi32> to vector<16xi32>
          %swap3A_400 = vector.shape_cast %add3A_394 : vector<16xi32> to vector<16xi32>
          tpu.vector_store %arg7[%swap3A_397], %swap3A_400 {strides = array<i32>} : memref<16000xi32, #tpu.memory_space<vmem>>, vector<16xi32>,
          %add3A_401 = arith.constant 300000 : i32
          %add3A_402 = vector.broadcast %add3A_401 : i32 to vector<16xi32>
          %add3A_403 = arith.addi %get3A_355, %add3A_402 : vector<16xi32>
          %add3A_404 = arith.constant 14000 : i32
          %add3A_405 = arith.addi %add3A_404, %mul3A_347 : i32
          %swap3A_406 = arith.index_cast %add3A_405 : i32 to index
          %swap3A_407 = tpu.vector_load %arg7[%swap3A_406] {strides = array<i32>} : memref<16000xi32, #tpu.memory_space<vmem>>, vector<16xi32>,
          %swap3A_408 = vector.shape_cast %swap3A_407 : vector<16xi32> to vector<16xi32>
          %swap3A_409 = vector.shape_cast %add3A_403 : vector<16xi32> to vector<16xi32>
          tpu.vector_store %arg7[%swap3A_406], %swap3A_409 {strides = array<i32>} : memref<16000xi32, #tpu.memory_space<vmem>>, vector<16xi32>,
          %scan3A_410 = arith.constant 2 : i32
          %scan3A_411 = arith.addi %scan3A_279, %scan3A_410 : i32
          %mul3A_412 = arith.constant 16 : i32
          %mul3A_413 = arith.muli %scan3A_411, %mul3A_412 : i32
          %get3A_414 = arith.index_cast %mul3A_413 : i32 to index
          %get3A_415 = tpu.vector_load %arg7[%get3A_414] {strides = array<i32>} : memref<16000xi32, #tpu.memory_space<vmem>>, vector<16xi32>,
          %get3A_416 = vector.shape_cast %get3A_415 : vector<16xi32> to vector<16xi32>
          %add3A_417 = arith.constant 8000 : i32
          %add3A_418 = arith.addi %add3A_417, %mul3A_413 : i32
          %get3A_419 = arith.index_cast %add3A_418 : i32 to index
          %get3A_420 = tpu.vector_load %arg7[%get3A_419] {strides = array<i32>} : memref<16000xi32, #tpu.memory_space<vmem>>, vector<16xi32>,
          %get3A_421 = vector.shape_cast %get3A_420 : vector<16xi32> to vector<16xi32>
          %add3A_422 = arith.constant 100000 : i32
          %add3A_423 = vector.broadcast %add3A_422 : i32 to vector<16xi32>
          %add3A_424 = arith.addi %get3A_416, %add3A_423 : vector<16xi32>
          %add3A_425 = arith.constant 2000 : i32
          %add3A_426 = arith.addi %add3A_425, %mul3A_413 : i32
          %swap3A_427 = arith.index_cast %add3A_426 : i32 to index
          %swap3A_428 = tpu.vector_load %arg7[%swap3A_427] {strides = array<i32>} : memref<16000xi32, #tpu.memory_space<vmem>>, vector<16xi32>,
          %swap3A_429 = vector.shape_cast %swap3A_428 : vector<16xi32> to vector<16xi32>
          %swap3A_430 = vector.shape_cast %add3A_424 : vector<16xi32> to vector<16xi32>
          tpu.vector_store %arg7[%swap3A_427], %swap3A_430 {strides = array<i32>} : memref<16000xi32, #tpu.memory_space<vmem>>, vector<16xi32>,
          %add3A_431 = arith.constant 200000 : i32
          %add3A_432 = vector.broadcast %add3A_431 : i32 to vector<16xi32>
          %add3A_433 = arith.addi %get3A_416, %add3A_432 : vector<16xi32>
          %add3A_434 = arith.constant 4000 : i32
          %add3A_435 = arith.addi %add3A_434, %mul3A_413 : i32
          %swap3A_436 = arith.index_cast %add3A_435 : i32 to index
          %swap3A_437 = tpu.vector_load %arg7[%swap3A_436] {strides = array<i32>} : memref<16000xi32, #tpu.memory_space<vmem>>, vector<16xi32>,
          %swap3A_438 = vector.shape_cast %swap3A_437 : vector<16xi32> to vector<16xi32>
          %swap3A_439 = vector.shape_cast %add3A_433 : vector<16xi32> to vector<16xi32>
          tpu.vector_store %arg7[%swap3A_436], %swap3A_439 {strides = array<i32>} : memref<16000xi32, #tpu.memory_space<vmem>>, vector<16xi32>,
          %add3A_440 = arith.constant 300000 : i32
          %add3A_441 = vector.broadcast %add3A_440 : i32 to vector<16xi32>
          %add3A_442 = arith.addi %get3A_416, %add3A_441 : vector<16xi32>
          %add3A_443 = arith.constant 6000 : i32
          %add3A_444 = arith.addi %add3A_443, %mul3A_413 : i32
          %swap3A_445 = arith.index_cast %add3A_444 : i32 to index
          %swap3A_446 = tpu.vector_load %arg7[%swap3A_445] {strides = array<i32>} : memref<16000xi32, #tpu.memory_space<vmem>>, vector<16xi32>,
          %swap3A_447 = vector.shape_cast %swap3A_446 : vector<16xi32> to vector<16xi32>
          %swap3A_448 = vector.shape_cast %add3A_442 : vector<16xi32> to vector<16xi32>
          tpu.vector_store %arg7[%swap3A_445], %swap3A_448 {strides = array<i32>} : memref<16000xi32, #tpu.memory_space<vmem>>, vector<16xi32>,
          %add3A_449 = arith.constant 100000 : i32
          %add3A_450 = vector.broadcast %add3A_449 : i32 to vector<16xi32>
          %add3A_451 = arith.addi %get3A_421, %add3A_450 : vector<16xi32>
          %add3A_452 = arith.constant 10000 : i32
          %add3A_453 = arith.addi %add3A_452, %mul3A_413 : i32
          %swap3A_454 = arith.index_cast %add3A_453 : i32 to index
          %swap3A_455 = tpu.vector_load %arg7[%swap3A_454] {strides = array<i32>} : memref<16000xi32, #tpu.memory_space<vmem>>, vector<16xi32>,
          %swap3A_456 = vector.shape_cast %swap3A_455 : vector<16xi32> to vector<16xi32>
          %swap3A_457 = vector.shape_cast %add3A_451 : vector<16xi32> to vector<16xi32>
          tpu.vector_store %arg7[%swap3A_454], %swap3A_457 {strides = array<i32>} : memref<16000xi32, #tpu.memory_space<vmem>>, vector<16xi32>,
          %add3A_458 = arith.constant 200000 : i32
          %add3A_459 = vector.broadcast %add3A_458 : i32 to vector<16xi32>
          %add3A_460 = arith.addi %get3A_421, %add3A_459 : vector<16xi32>
          %add3A_461 = arith.constant 12000 : i32
          %add3A_462 = arith.addi %add3A_461, %mul3A_413 : i32
          %swap3A_463 = arith.index_cast %add3A_462 : i32 to index
          %swap3A_464 = tpu.vector_load %arg7[%swap3A_463] {strides = array<i32>} : memref<16000xi32, #tpu.memory_space<vmem>>, vector<16xi32>,
          %swap3A_465 = vector.shape_cast %swap3A_464 : vector<16xi32> to vector<16xi32>
          %swap3A_466 = vector.shape_cast %add3A_460 : vector<16xi32> to vector<16xi32>
          tpu.vector_store %arg7[%swap3A_463], %swap3A_466 {strides = array<i32>} : memref<16000xi32, #tpu.memory_space<vmem>>, vector<16xi32>,
          %add3A_467 = arith.constant 300000 : i32
          %add3A_468 = vector.broadcast %add3A_467 : i32 to vector<16xi32>
          %add3A_469 = arith.addi %get3A_421, %add3A_468 : vector<16xi32>
          %add3A_470 = arith.constant 14000 : i32
          %add3A_471 = arith.addi %add3A_470, %mul3A_413 : i32
          %swap3A_472 = arith.index_cast %add3A_471 : i32 to index
          %swap3A_473 = tpu.vector_load %arg7[%swap3A_472] {strides = array<i32>} : memref<16000xi32, #tpu.memory_space<vmem>>, vector<16xi32>,
          %swap3A_474 = vector.shape_cast %swap3A_473 : vector<16xi32> to vector<16xi32>
          %swap3A_475 = vector.shape_cast %add3A_469 : vector<16xi32> to vector<16xi32>
          tpu.vector_store %arg7[%swap3A_472], %swap3A_475 {strides = array<i32>} : memref<16000xi32, #tpu.memory_space<vmem>>, vector<16xi32>,
          %scan3A_476 = arith.constant 3 : i32
          %scan3A_477 = arith.addi %scan3A_279, %scan3A_476 : i32
          %mul3A_478 = arith.constant 16 : i32
          %mul3A_479 = arith.muli %scan3A_477, %mul3A_478 : i32
          %get3A_480 = arith.index_cast %mul3A_479 : i32 to index
          %get3A_481 = tpu.vector_load %arg7[%get3A_480] {strides = array<i32>} : memref<16000xi32, #tpu.memory_space<vmem>>, vector<16xi32>,
          %get3A_482 = vector.shape_cast %get3A_481 : vector<16xi32> to vector<16xi32>
          %add3A_483 = arith.constant 8000 : i32
          %add3A_484 = arith.addi %add3A_483, %mul3A_479 : i32
          %get3A_485 = arith.index_cast %add3A_484 : i32 to index
          %get3A_486 = tpu.vector_load %arg7[%get3A_485] {strides = array<i32>} : memref<16000xi32, #tpu.memory_space<vmem>>, vector<16xi32>,
          %get3A_487 = vector.shape_cast %get3A_486 : vector<16xi32> to vector<16xi32>
          %add3A_488 = arith.constant 100000 : i32
          %add3A_489 = vector.broadcast %add3A_488 : i32 to vector<16xi32>
          %add3A_490 = arith.addi %get3A_482, %add3A_489 : vector<16xi32>
          %add3A_491 = arith.constant 2000 : i32
          %add3A_492 = arith.addi %add3A_491, %mul3A_479 : i32
          %swap3A_493 = arith.index_cast %add3A_492 : i32 to index
          %swap3A_494 = tpu.vector_load %arg7[%swap3A_493] {strides = array<i32>} : memref<16000xi32, #tpu.memory_space<vmem>>, vector<16xi32>,
          %swap3A_495 = vector.shape_cast %swap3A_494 : vector<16xi32> to vector<16xi32>
          %swap3A_496 = vector.shape_cast %add3A_490 : vector<16xi32> to vector<16xi32>
          tpu.vector_store %arg7[%swap3A_493], %swap3A_496 {strides = array<i32>} : memref<16000xi32, #tpu.memory_space<vmem>>, vector<16xi32>,
          %add3A_497 = arith.constant 200000 : i32
          %add3A_498 = vector.broadcast %add3A_497 : i32 to vector<16xi32>
          %add3A_499 = arith.addi %get3A_482, %add3A_498 : vector<16xi32>
          %add3A_500 = arith.constant 4000 : i32
          %add3A_501 = arith.addi %add3A_500, %mul3A_479 : i32
          %swap3A_502 = arith.index_cast %add3A_501 : i32 to index
          %swap3A_503 = tpu.vector_load %arg7[%swap3A_502] {strides = array<i32>} : memref<16000xi32, #tpu.memory_space<vmem>>, vector<16xi32>,
          %swap3A_504 = vector.shape_cast %swap3A_503 : vector<16xi32> to vector<16xi32>
          %swap3A_505 = vector.shape_cast %add3A_499 : vector<16xi32> to vector<16xi32>
          tpu.vector_store %arg7[%swap3A_502], %swap3A_505 {strides = array<i32>} : memref<16000xi32, #tpu.memory_space<vmem>>, vector<16xi32>,
          %add3A_506 = arith.constant 300000 : i32
          %add3A_507 = vector.broadcast %add3A_506 : i32 to vector<16xi32>
          %add3A_508 = arith.addi %get3A_482, %add3A_507 : vector<16xi32>
          %add3A_509 = arith.constant 6000 : i32
          %add3A_510 = arith.addi %add3A_509, %mul3A_479 : i32
          %swap3A_511 = arith.index_cast %add3A_510 : i32 to index
          %swap3A_512 = tpu.vector_load %arg7[%swap3A_511] {strides = array<i32>} : memref<16000xi32, #tpu.memory_space<vmem>>, vector<16xi32>,
          %swap3A_513 = vector.shape_cast %swap3A_512 : vector<16xi32> to vector<16xi32>
          %swap3A_514 = vector.shape_cast %add3A_508 : vector<16xi32> to vector<16xi32>
          tpu.vector_store %arg7[%swap3A_511], %swap3A_514 {strides = array<i32>} : memref<16000xi32, #tpu.memory_space<vmem>>, vector<16xi32>,
          %add3A_515 = arith.constant 100000 : i32
          %add3A_516 = vector.broadcast %add3A_515 : i32 to vector<16xi32>
          %add3A_517 = arith.addi %get3A_487, %add3A_516 : vector<16xi32>
          %add3A_518 = arith.constant 10000 : i32
          %add3A_519 = arith.addi %add3A_518, %mul3A_479 : i32
          %swap3A_520 = arith.index_cast %add3A_519 : i32 to index
          %swap3A_521 = tpu.vector_load %arg7[%swap3A_520] {strides = array<i32>} : memref<16000xi32, #tpu.memory_space<vmem>>, vector<16xi32>,
          %swap3A_522 = vector.shape_cast %swap3A_521 : vector<16xi32> to vector<16xi32>
          %swap3A_523 = vector.shape_cast %add3A_517 : vector<16xi32> to vector<16xi32>
          tpu.vector_store %arg7[%swap3A_520], %swap3A_523 {strides = array<i32>} : memref<16000xi32, #tpu.memory_space<vmem>>, vector<16xi32>,
          %add3A_524 = arith.constant 200000 : i32
          %add3A_525 = vector.broadcast %add3A_524 : i32 to vector<16xi32>
          %add3A_526 = arith.addi %get3A_487, %add3A_525 : vector<16xi32>
          %add3A_527 = arith.constant 12000 : i32
          %add3A_528 = arith.addi %add3A_527, %mul3A_479 : i32
          %swap3A_529 = arith.index_cast %add3A_528 : i32 to index
          %swap3A_530 = tpu.vector_load %arg7[%swap3A_529] {strides = array<i32>} : memref<16000xi32, #tpu.memory_space<vmem>>, vector<16xi32>,
          %swap3A_531 = vector.shape_cast %swap3A_530 : vector<16xi32> to vector<16xi32>
          %swap3A_532 = vector.shape_cast %add3A_526 : vector<16xi32> to vector<16xi32>
          tpu.vector_store %arg7[%swap3A_529], %swap3A_532 {strides = array<i32>} : memref<16000xi32, #tpu.memory_space<vmem>>, vector<16xi32>,
          %add3A_533 = arith.constant 300000 : i32
          %add3A_534 = vector.broadcast %add3A_533 : i32 to vector<16xi32>
          %add3A_535 = arith.addi %get3A_487, %add3A_534 : vector<16xi32>
          %add3A_536 = arith.constant 14000 : i32
          %add3A_537 = arith.addi %add3A_536, %mul3A_479 : i32
          %swap3A_538 = arith.index_cast %add3A_537 : i32 to index
          %swap3A_539 = tpu.vector_load %arg7[%swap3A_538] {strides = array<i32>} : memref<16000xi32, #tpu.memory_space<vmem>>, vector<16xi32>,
          %swap3A_540 = vector.shape_cast %swap3A_539 : vector<16xi32> to vector<16xi32>
          %swap3A_541 = vector.shape_cast %add3A_535 : vector<16xi32> to vector<16xi32>
          tpu.vector_store %arg7[%swap3A_538], %swap3A_541 {strides = array<i32>} : memref<16000xi32, #tpu.memory_space<vmem>>, vector<16xi32>,
        }
        %scan3A_210 = arith.constant 124 : i32
        %scan3A_211 = arith.addi %scan3A_206, %scan3A_210 : i32
        %mul3A_212 = arith.constant 16 : i32
        %mul3A_213 = arith.muli %scan3A_211, %mul3A_212 : i32
        %get3A_214 = arith.index_cast %mul3A_213 : i32 to index
        %get3A_215 = tpu.vector_load %arg7[%get3A_214] {strides = array<i32>} : memref<16000xi32, #tpu.memory_space<vmem>>, vector<16xi32>,
        %get3A_216 = vector.shape_cast %get3A_215 : vector<16xi32> to vector<16xi32>
        %add3A_217 = arith.constant 8000 : i32
        %add3A_218 = arith.addi %add3A_217, %mul3A_213 : i32
        %get3A_219 = arith.index_cast %add3A_218 : i32 to index
        %get3A_220 = tpu.vector_load %arg7[%get3A_219] {strides = array<i32>} : memref<16000xi32, #tpu.memory_space<vmem>>, vector<16xi32>,
        %get3A_221 = vector.shape_cast %get3A_220 : vector<16xi32> to vector<16xi32>
        %add3A_222 = arith.constant 100000 : i32
        %add3A_223 = vector.broadcast %add3A_222 : i32 to vector<16xi32>
        %add3A_224 = arith.addi %get3A_216, %add3A_223 : vector<16xi32>
        %add3A_225 = arith.constant 2000 : i32
        %add3A_226 = arith.addi %add3A_225, %mul3A_213 : i32
        %swap3A_227 = arith.index_cast %add3A_226 : i32 to index
        %swap3A_228 = tpu.vector_load %arg7[%swap3A_227] {strides = array<i32>} : memref<16000xi32, #tpu.memory_space<vmem>>, vector<16xi32>,
        %swap3A_229 = vector.shape_cast %swap3A_228 : vector<16xi32> to vector<16xi32>
        %swap3A_230 = vector.shape_cast %add3A_224 : vector<16xi32> to vector<16xi32>
        tpu.vector_store %arg7[%swap3A_227], %swap3A_230 {strides = array<i32>} : memref<16000xi32, #tpu.memory_space<vmem>>, vector<16xi32>,
        %add3A_231 = arith.constant 200000 : i32
        %add3A_232 = vector.broadcast %add3A_231 : i32 to vector<16xi32>
        %add3A_233 = arith.addi %get3A_216, %add3A_232 : vector<16xi32>
        %add3A_234 = arith.constant 4000 : i32
        %add3A_235 = arith.addi %add3A_234, %mul3A_213 : i32
        %swap3A_236 = arith.index_cast %add3A_235 : i32 to index
        %swap3A_237 = tpu.vector_load %arg7[%swap3A_236] {strides = array<i32>} : memref<16000xi32, #tpu.memory_space<vmem>>, vector<16xi32>,
        %swap3A_238 = vector.shape_cast %swap3A_237 : vector<16xi32> to vector<16xi32>
        %swap3A_239 = vector.shape_cast %add3A_233 : vector<16xi32> to vector<16xi32>
        tpu.vector_store %arg7[%swap3A_236], %swap3A_239 {strides = array<i32>} : memref<16000xi32, #tpu.memory_space<vmem>>, vector<16xi32>,
        %add3A_240 = arith.constant 300000 : i32
        %add3A_241 = vector.broadcast %add3A_240 : i32 to vector<16xi32>
        %add3A_242 = arith.addi %get3A_216, %add3A_241 : vector<16xi32>
        %add3A_243 = arith.constant 6000 : i32
        %add3A_244 = arith.addi %add3A_243, %mul3A_213 : i32
        %swap3A_245 = arith.index_cast %add3A_244 : i32 to index
        %swap3A_246 = tpu.vector_load %arg7[%swap3A_245] {strides = array<i32>} : memref<16000xi32, #tpu.memory_space<vmem>>, vector<16xi32>,
        %swap3A_247 = vector.shape_cast %swap3A_246 : vector<16xi32> to vector<16xi32>
        %swap3A_248 = vector.shape_cast %add3A_242 : vector<16xi32> to vector<16xi32>
        tpu.vector_store %arg7[%swap3A_245], %swap3A_248 {strides = array<i32>} : memref<16000xi32, #tpu.memory_space<vmem>>, vector<16xi32>,
        %add3A_249 = arith.constant 100000 : i32
        %add3A_250 = vector.broadcast %add3A_249 : i32 to vector<16xi32>
        %add3A_251 = arith.addi %get3A_221, %add3A_250 : vector<16xi32>
        %add3A_252 = arith.constant 10000 : i32
        %add3A_253 = arith.addi %add3A_252, %mul3A_213 : i32
        %swap3A_254 = arith.index_cast %add3A_253 : i32 to index
        %swap3A_255 = tpu.vector_load %arg7[%swap3A_254] {strides = array<i32>} : memref<16000xi32, #tpu.memory_space<vmem>>, vector<16xi32>,
        %swap3A_256 = vector.shape_cast %swap3A_255 : vector<16xi32> to vector<16xi32>
        %swap3A_257 = vector.shape_cast %add3A_251 : vector<16xi32> to vector<16xi32>
        tpu.vector_store %arg7[%swap3A_254], %swap3A_257 {strides = array<i32>} : memref<16000xi32, #tpu.memory_space<vmem>>, vector<16xi32>,
        %add3A_258 = arith.constant 200000 : i32
        %add3A_259 = vector.broadcast %add3A_258 : i32 to vector<16xi32>
        %add3A_260 = arith.addi %get3A_221, %add3A_259 : vector<16xi32>
        %add3A_261 = arith.constant 12000 : i32
        %add3A_262 = arith.addi %add3A_261, %mul3A_213 : i32
        %swap3A_263 = arith.index_cast %add3A_262 : i32 to index
        %swap3A_264 = tpu.vector_load %arg7[%swap3A_263] {strides = array<i32>} : memref<16000xi32, #tpu.memory_space<vmem>>, vector<16xi32>,
        %swap3A_265 = vector.shape_cast %swap3A_264 : vector<16xi32> to vector<16xi32>
        %swap3A_266 = vector.shape_cast %add3A_260 : vector<16xi32> to vector<16xi32>
        tpu.vector_store %arg7[%swap3A_263], %swap3A_266 {strides = array<i32>} : memref<16000xi32, #tpu.memory_space<vmem>>, vector<16xi32>,
        %add3A_267 = arith.constant 300000 : i32
        %add3A_268 = vector.broadcast %add3A_267 : i32 to vector<16xi32>
        %add3A_269 = arith.addi %get3A_221, %add3A_268 : vector<16xi32>
        %add3A_270 = arith.constant 14000 : i32
        %add3A_271 = arith.addi %add3A_270, %mul3A_213 : i32
        %swap3A_272 = arith.index_cast %add3A_271 : i32 to index
        %swap3A_273 = tpu.vector_load %arg7[%swap3A_272] {strides = array<i32>} : memref<16000xi32, #tpu.memory_space<vmem>>, vector<16xi32>,
        %swap3A_274 = vector.shape_cast %swap3A_273 : vector<16xi32> to vector<16xi32>
        %swap3A_275 = vector.shape_cast %add3A_269 : vector<16xi32> to vector<16xi32>
        tpu.vector_store %arg7[%swap3A_272], %swap3A_275 {strides = array<i32>} : memref<16000xi32, #tpu.memory_space<vmem>>, vector<16xi32>,
        %scan3A_276 = arith.constant 125 : i32
        %dma_start3A_277 = arith.constant 0 : i32
        %dma_start3A_278 = tpu.memref_slice %arg6[%dma_start3A_277] : memref<400000xf32, #tpu.memory_space<vmem_shared>> -> memref<400000xf32, #tpu.memory_space<vmem_shared>>
        tpu.enqueue_indirect_dma source(%dma_start3A_278 : memref<400000xf32, #tpu.memory_space<vmem_shared>>) target(%arg9 : memref<16000xf32, #tpu.memory_space<vmem>>) offsets(%arg7 : memref<16000xi32, #tpu.memory_space<vmem>>) semaphore(%arg11 : memref<!tpu.dma_semaphore, #tpu.memory_space<semaphore_mem>>)
      } else {
      }
      %dma_wait3A_183 = arith.constant 0 : i32
      %dma_wait3A_184 = tpu.memref_slice %arg6[%dma_wait3A_183] : memref<400000xf32, #tpu.memory_space<vmem_shared>> -> memref<400000xf32, #tpu.memory_space<vmem_shared>>
      tpu.wait_indirect_dma semaphore(%arg12 : memref<!tpu.dma_semaphore, #tpu.memory_space<semaphore_mem>>) src(%dma_wait3A_184 : memref<400000xf32, #tpu.memory_space<vmem_shared>>) dst(%arg10 : memref<16000xf32, #tpu.memory_space<vmem>>)
      %add3A_185 = arith.constant 1 : i32
      %add3A_186 = arith.addi %mul3A_85, %add3A_185 : i32
      %scan3A_187 = arith.constant 0 : i32
      %scan3A_188 = arith.constant 0 : i32
      %scan3A_189 = arith.constant 125 : i32
      %scan3A_190 = arith.addi %scan3A_188, %scan3A_189 : i32
      %scan3A_191 = arith.constant 5 : i32
      scf.for %scan3A_198 = %scan3A_188 to %scan3A_190 step %scan3A_191  : i32 {
        %mul3A_199 = arith.constant 16 : i32
        %mul3A_200 = arith.muli %scan3A_198, %mul3A_199 : i32
        %get3A_201 = arith.index_cast %mul3A_200 : i32 to index
        %get3A_202 = tpu.vector_load %arg10[%get3A_201] {strides = array<i32>} : memref<16000xf32, #tpu.memory_space<vmem>>, vector<16xf32>,
        %get3A_203 = vector.shape_cast %get3A_202 : vector<16xf32> to vector<16xf32>
        %add3A_204 = arith.constant 2000 : i32
        %add3A_205 = arith.addi %add3A_204, %mul3A_200 : i32
        %get3A_206 = arith.index_cast %add3A_205 : i32 to index
        %get3A_207 = tpu.vector_load %arg10[%get3A_206] {strides = array<i32>} : memref<16000xf32, #tpu.memory_space<vmem>>, vector<16xf32>,
        %get3A_208 = vector.shape_cast %get3A_207 : vector<16xf32> to vector<16xf32>
        %add3A_209 = arith.constant 4000 : i32
        %add3A_210 = arith.addi %add3A_209, %mul3A_200 : i32
        %get3A_211 = arith.index_cast %add3A_210 : i32 to index
        %get3A_212 = tpu.vector_load %arg10[%get3A_211] {strides = array<i32>} : memref<16000xf32, #tpu.memory_space<vmem>>, vector<16xf32>,
        %get3A_213 = vector.shape_cast %get3A_212 : vector<16xf32> to vector<16xf32>
        %add3A_214 = arith.constant 6000 : i32
        %add3A_215 = arith.addi %add3A_214, %mul3A_200 : i32
        %get3A_216 = arith.index_cast %add3A_215 : i32 to index
        %get3A_217 = tpu.vector_load %arg10[%get3A_216] {strides = array<i32>} : memref<16000xf32, #tpu.memory_space<vmem>>, vector<16xf32>,
        %get3A_218 = vector.shape_cast %get3A_217 : vector<16xf32> to vector<16xf32>
        %add3A_219 = arith.constant 8000 : i32
        %add3A_220 = arith.addi %add3A_219, %mul3A_200 : i32
        %get3A_221 = arith.index_cast %add3A_220 : i32 to index
        %get3A_222 = tpu.vector_load %arg10[%get3A_221] {strides = array<i32>} : memref<16000xf32, #tpu.memory_space<vmem>>, vector<16xf32>,
        %get3A_223 = vector.shape_cast %get3A_222 : vector<16xf32> to vector<16xf32>
        %add3A_224 = arith.constant 10000 : i32
        %add3A_225 = arith.addi %add3A_224, %mul3A_200 : i32
        %get3A_226 = arith.index_cast %add3A_225 : i32 to index
        %get3A_227 = tpu.vector_load %arg10[%get3A_226] {strides = array<i32>} : memref<16000xf32, #tpu.memory_space<vmem>>, vector<16xf32>,
        %get3A_228 = vector.shape_cast %get3A_227 : vector<16xf32> to vector<16xf32>
        %add3A_229 = arith.constant 12000 : i32
        %add3A_230 = arith.addi %add3A_229, %mul3A_200 : i32
        %get3A_231 = arith.index_cast %add3A_230 : i32 to index
        %get3A_232 = tpu.vector_load %arg10[%get3A_231] {strides = array<i32>} : memref<16000xf32, #tpu.memory_space<vmem>>, vector<16xf32>,
        %get3A_233 = vector.shape_cast %get3A_232 : vector<16xf32> to vector<16xf32>
        %add3A_234 = arith.constant 14000 : i32
        %add3A_235 = arith.addi %add3A_234, %mul3A_200 : i32
        %get3A_236 = arith.index_cast %add3A_235 : i32 to index
        %get3A_237 = tpu.vector_load %arg10[%get3A_236] {strides = array<i32>} : memref<16000xf32, #tpu.memory_space<vmem>>, vector<16xf32>,
        %get3A_238 = vector.shape_cast %get3A_237 : vector<16xf32> to vector<16xf32>
        %sub3A = arith.subf %get3A_213, %get3A_233 : vector<16xf32>
        %sub3A_239 = arith.subf %get3A_203, %get3A_223 : vector<16xf32>
        %sub3A_240 = arith.subf %get3A_208, %get3A_228 : vector<16xf32>
        %sub3A_241 = arith.subf %get3A_218, %get3A_238 : vector<16xf32>
        %mul3A_242 = arith.mulf %sub3A_241, %sub3A_241 : vector<16xf32>
        %mul3A_243 = arith.mulf %sub3A_240, %sub3A_240 : vector<16xf32>
        %add3A_244 = arith.addf %mul3A_242, %mul3A_243 : vector<16xf32>
        %mul3A_245 = arith.mulf %get3A_203, %sub3A : vector<16xf32>
        %div3A = arith.divf %mul3A_245, %sub3A_239 : vector<16xf32>
        %sub3A_246 = arith.subf %get3A_213, %div3A : vector<16xf32>
        %mul3A_247 = arith.mulf %sub3A_240, %sub3A_240 : vector<16xf32>
        %mul3A_248 = arith.constant 3.600000e-05 : f32
        %mul3A_249 = vector.broadcast %mul3A_248 : f32 to vector<16xf32>
        %mul3A_250 = arith.mulf %mul3A_249, %add3A_244 : vector<16xf32>
        %lt3A_251 = arith.cmpf olt, %mul3A_247, %mul3A_250 : vector<16xf32>
        %abs3A = math.absf %sub3A_246 : vector<16xf32>
        %lt3A_252 = arith.constant 1.500000e+02 : f32
        %lt3A_253 = vector.broadcast %lt3A_252 : f32 to vector<16xf32>
        %lt3A_254 = arith.cmpf olt, %abs3A, %lt3A_253 : vector<16xf32>
        %and3A = arith.andi %lt3A_251, %lt3A_254 : vector<16xi1>
        %lt3A_255 = arith.constant 2.890000e+00 : f32
        %lt3A_256 = vector.broadcast %lt3A_255 : f32 to vector<16xf32>
        %lt3A_257 = arith.cmpf olt, %add3A_244, %lt3A_256 : vector<16xf32>
        %and3A_258 = arith.andi %and3A, %lt3A_257 : vector<16xi1>
        %jit3A = arith.constant 1 : i32
        %jit3A_259 = arith.constant 0 : i32
        %broadcast_in_dim3A = vector.broadcast %jit3A : i32 to vector<16xi32>
        %broadcast_in_dim3A_260 = vector.broadcast %jit3A_259 : i32 to vector<16xi32>
        %select_n3A = arith.select %and3A_258, %broadcast_in_dim3A, %broadcast_in_dim3A_260 : vector<16xi1>, vector<16xi32>
        %swap3A_261 = arith.index_cast %mul3A_200 : i32 to index
        %swap3A_262 = tpu.vector_load %arg8[%swap3A_261] {strides = array<i32>} : memref<16000xi32, #tpu.memory_space<vmem>>, vector<16xi32>,
        %swap3A_263 = vector.shape_cast %swap3A_262 : vector<16xi32> to vector<16xi32>
        %swap3A_264 = vector.shape_cast %select_n3A : vector<16xi32> to vector<16xi32>
        tpu.vector_store %arg8[%swap3A_261], %swap3A_264 {strides = array<i32>} : memref<16000xi32, #tpu.memory_space<vmem>>, vector<16xi32>,
        %scan3A_265 = arith.constant 1 : i32
        %scan3A_266 = arith.addi %scan3A_198, %scan3A_265 : i32
        %mul3A_267 = arith.constant 16 : i32
        %mul3A_268 = arith.muli %scan3A_266, %mul3A_267 : i32
        %get3A_269 = arith.index_cast %mul3A_268 : i32 to index
        %get3A_270 = tpu.vector_load %arg10[%get3A_269] {strides = array<i32>} : memref<16000xf32, #tpu.memory_space<vmem>>, vector<16xf32>,
        %get3A_271 = vector.shape_cast %get3A_270 : vector<16xf32> to vector<16xf32>
        %add3A_272 = arith.constant 2000 : i32
        %add3A_273 = arith.addi %add3A_272, %mul3A_268 : i32
        %get3A_274 = arith.index_cast %add3A_273 : i32 to index
        %get3A_275 = tpu.vector_load %arg10[%get3A_274] {strides = array<i32>} : memref<16000xf32, #tpu.memory_space<vmem>>, vector<16xf32>,
        %get3A_276 = vector.shape_cast %get3A_275 : vector<16xf32> to vector<16xf32>
        %add3A_277 = arith.constant 4000 : i32
        %add3A_278 = arith.addi %add3A_277, %mul3A_268 : i32
        %get3A_279 = arith.index_cast %add3A_278 : i32 to index
        %get3A_280 = tpu.vector_load %arg10[%get3A_279] {strides = array<i32>} : memref<16000xf32, #tpu.memory_space<vmem>>, vector<16xf32>,
        %get3A_281 = vector.shape_cast %get3A_280 : vector<16xf32> to vector<16xf32>
        %add3A_282 = arith.constant 6000 : i32
        %add3A_283 = arith.addi %add3A_282, %mul3A_268 : i32
        %get3A_284 = arith.index_cast %add3A_283 : i32 to index
        %get3A_285 = tpu.vector_load %arg10[%get3A_284] {strides = array<i32>} : memref<16000xf32, #tpu.memory_space<vmem>>, vector<16xf32>,
        %get3A_286 = vector.shape_cast %get3A_285 : vector<16xf32> to vector<16xf32>
        %add3A_287 = arith.constant 8000 : i32
        %add3A_288 = arith.addi %add3A_287, %mul3A_268 : i32
        %get3A_289 = arith.index_cast %add3A_288 : i32 to index
        %get3A_290 = tpu.vector_load %arg10[%get3A_289] {strides = array<i32>} : memref<16000xf32, #tpu.memory_space<vmem>>, vector<16xf32>,
        %get3A_291 = vector.shape_cast %get3A_290 : vector<16xf32> to vector<16xf32>
        %add3A_292 = arith.constant 10000 : i32
        %add3A_293 = arith.addi %add3A_292, %mul3A_268 : i32
        %get3A_294 = arith.index_cast %add3A_293 : i32 to index
        %get3A_295 = tpu.vector_load %arg10[%get3A_294] {strides = array<i32>} : memref<16000xf32, #tpu.memory_space<vmem>>, vector<16xf32>,
        %get3A_296 = vector.shape_cast %get3A_295 : vector<16xf32> to vector<16xf32>
        %add3A_297 = arith.constant 12000 : i32
        %add3A_298 = arith.addi %add3A_297, %mul3A_268 : i32
        %get3A_299 = arith.index_cast %add3A_298 : i32 to index
        %get3A_300 = tpu.vector_load %arg10[%get3A_299] {strides = array<i32>} : memref<16000xf32, #tpu.memory_space<vmem>>, vector<16xf32>,
        %get3A_301 = vector.shape_cast %get3A_300 : vector<16xf32> to vector<16xf32>
        %add3A_302 = arith.constant 14000 : i32
        %add3A_303 = arith.addi %add3A_302, %mul3A_268 : i32
        %get3A_304 = arith.index_cast %add3A_303 : i32 to index
        %get3A_305 = tpu.vector_load %arg10[%get3A_304] {strides = array<i32>} : memref<16000xf32, #tpu.memory_space<vmem>>, vector<16xf32>,
        %get3A_306 = vector.shape_cast %get3A_305 : vector<16xf32> to vector<16xf32>
        %sub3A_307 = arith.subf %get3A_281, %get3A_301 : vector<16xf32>
        %sub3A_308 = arith.subf %get3A_271, %get3A_291 : vector<16xf32>
        %sub3A_309 = arith.subf %get3A_276, %get3A_296 : vector<16xf32>
        %sub3A_310 = arith.subf %get3A_286, %get3A_306 : vector<16xf32>
        %mul3A_311 = arith.mulf %sub3A_310, %sub3A_310 : vector<16xf32>
        %mul3A_312 = arith.mulf %sub3A_309, %sub3A_309 : vector<16xf32>
        %add3A_313 = arith.addf %mul3A_311, %mul3A_312 : vector<16xf32>
        %mul3A_314 = arith.mulf %get3A_271, %sub3A_307 : vector<16xf32>
        %div3A_315 = arith.divf %mul3A_314, %sub3A_308 : vector<16xf32>
        %sub3A_316 = arith.subf %get3A_281, %div3A_315 : vector<16xf32>
        %mul3A_317 = arith.mulf %sub3A_309, %sub3A_309 : vector<16xf32>
        %mul3A_318 = arith.constant 3.600000e-05 : f32
        %mul3A_319 = vector.broadcast %mul3A_318 : f32 to vector<16xf32>
        %mul3A_320 = arith.mulf %mul3A_319, %add3A_313 : vector<16xf32>
        %lt3A_321 = arith.cmpf olt, %mul3A_317, %mul3A_320 : vector<16xf32>
        %abs3A_322 = math.absf %sub3A_316 : vector<16xf32>
        %lt3A_323 = arith.constant 1.500000e+02 : f32
        %lt3A_324 = vector.broadcast %lt3A_323 : f32 to vector<16xf32>
        %lt3A_325 = arith.cmpf olt, %abs3A_322, %lt3A_324 : vector<16xf32>
        %and3A_326 = arith.andi %lt3A_321, %lt3A_325 : vector<16xi1>
        %lt3A_327 = arith.constant 2.890000e+00 : f32
        %lt3A_328 = vector.broadcast %lt3A_327 : f32 to vector<16xf32>
        %lt3A_329 = arith.cmpf olt, %add3A_313, %lt3A_328 : vector<16xf32>
        %and3A_330 = arith.andi %and3A_326, %lt3A_329 : vector<16xi1>
        %jit3A_331 = arith.constant 1 : i32
        %jit3A_332 = arith.constant 0 : i32
        %broadcast_in_dim3A_333 = vector.broadcast %jit3A_331 : i32 to vector<16xi32>
        %broadcast_in_dim3A_334 = vector.broadcast %jit3A_332 : i32 to vector<16xi32>
        %select_n3A_335 = arith.select %and3A_330, %broadcast_in_dim3A_333, %broadcast_in_dim3A_334 : vector<16xi1>, vector<16xi32>
        %swap3A_336 = arith.index_cast %mul3A_268 : i32 to index
        %swap3A_337 = tpu.vector_load %arg8[%swap3A_336] {strides = array<i32>} : memref<16000xi32, #tpu.memory_space<vmem>>, vector<16xi32>,
        %swap3A_338 = vector.shape_cast %swap3A_337 : vector<16xi32> to vector<16xi32>
        %swap3A_339 = vector.shape_cast %select_n3A_335 : vector<16xi32> to vector<16xi32>
        tpu.vector_store %arg8[%swap3A_336], %swap3A_339 {strides = array<i32>} : memref<16000xi32, #tpu.memory_space<vmem>>, vector<16xi32>,
        %scan3A_340 = arith.constant 2 : i32
        %scan3A_341 = arith.addi %scan3A_198, %scan3A_340 : i32
        %mul3A_342 = arith.constant 16 : i32
        %mul3A_343 = arith.muli %scan3A_341, %mul3A_342 : i32
        %get3A_344 = arith.index_cast %mul3A_343 : i32 to index
        %get3A_345 = tpu.vector_load %arg10[%get3A_344] {strides = array<i32>} : memref<16000xf32, #tpu.memory_space<vmem>>, vector<16xf32>,
        %get3A_346 = vector.shape_cast %get3A_345 : vector<16xf32> to vector<16xf32>
        %add3A_347 = arith.constant 2000 : i32
        %add3A_348 = arith.addi %add3A_347, %mul3A_343 : i32
        %get3A_349 = arith.index_cast %add3A_348 : i32 to index
        %get3A_350 = tpu.vector_load %arg10[%get3A_349] {strides = array<i32>} : memref<16000xf32, #tpu.memory_space<vmem>>, vector<16xf32>,
        %get3A_351 = vector.shape_cast %get3A_350 : vector<16xf32> to vector<16xf32>
        %add3A_352 = arith.constant 4000 : i32
        %add3A_353 = arith.addi %add3A_352, %mul3A_343 : i32
        %get3A_354 = arith.index_cast %add3A_353 : i32 to index
        %get3A_355 = tpu.vector_load %arg10[%get3A_354] {strides = array<i32>} : memref<16000xf32, #tpu.memory_space<vmem>>, vector<16xf32>,
        %get3A_356 = vector.shape_cast %get3A_355 : vector<16xf32> to vector<16xf32>
        %add3A_357 = arith.constant 6000 : i32
        %add3A_358 = arith.addi %add3A_357, %mul3A_343 : i32
        %get3A_359 = arith.index_cast %add3A_358 : i32 to index
        %get3A_360 = tpu.vector_load %arg10[%get3A_359] {strides = array<i32>} : memref<16000xf32, #tpu.memory_space<vmem>>, vector<16xf32>,
        %get3A_361 = vector.shape_cast %get3A_360 : vector<16xf32> to vector<16xf32>
        %add3A_362 = arith.constant 8000 : i32
        %add3A_363 = arith.addi %add3A_362, %mul3A_343 : i32
        %get3A_364 = arith.index_cast %add3A_363 : i32 to index
        %get3A_365 = tpu.vector_load %arg10[%get3A_364] {strides = array<i32>} : memref<16000xf32, #tpu.memory_space<vmem>>, vector<16xf32>,
        %get3A_366 = vector.shape_cast %get3A_365 : vector<16xf32> to vector<16xf32>
        %add3A_367 = arith.constant 10000 : i32
        %add3A_368 = arith.addi %add3A_367, %mul3A_343 : i32
        %get3A_369 = arith.index_cast %add3A_368 : i32 to index
        %get3A_370 = tpu.vector_load %arg10[%get3A_369] {strides = array<i32>} : memref<16000xf32, #tpu.memory_space<vmem>>, vector<16xf32>,
        %get3A_371 = vector.shape_cast %get3A_370 : vector<16xf32> to vector<16xf32>
        %add3A_372 = arith.constant 12000 : i32
        %add3A_373 = arith.addi %add3A_372, %mul3A_343 : i32
        %get3A_374 = arith.index_cast %add3A_373 : i32 to index
        %get3A_375 = tpu.vector_load %arg10[%get3A_374] {strides = array<i32>} : memref<16000xf32, #tpu.memory_space<vmem>>, vector<16xf32>,
        %get3A_376 = vector.shape_cast %get3A_375 : vector<16xf32> to vector<16xf32>
        %add3A_377 = arith.constant 14000 : i32
        %add3A_378 = arith.addi %add3A_377, %mul3A_343 : i32
        %get3A_379 = arith.index_cast %add3A_378 : i32 to index
        %get3A_380 = tpu.vector_load %arg10[%get3A_379] {strides = array<i32>} : memref<16000xf32, #tpu.memory_space<vmem>>, vector<16xf32>,
        %get3A_381 = vector.shape_cast %get3A_380 : vector<16xf32> to vector<16xf32>
        %sub3A_382 = arith.subf %get3A_356, %get3A_376 : vector<16xf32>
        %sub3A_383 = arith.subf %get3A_346, %get3A_366 : vector<16xf32>
        %sub3A_384 = arith.subf %get3A_351, %get3A_371 : vector<16xf32>
        %sub3A_385 = arith.subf %get3A_361, %get3A_381 : vector<16xf32>
        %mul3A_386 = arith.mulf %sub3A_385, %sub3A_385 : vector<16xf32>
        %mul3A_387 = arith.mulf %sub3A_384, %sub3A_384 : vector<16xf32>
        %add3A_388 = arith.addf %mul3A_386, %mul3A_387 : vector<16xf32>
        %mul3A_389 = arith.mulf %get3A_346, %sub3A_382 : vector<16xf32>
        %div3A_390 = arith.divf %mul3A_389, %sub3A_383 : vector<16xf32>
        %sub3A_391 = arith.subf %get3A_356, %div3A_390 : vector<16xf32>
        %mul3A_392 = arith.mulf %sub3A_384, %sub3A_384 : vector<16xf32>
        %mul3A_393 = arith.constant 3.600000e-05 : f32
        %mul3A_394 = vector.broadcast %mul3A_393 : f32 to vector<16xf32>
        %mul3A_395 = arith.mulf %mul3A_394, %add3A_388 : vector<16xf32>
        %lt3A_396 = arith.cmpf olt, %mul3A_392, %mul3A_395 : vector<16xf32>
        %abs3A_397 = math.absf %sub3A_391 : vector<16xf32>
        %lt3A_398 = arith.constant 1.500000e+02 : f32
        %lt3A_399 = vector.broadcast %lt3A_398 : f32 to vector<16xf32>
        %lt3A_400 = arith.cmpf olt, %abs3A_397, %lt3A_399 : vector<16xf32>
        %and3A_401 = arith.andi %lt3A_396, %lt3A_400 : vector<16xi1>
        %lt3A_402 = arith.constant 2.890000e+00 : f32
        %lt3A_403 = vector.broadcast %lt3A_402 : f32 to vector<16xf32>
        %lt3A_404 = arith.cmpf olt, %add3A_388, %lt3A_403 : vector<16xf32>
        %and3A_405 = arith.andi %and3A_401, %lt3A_404 : vector<16xi1>
        %jit3A_406 = arith.constant 1 : i32
        %jit3A_407 = arith.constant 0 : i32
        %broadcast_in_dim3A_408 = vector.broadcast %jit3A_406 : i32 to vector<16xi32>
        %broadcast_in_dim3A_409 = vector.broadcast %jit3A_407 : i32 to vector<16xi32>
        %select_n3A_410 = arith.select %and3A_405, %broadcast_in_dim3A_408, %broadcast_in_dim3A_409 : vector<16xi1>, vector<16xi32>
        %swap3A_411 = arith.index_cast %mul3A_343 : i32 to index
        %swap3A_412 = tpu.vector_load %arg8[%swap3A_411] {strides = array<i32>} : memref<16000xi32, #tpu.memory_space<vmem>>, vector<16xi32>,
        %swap3A_413 = vector.shape_cast %swap3A_412 : vector<16xi32> to vector<16xi32>
        %swap3A_414 = vector.shape_cast %select_n3A_410 : vector<16xi32> to vector<16xi32>
        tpu.vector_store %arg8[%swap3A_411], %swap3A_414 {strides = array<i32>} : memref<16000xi32, #tpu.memory_space<vmem>>, vector<16xi32>,
        %scan3A_415 = arith.constant 3 : i32
        %scan3A_416 = arith.addi %scan3A_198, %scan3A_415 : i32
        %mul3A_417 = arith.constant 16 : i32
        %mul3A_418 = arith.muli %scan3A_416, %mul3A_417 : i32
        %get3A_419 = arith.index_cast %mul3A_418 : i32 to index
        %get3A_420 = tpu.vector_load %arg10[%get3A_419] {strides = array<i32>} : memref<16000xf32, #tpu.memory_space<vmem>>, vector<16xf32>,
        %get3A_421 = vector.shape_cast %get3A_420 : vector<16xf32> to vector<16xf32>
        %add3A_422 = arith.constant 2000 : i32
        %add3A_423 = arith.addi %add3A_422, %mul3A_418 : i32
        %get3A_424 = arith.index_cast %add3A_423 : i32 to index
        %get3A_425 = tpu.vector_load %arg10[%get3A_424] {strides = array<i32>} : memref<16000xf32, #tpu.memory_space<vmem>>, vector<16xf32>,
        %get3A_426 = vector.shape_cast %get3A_425 : vector<16xf32> to vector<16xf32>
        %add3A_427 = arith.constant 4000 : i32
        %add3A_428 = arith.addi %add3A_427, %mul3A_418 : i32
        %get3A_429 = arith.index_cast %add3A_428 : i32 to index
        %get3A_430 = tpu.vector_load %arg10[%get3A_429] {strides = array<i32>} : memref<16000xf32, #tpu.memory_space<vmem>>, vector<16xf32>,
        %get3A_431 = vector.shape_cast %get3A_430 : vector<16xf32> to vector<16xf32>
        %add3A_432 = arith.constant 6000 : i32
        %add3A_433 = arith.addi %add3A_432, %mul3A_418 : i32
        %get3A_434 = arith.index_cast %add3A_433 : i32 to index
        %get3A_435 = tpu.vector_load %arg10[%get3A_434] {strides = array<i32>} : memref<16000xf32, #tpu.memory_space<vmem>>, vector<16xf32>,
        %get3A_436 = vector.shape_cast %get3A_435 : vector<16xf32> to vector<16xf32>
        %add3A_437 = arith.constant 8000 : i32
        %add3A_438 = arith.addi %add3A_437, %mul3A_418 : i32
        %get3A_439 = arith.index_cast %add3A_438 : i32 to index
        %get3A_440 = tpu.vector_load %arg10[%get3A_439] {strides = array<i32>} : memref<16000xf32, #tpu.memory_space<vmem>>, vector<16xf32>,
        %get3A_441 = vector.shape_cast %get3A_440 : vector<16xf32> to vector<16xf32>
        %add3A_442 = arith.constant 10000 : i32
        %add3A_443 = arith.addi %add3A_442, %mul3A_418 : i32
        %get3A_444 = arith.index_cast %add3A_443 : i32 to index
        %get3A_445 = tpu.vector_load %arg10[%get3A_444] {strides = array<i32>} : memref<16000xf32, #tpu.memory_space<vmem>>, vector<16xf32>,
        %get3A_446 = vector.shape_cast %get3A_445 : vector<16xf32> to vector<16xf32>
        %add3A_447 = arith.constant 12000 : i32
        %add3A_448 = arith.addi %add3A_447, %mul3A_418 : i32
        %get3A_449 = arith.index_cast %add3A_448 : i32 to index
        %get3A_450 = tpu.vector_load %arg10[%get3A_449] {strides = array<i32>} : memref<16000xf32, #tpu.memory_space<vmem>>, vector<16xf32>,
        %get3A_451 = vector.shape_cast %get3A_450 : vector<16xf32> to vector<16xf32>
        %add3A_452 = arith.constant 14000 : i32
        %add3A_453 = arith.addi %add3A_452, %mul3A_418 : i32
        %get3A_454 = arith.index_cast %add3A_453 : i32 to index
        %get3A_455 = tpu.vector_load %arg10[%get3A_454] {strides = array<i32>} : memref<16000xf32, #tpu.memory_space<vmem>>, vector<16xf32>,
        %get3A_456 = vector.shape_cast %get3A_455 : vector<16xf32> to vector<16xf32>
        %sub3A_457 = arith.subf %get3A_431, %get3A_451 : vector<16xf32>
        %sub3A_458 = arith.subf %get3A_421, %get3A_441 : vector<16xf32>
        %sub3A_459 = arith.subf %get3A_426, %get3A_446 : vector<16xf32>
        %sub3A_460 = arith.subf %get3A_436, %get3A_456 : vector<16xf32>
        %mul3A_461 = arith.mulf %sub3A_460, %sub3A_460 : vector<16xf32>
        %mul3A_462 = arith.mulf %sub3A_459, %sub3A_459 : vector<16xf32>
        %add3A_463 = arith.addf %mul3A_461, %mul3A_462 : vector<16xf32>
        %mul3A_464 = arith.mulf %get3A_421, %sub3A_457 : vector<16xf32>
        %div3A_465 = arith.divf %mul3A_464, %sub3A_458 : vector<16xf32>
        %sub3A_466 = arith.subf %get3A_431, %div3A_465 : vector<16xf32>
        %mul3A_467 = arith.mulf %sub3A_459, %sub3A_459 : vector<16xf32>
        %mul3A_468 = arith.constant 3.600000e-05 : f32
        %mul3A_469 = vector.broadcast %mul3A_468 : f32 to vector<16xf32>
        %mul3A_470 = arith.mulf %mul3A_469, %add3A_463 : vector<16xf32>
        %lt3A_471 = arith.cmpf olt, %mul3A_467, %mul3A_470 : vector<16xf32>
        %abs3A_472 = math.absf %sub3A_466 : vector<16xf32>
        %lt3A_473 = arith.constant 1.500000e+02 : f32
        %lt3A_474 = vector.broadcast %lt3A_473 : f32 to vector<16xf32>
        %lt3A_475 = arith.cmpf olt, %abs3A_472, %lt3A_474 : vector<16xf32>
        %and3A_476 = arith.andi %lt3A_471, %lt3A_475 : vector<16xi1>
        %lt3A_477 = arith.constant 2.890000e+00 : f32
        %lt3A_478 = vector.broadcast %lt3A_477 : f32 to vector<16xf32>
        %lt3A_479 = arith.cmpf olt, %add3A_463, %lt3A_478 : vector<16xf32>
        %and3A_480 = arith.andi %and3A_476, %lt3A_479 : vector<16xi1>
        %jit3A_481 = arith.constant 1 : i32
        %jit3A_482 = arith.constant 0 : i32
        %broadcast_in_dim3A_483 = vector.broadcast %jit3A_481 : i32 to vector<16xi32>
        %broadcast_in_dim3A_484 = vector.broadcast %jit3A_482 : i32 to vector<16xi32>
        %select_n3A_485 = arith.select %and3A_480, %broadcast_in_dim3A_483, %broadcast_in_dim3A_484 : vector<16xi1>, vector<16xi32>
        %swap3A_486 = arith.index_cast %mul3A_418 : i32 to index
        %swap3A_487 = tpu.vector_load %arg8[%swap3A_486] {strides = array<i32>} : memref<16000xi32, #tpu.memory_space<vmem>>, vector<16xi32>,
        %swap3A_488 = vector.shape_cast %swap3A_487 : vector<16xi32> to vector<16xi32>
        %swap3A_489 = vector.shape_cast %select_n3A_485 : vector<16xi32> to vector<16xi32>
        tpu.vector_store %arg8[%swap3A_486], %swap3A_489 {strides = array<i32>} : memref<16000xi32, #tpu.memory_space<vmem>>, vector<16xi32>,
        %scan3A_490 = arith.constant 4 : i32
        %scan3A_491 = arith.addi %scan3A_198, %scan3A_490 : i32
        %mul3A_492 = arith.constant 16 : i32
        %mul3A_493 = arith.muli %scan3A_491, %mul3A_492 : i32
        %get3A_494 = arith.index_cast %mul3A_493 : i32 to index
        %get3A_495 = tpu.vector_load %arg10[%get3A_494] {strides = array<i32>} : memref<16000xf32, #tpu.memory_space<vmem>>, vector<16xf32>,
        %get3A_496 = vector.shape_cast %get3A_495 : vector<16xf32> to vector<16xf32>
        %add3A_497 = arith.constant 2000 : i32
        %add3A_498 = arith.addi %add3A_497, %mul3A_493 : i32
        %get3A_499 = arith.index_cast %add3A_498 : i32 to index
        %get3A_500 = tpu.vector_load %arg10[%get3A_499] {strides = array<i32>} : memref<16000xf32, #tpu.memory_space<vmem>>, vector<16xf32>,
        %get3A_501 = vector.shape_cast %get3A_500 : vector<16xf32> to vector<16xf32>
        %add3A_502 = arith.constant 4000 : i32
        %add3A_503 = arith.addi %add3A_502, %mul3A_493 : i32
        %get3A_504 = arith.index_cast %add3A_503 : i32 to index
        %get3A_505 = tpu.vector_load %arg10[%get3A_504] {strides = array<i32>} : memref<16000xf32, #tpu.memory_space<vmem>>, vector<16xf32>,
        %get3A_506 = vector.shape_cast %get3A_505 : vector<16xf32> to vector<16xf32>
        %add3A_507 = arith.constant 6000 : i32
        %add3A_508 = arith.addi %add3A_507, %mul3A_493 : i32
        %get3A_509 = arith.index_cast %add3A_508 : i32 to index
        %get3A_510 = tpu.vector_load %arg10[%get3A_509] {strides = array<i32>} : memref<16000xf32, #tpu.memory_space<vmem>>, vector<16xf32>,
        %get3A_511 = vector.shape_cast %get3A_510 : vector<16xf32> to vector<16xf32>
        %add3A_512 = arith.constant 8000 : i32
        %add3A_513 = arith.addi %add3A_512, %mul3A_493 : i32
        %get3A_514 = arith.index_cast %add3A_513 : i32 to index
        %get3A_515 = tpu.vector_load %arg10[%get3A_514] {strides = array<i32>} : memref<16000xf32, #tpu.memory_space<vmem>>, vector<16xf32>,
        %get3A_516 = vector.shape_cast %get3A_515 : vector<16xf32> to vector<16xf32>
        %add3A_517 = arith.constant 10000 : i32
        %add3A_518 = arith.addi %add3A_517, %mul3A_493 : i32
        %get3A_519 = arith.index_cast %add3A_518 : i32 to index
        %get3A_520 = tpu.vector_load %arg10[%get3A_519] {strides = array<i32>} : memref<16000xf32, #tpu.memory_space<vmem>>, vector<16xf32>,
        %get3A_521 = vector.shape_cast %get3A_520 : vector<16xf32> to vector<16xf32>
        %add3A_522 = arith.constant 12000 : i32
        %add3A_523 = arith.addi %add3A_522, %mul3A_493 : i32
        %get3A_524 = arith.index_cast %add3A_523 : i32 to index
        %get3A_525 = tpu.vector_load %arg10[%get3A_524] {strides = array<i32>} : memref<16000xf32, #tpu.memory_space<vmem>>, vector<16xf32>,
        %get3A_526 = vector.shape_cast %get3A_525 : vector<16xf32> to vector<16xf32>
        %add3A_527 = arith.constant 14000 : i32
        %add3A_528 = arith.addi %add3A_527, %mul3A_493 : i32
        %get3A_529 = arith.index_cast %add3A_528 : i32 to index
        %get3A_530 = tpu.vector_load %arg10[%get3A_529] {strides = array<i32>} : memref<16000xf32, #tpu.memory_space<vmem>>, vector<16xf32>,
        %get3A_531 = vector.shape_cast %get3A_530 : vector<16xf32> to vector<16xf32>
        %sub3A_532 = arith.subf %get3A_506, %get3A_526 : vector<16xf32>
        %sub3A_533 = arith.subf %get3A_496, %get3A_516 : vector<16xf32>
        %sub3A_534 = arith.subf %get3A_501, %get3A_521 : vector<16xf32>
        %sub3A_535 = arith.subf %get3A_511, %get3A_531 : vector<16xf32>
        %mul3A_536 = arith.mulf %sub3A_535, %sub3A_535 : vector<16xf32>
        %mul3A_537 = arith.mulf %sub3A_534, %sub3A_534 : vector<16xf32>
        %add3A_538 = arith.addf %mul3A_536, %mul3A_537 : vector<16xf32>
        %mul3A_539 = arith.mulf %get3A_496, %sub3A_532 : vector<16xf32>
        %div3A_540 = arith.divf %mul3A_539, %sub3A_533 : vector<16xf32>
        %sub3A_541 = arith.subf %get3A_506, %div3A_540 : vector<16xf32>
        %mul3A_542 = arith.mulf %sub3A_534, %sub3A_534 : vector<16xf32>
        %mul3A_543 = arith.constant 3.600000e-05 : f32
        %mul3A_544 = vector.broadcast %mul3A_543 : f32 to vector<16xf32>
        %mul3A_545 = arith.mulf %mul3A_544, %add3A_538 : vector<16xf32>
        %lt3A_546 = arith.cmpf olt, %mul3A_542, %mul3A_545 : vector<16xf32>
        %abs3A_547 = math.absf %sub3A_541 : vector<16xf32>
        %lt3A_548 = arith.constant 1.500000e+02 : f32
        %lt3A_549 = vector.broadcast %lt3A_548 : f32 to vector<16xf32>
        %lt3A_550 = arith.cmpf olt, %abs3A_547, %lt3A_549 : vector<16xf32>
        %and3A_551 = arith.andi %lt3A_546, %lt3A_550 : vector<16xi1>
        %lt3A_552 = arith.constant 2.890000e+00 : f32
        %lt3A_553 = vector.broadcast %lt3A_552 : f32 to vector<16xf32>
        %lt3A_554 = arith.cmpf olt, %add3A_538, %lt3A_553 : vector<16xf32>
        %and3A_555 = arith.andi %and3A_551, %lt3A_554 : vector<16xi1>
        %jit3A_556 = arith.constant 1 : i32
        %jit3A_557 = arith.constant 0 : i32
        %broadcast_in_dim3A_558 = vector.broadcast %jit3A_556 : i32 to vector<16xi32>
        %broadcast_in_dim3A_559 = vector.broadcast %jit3A_557 : i32 to vector<16xi32>
        %select_n3A_560 = arith.select %and3A_555, %broadcast_in_dim3A_558, %broadcast_in_dim3A_559 : vector<16xi1>, vector<16xi32>
        %swap3A_561 = arith.index_cast %mul3A_493 : i32 to index
        %swap3A_562 = tpu.vector_load %arg8[%swap3A_561] {strides = array<i32>} : memref<16000xi32, #tpu.memory_space<vmem>>, vector<16xi32>,
        %swap3A_563 = vector.shape_cast %swap3A_562 : vector<16xi32> to vector<16xi32>
        %swap3A_564 = vector.shape_cast %select_n3A_560 : vector<16xi32> to vector<16xi32>
        tpu.vector_store %arg8[%swap3A_561], %swap3A_564 {strides = array<i32>} : memref<16000xi32, #tpu.memory_space<vmem>>, vector<16xi32>,
      }
      %scan3A_192 = arith.constant 125 : i32
      %mul3A_193 = arith.constant 200000 : i32
      %mul3A_194 = arith.muli %add3A, %mul3A_193 : i32
      %mul3A_195 = arith.constant 2000 : i32
      %mul3A_196 = arith.muli %add3A_186, %mul3A_195 : i32
      %add3A_197 = arith.addi %mul3A_194, %mul3A_196 : i32
      "tpu.region"() ({
        %run_scoped3A = tpu.sem_alloc : memref<!tpu.dma_semaphore, #tpu.memory_space<semaphore_mem>>
        %dma_start3A_198 = arith.constant 0 : i32
        %dma_start3A_199 = tpu.memref_slice %arg8[%dma_start3A_198] : memref<16000xi32, #tpu.memory_space<vmem>> -> memref<2000xi32, #tpu.memory_space<vmem>>
        %dma_start3A_200 = tpu.memref_slice %arg5[%add3A_197] : memref<6400000xi32, #tpu.memory_space<hbm>> -> memref<2000xi32, #tpu.memory_space<hbm>>
        %dma_start3A_201 = tpu.memref_slice %arg5[%add3A_197] : memref<6400000xi32, #tpu.memory_space<hbm>> -> memref<2000xi32, #tpu.memory_space<hbm>>
        %dma_start3A_202 = arith.constant 0 : i32
        %dma_start3A_203 = tpu.memref_slice %arg8[%dma_start3A_202] : memref<16000xi32, #tpu.memory_space<vmem>> -> memref<2000xi32, #tpu.memory_space<vmem>>
        tpu.enqueue_dma source(%dma_start3A_203 : memref<2000xi32, #tpu.memory_space<vmem>>) target(%dma_start3A_201 : memref<2000xi32, #tpu.memory_space<hbm>>) target_semaphore(%run_scoped3A : memref<!tpu.dma_semaphore, #tpu.memory_space<semaphore_mem>>)
        %dma_wait3A_204 = arith.constant 0 : i32
        %dma_wait3A_205 = tpu.memref_slice %arg8[%dma_wait3A_204] : memref<16000xi32, #tpu.memory_space<vmem>> -> memref<2000xi32, #tpu.memory_space<vmem>>
        %dma_wait3A_206 = tpu.memref_slice %arg5[%add3A_197] : memref<6400000xi32, #tpu.memory_space<hbm>> -> memref<2000xi32, #tpu.memory_space<hbm>>
        %dma_wait3A_207 = tpu.memref_slice %arg5[%add3A_197] : memref<6400000xi32, #tpu.memory_space<hbm>> -> memref<2000xi32, #tpu.memory_space<hbm>>
        %dma_wait3A_208 = arith.constant 0 : i32
        %dma_wait3A_209 = tpu.memref_slice %arg8[%dma_wait3A_208] : memref<16000xi32, #tpu.memory_space<vmem>> -> memref<2000xi32, #tpu.memory_space<vmem>>
        tpu.wait_dma2 semaphore(%run_scoped3A : memref<!tpu.dma_semaphore, #tpu.memory_space<semaphore_mem>>) src(%dma_wait3A_209 : memref<2000xi32, #tpu.memory_space<vmem>>) dst(%dma_wait3A_207 : memref<2000xi32, #tpu.memory_space<hbm>>)
        tpu.yield
      }) : () -> ()
    }
    %scan3A_82 = arith.constant 50 : i32
    return
  }
}

</mosaic_0001>

<sc_bundles>
// kernel: kernel.3.cloned.1.call-start
scs
__scs_entry_jumppad:
0x0: {  	(pc) =	sbr.rel $0x88, $3  }
0x1: {  	(tag) =	ssettag $0x0;
	lr =	simm.s32 $0x1  }
0x2: {  	[smem:$0x3F9F] =	sst lr;
	_ =	strace $0xD0000000  }
0x3: {  	_ = 	snop  }
0x4: {  	_ = 	snop  }
0x5: {  	_ = 	snop  }
0x6: {  	_ = 	snop  }
0x7: {  	_ = 	snop  }
__scs_overlays_trampoline_lowered:
0x8: {  	[smem:$0x3FAE] =	sst s0  }
0x9: {  	[smem:$0x3FAF] =	sst s1  }
0xa: {  	[smem:$0x3FB0] =	sst s2  }
0xb: {  	[smem:$0x3FB1] =	sst s3  }
0xc: {  	[smem:$0x3FB2] =	sst s4  }
0xd: {  	[smem:$0x3FB3] =	sst s5  }
0xe: {  	[smem:$0x3FB4] =	sst s6  }
0xf: {  	[smem:$0x3FB5] =	sst s7  }
0x10: {  	[smem:$0x3FB6] =	sst s8  }
0x11: {  	[smem:$0x3FB7] =	sst s9;
	s0 =	simm.s32 @!p0 $0x0  }
0x12: {  	s1 =	sld [smem:$0x3F9D];
	s0 =	simm.s32 @p0 $0x1  }
0x13: {  	[smem:$0x3FB8] =	sst s0;
	s0 =	simm.s32 @!p1 $0x0  }
0x14: {  	s2 =	sld [smem:$0x3F9C];
	s0 =	simm.s32 @p1 $0x1  }
0x15: {  	[smem:$0x3FB9] =	sst s0;
	s0 =	simm.s32 @!p2 $0x0  }
0x16: {  	s3 =	sld [smem:$0x3FDB];
	s0 =	simm.s32 @p2 $0x1  }
0x17: {  	s4 =	simm.s32 $0x1BF5;
	[smem:$0x3FBB] =	sst s0  }
0x18: {  	s0 =	sld [smem:$0x3F9E];
	_ =	swait.ge [sflag:s4], $0x0  }
0x19: {  	s7 =	sld [smem:$0x3F9F]  }
0x1a: {  	s8 =	sadd.s32 $0xFFFFE003, lr  }
0x1b: {  	s9 =	sadd.s32 $0xFFFFFEF7, lr;
	s5 =	simm.s32 $0xFFFFFFFF;
	p2 =	slt.u32 s8, $0xFFFFF086  }
0x1c: {  	p1 =	slt.u32 s9, $0xF7A;
	s5 =	simm.s32 @!p2 $0x0  }
0x1d: {  	s5 =	simm.s32 @p1 $0x1;
	p0 =	seq.s32 s7, s2  }
0x1e: {  	s7 =	smul.u32 @!p0 $0xF7A, s2;
	p2 =	seq.s32 @!p0 s5, $0x0  }
0x1f: {  	s9 =	smul.u32 $0xF7A, s1;
	s8 =	simm.s32 @!p0 $0x1BF5;
	p2 =	por !p2, p0  }
0x20: {  	[sflag:s8] =	ssyncset.s32 @!p0 $0xFFFFF086;
	s6 =	sadd.s32 @!p0 s3, s7;
	s7 =	simm.s32 @!p0 $0x108  }
0x21: {  	s3 =	sadd.s32 s3, s9;
	s6 =	sadd.s32 @!p0 $0x88, s6;
	s7 =	simm.s32 @p2 $0x1082  }
0x22: {  	[simem:s7], [sflag:s8] =	dma.local @!p0 [hbm:s6], $0xF7A  }
0x23: {  	s9 =	sor.u32 $0xD0000000, s2;
	s6 =	simm.s32 $0x108;
	_ =	swait.ge @!p0 [sflag:s8], $0x0  }
0x24: {  	s3 =	sadd.s32 $0x88, s3;
	s6 =	simm.s32 @!p1 $0x1082;
	[sflag:s4] =	ssyncset.s32 $0xFFFFF086  }
0x25: {  	[simem:s6], [sflag:s4] =	dma.local [hbm:s3], $0xF7A  }
0x26: {  	[smem:$0x3F9F] =	sst s1;
	(tag) =	ssettag s2;
	_ =	strace s9  }
0x27: {  	s1 =	sld [smem:$0x3FAF]  }
0x28: {  	s2 =	sld [smem:$0x3FB0]  }
0x29: {  	s4 =	sld [smem:$0x3FB2]  }
0x2a: {  	p0 =	seq.s32 s5, $0x0;
	s5 =	sld [smem:$0x3FB3]  }
0x2b: {  	s6 =	sld [smem:$0x3FB4]  }
0x2c: {  	s7 =	sld [smem:$0x3FB5]  }
0x2d: {  	s3 =	simm.s32 $0x108;
	s8 =	sld [smem:$0x3FB6]  }
0x2e: {  	s3 =	simm.s32 @!p0 $0x1082;
	s9 =	sld [smem:$0x3FB7]  }
0x2f: {  	lr =	sadd.s32 s0, s3;
	s0 =	sld [smem:$0x3FAE]  }
0x30: {  	s3 =	sld [smem:$0x3FB1]  }
0x31: {  	[smem:$0x3FBA] =	sst s10  }
0x32: {  	s10 =	sld [smem:$0x3FB8];
	_ =	sdelay $0x3  }
0x33: {  	p0 =	seq.s32 s10, $0x1;
	s10 =	sld [smem:$0x3FBA];
	_ =	sdelay $0x3  }
0x34: {  	[smem:$0x3FBA] =	sst s10  }
0x35: {  	s10 =	sld [smem:$0x3FB9];
	_ =	sdelay $0x3  }
0x36: {  	p1 =	seq.s32 s10, $0x1;
	s10 =	sld [smem:$0x3FBA];
	_ =	sdelay $0x3  }
0x37: {  	[smem:$0x3FBA] =	sst s10  }
0x38: {  	s10 =	sld [smem:$0x3FBB]  }
0x39: {  	_ = 	snop;
	(pc) =	sbr.ind lr, $3  }
0x3a: {  	_ = 	snop  }
0x3b: {  	_ = 	snop  }
0x3c: {  	p2 =	seq.s32 s10, $0x1;
	s10 =	sld [smem:$0x3FBA]  }
0x3d: {  	_ =	shalt  }
0x3e: {  	_ =	shalt  }
0x3f: {  	_ =	shalt  }
0x40: {  	_ =	shalt  }
0x41: {  	_ =	shalt  }
0x42: {  	_ =	shalt  }
0x43: {  	_ =	shalt  }
0x44: {  	_ =	shalt  }
0x45: {  	_ =	shalt  }
0x46: {  	_ =	shalt  }
0x47: {  	_ =	shalt  }
0x48: {  	_ =	shalt  }
0x49: {  	_ =	shalt  }
0x4a: {  	_ =	shalt  }
0x4b: {  	_ =	shalt  }
0x4c: {  	_ =	shalt  }
0x4d: {  	_ =	shalt  }
0x4e: {  	_ =	shalt  }
0x4f: {  	_ =	shalt  }
0x50: {  	_ =	shalt  }
0x51: {  	_ =	shalt  }
0x52: {  	_ =	shalt  }
0x53: {  	_ =	shalt  }
0x54: {  	_ =	shalt  }
0x55: {  	_ =	shalt  }
0x56: {  	_ =	shalt  }
0x57: {  	_ =	shalt  }
0x58: {  	_ =	shalt  }
0x59: {  	_ =	shalt  }
0x5a: {  	_ =	shalt  }
0x5b: {  	_ =	shalt  }
0x5c: {  	_ =	shalt  }
0x5d: {  	_ =	shalt  }
0x5e: {  	_ =	shalt  }
0x5f: {  	_ =	shalt  }
0x60: {  	_ =	shalt  }
0x61: {  	_ =	shalt  }
0x62: {  	_ =	shalt  }
0x63: {  	_ =	shalt  }
0x64: {  	_ =	shalt  }
0x65: {  	_ =	shalt  }
0x66: {  	_ =	shalt  }
0x67: {  	_ =	shalt  }
0x68: {  	_ =	shalt  }
0x69: {  	_ =	shalt  }
0x6a: {  	_ =	shalt  }
0x6b: {  	_ =	shalt  }
0x6c: {  	_ =	shalt  }
0x6d: {  	_ =	shalt  }
0x6e: {  	_ =	shalt  }
0x6f: {  	_ =	shalt  }
0x70: {  	_ =	shalt  }
0x71: {  	_ =	shalt  }
0x72: {  	_ =	shalt  }
0x73: {  	_ =	shalt  }
0x74: {  	_ =	shalt  }
0x75: {  	_ =	shalt  }
0x76: {  	_ =	shalt  }
0x77: {  	_ =	shalt  }
0x78: {  	_ =	shalt  }
0x79: {  	_ =	shalt  }
0x7a: {  	_ =	shalt  }
0x7b: {  	_ =	shalt  }
0x7c: {  	_ =	shalt  }
0x7d: {  	_ =	shalt  }
0x7e: {  	_ =	shalt  }
0x7f: {  	_ =	shalt  }
0x80: {  	_ =	shalt  }
0x81: {  	_ =	shalt  }
0x82: {  	_ =	shalt  }
0x83: {  	_ =	shalt  }
0x84: {  	_ =	shalt  }
0x85: {  	_ =	shalt  }
0x86: {  	_ =	shalt  }
0x87: {  	_ =	shalt  }
.Lfunc_end0:
.L_simem_size_0:
called_computation_lowered:
.L_overlay_start_0:
0x88: {  	s2 =	sld [smem:$0x3FD9]  }
0x89: {  	s3 =	sld [smem:$0x3FFE];
	_ =	sdelay $0x1  }
0x8a: {  	s1 =	srdreg.scid  }
0x8b: {  	s0 =	sand.u32 $0x1, s1  }
0x8c: {  	s17 =	sshll.u32 s0, $0xA;
	s2 =	sadd.s32 s3, s2  }
0x8d: {  	s2 =	sadd.s32 s2, s17  }
0x8e: {  	[smem:$0x3FC6] =	sst s2  }
0x8f: {  	_ = 	snop  }
0x90: {  	s2 =	sld [smem:$0x3FD0];
	(tm) =	ssettm $0x1  }
0x91: {  	s18 =	sld [smem:$0x3FFB];
	_ =	sdelay $0x3  }
0x92: {  	_ =	strace s18  }
0x93: {  	s3 =	sld [smem:$0x3FFC];
	_ =	sdelay $0x3  }
0x94: {  	_ =	strace s3  }
0x95: {  	s3 =	sld [smem:$0x3FFD];
	_ =	sdelay $0x3  }
0x96: {  	_ =	strace s3  }
0x97: {  	_ =	strace $0x8FFFFFFF  }
0x98: {  	s19 =	sld [smem:$0x3FDB];
	_ =	sdelay $0x1  }
0x99: {  	s4 =	simm.s32 $_scs_section_size  }
0x9a: {  	s5 =	simm.s32 $_size__tile_overlayer_lowered;
	s6 =	simm.s32 $_tile_overlayer_lowered  }
0x9b: {  	s22 =	simm.s32 $0x1BFF;
	s21 =	sshll.u32 s6, $0x1;
	s3 =	sadd.s32 s4, s19  }
0x9c: {  	s7 =	simm.s32 $0x0;
	s20 =	sshll.u32 s5, $0x1;
	s5 =	sadd.s32 s21, s3  }
0x9d: {  	[timem:s7], [sflag:s22] =	dma.local [hbm:s5], s20  }
0x9e: {  	_ =	swait.ge [sflag:s22], s20  }
0x9f: {  	s4 =	ssub.s32 $0x0, s20;
	[sflag:s22] =	ssyncset.done $0x0  }
0xa0: {  	[sflag:s22] =	ssyncadd.s32 s4;
	_ =	sdelay $0x1  }
0xa1: {  	s23 =	simm.s32 $0x1B8B  }
0xa2: {  	_ =	swait.ge [sflag:s23], $0x1  }
0xa3: {  	[sflag:s23] =	ssyncset.done $0x0  }
0xa4: {  	s25 =	simm.s32 $0x1B8E;
	s24 =	sld [smem:$0x3FFE];
	[sflag:s23] =	ssyncadd.s32 $0xFFFFFFFF  }
0xa5: {  	s26 =	simm.s32 $execute0_lowered;
	[smem:$0x3FD2] =	sst s25  }
0xa6: {  	s5 =	sshll.u32 s26, $0x1;
	_ =	strace $0x80000046;
	[dreg:$0x1] =	wrdreg $0xFFFFFFFF  }
0xa7: {  	s28 =	simm.s32 $_size_execute0_lowered;
	s3 =	sadd.s32 s3, s5;
	[dreg:$0x0] =	wrdreg $0x0  }
0xa8: {  	s5 =	sshll.u32 s28, $0x1;
	[dreg:$0x2] =	wrdreg s3  }
0xa9: {  	[dreg:$0x3] =	wrdreg s5  }
0xaa: {  	[dreg:$0x4] =	wrdreg $0xC0  }
0xab: {  	_ =	task [dreg:s7], $0x5FFFF  }
0xac: {  	[dreg:$0x1] =	wrdreg $0xFFFFFFFF  }
0xad: {  	[dreg:$0x0] =	wrdreg $0x60  }
0xae: {  	[dreg:$0x2] =	wrdreg s2  }
0xaf: {  	[dreg:$0x3] =	wrdreg s24  }
0xb0: {  	[dreg:$0x4] =	wrdreg $0x0  }
0xb1: {  	[dreg:$0x5] =	wrdreg $0x9  }
0xb2: {  	_ =	task.clear_ibuf [dreg:s7], $0x6FFFF;
	_ =	strace $0x90000046  }
0xb3: {  	s29 =	simm.s32 $0x9;
	_ =	strace $0x80000048  }
0xb4: {  	_ =	swait.ge [sflag:s29], $0x1  }
0xb5: {  	[sflag:s29] =	ssyncadd.s32 $0xFFFFFFFF  }
0xb6: {  	_ =	strace $0x90000048  }
0xb7: {  	_ =	sfence  }
0xb8: {  	s30 =	sld [smem:$0x0];
	_ =	sdelay $0x2  }
0xb9: {  	s31 =	sshll.u32 s1, $0xD;
	s1 =	sshrl.u32 s1, $0x2  }
0xba: {  	s3 =	sand.u32 $0x4000, s31;
	s1 =	sadd.s32 s1, s30  }
0xbb: {  	s0 =	sor.u32 s3, s0;
	s1 =	sshll.u32 s1, $0x11  }
0xbc: {  	s0 =	sor.u32 s1, s0  }
0xbd: {  	s0 =	sadd.s32 $0x8F2B, s0  }
0xbe: {  	[sflag:s0] =	ssyncadd.remote.s32 $0x1  }
0xbf: {  	_ =	sfence.sel $0xFFFF  }
0xc0: {  	[dreg:$0x0] =	wrdreg $0xFFFFFFFF;
	(pc) =	sbr.abs _section_cstart, $3  }
0xc1: {  	[dreg:$0x1] =	wrdreg $0xFFFFFFFF  }
0xc2: {  	_ =	task.clear_ibuf [dreg:s7], $0x2FFFF;
	_ =	strace $0x9FFFFFFF  }
0xc3: {  	(tm) =	ssettm $0x7FFFFFFF  }
tec
execute0_lowered:
.L_overlay_start_1:
0x0: {  	(tag) =	ssettag $0x1  }
0x1: {  	s0 =	rddreg [dreg:$0x1];
	s1 =	srdreg.scid  }
0x2: {  	s11 =	stileid.u32;
	s2 =	rddreg [dreg:$0x2]  }
0x3: {  	s3 =	simm.s32 $0x0;
	s14 =	simm.s32 $0x61A8;
	s15 =	simm.s32 $0x3  }
0x4: {  	s16 =	simm.s32 $0x3E80;
	s17 =	simm.s32 $0xDEA8;
	s18 =	simm.s32 $0xA028  }
0x5: {  	s19 =	simm.s32 $0x11D28;
	s20 =	simm.s32 $0x1;
	s21 =	simm.s32 $0x2  }
0x6: {  	s22 =	simm.s32 $0x0;
	s1 =	sand.u32 $0x1, s1;
	s4 =	sshll.u32 s11, $0x1  }
0x7: {  	[smem:$0x7FF] =	sst s3;
	s5 =	sadd.s32 $0xC3C00, s0;
	s6 =	sadd.s32 $0x600, s0  }
0x8: {  	s7 =	sadd.s32 $0x187200, s0;
	s4 =	sor.u32 s1, s4;
	s1 =	ssub.s32 $0x2, s1  }
0x9: {  	p0 =	sne.s32 s11, $0x0;
	s4 =	smul.u32 $0x30D40, s4;
	s8 =	sshrl.u32 s1, $0x1  }
0xa: {  	_ =	strace $0x80000047;
	s13 =	sshrl.u32 @!p0 s2, $0x3;
	s31 =	ssub.s32 s1, s8  }
0xb: {  	s9 =	sshrl.u32 s4, $0x3;
	s10 =	sadd.s32 $0x7D0, s4;
	s11 =	sadd.s32 $0xFA0, s4  }
0xc: {  	v0 =	vimm.s32 $0x0;
	s12 =	smax.u32 s31, $0x1;
	s8 =	sadd.s32 s5, s9;
	s9 =	sadd.s32 s6, s9  }
.LBB2_1:
0xd: {  	s0 =	simm.s32 @!p0 $0x1C03;
	s1 =	rddreg [dreg:$0x0]  }
0xe: {  	[spmem:s13], [sflag:s0] =	dma.local @!p0 [hbm:s1], $0xC350  }
0xf: {  	s0 =	simm.s32 @!p0 $0x3  }
0x10: {  	_ =	swait.ge @!p0 [sflag:s0], $0xC350  }
0x11: {  	[sflag:s0] =	ssyncset.done @!p0 $0x0  }
0x12: {  	[sflag:s0] =	ssyncadd.s32 @!p0 $0xFFFF3CB0  }
0x13: {  	[bflag:$0x0] =	sbarrier.arrive $0xFFFF  }
0x14: {  	[tilespmem:s14], [sflag:$0x3] =	stream.linear.gather [hbm4b:s8+s3], $0x7D0, $0x38;
	[tilespmem:$0x15BA8] =	vst v63  }
0x15: {  	_ =	swait.ge [sflag:s15], $0x7D0  }
0x16: {  	[sflag:s15] =	ssyncset.done $0x0  }
0x17: {  	s1 =	simm.s32 $0x80E8;
	[sflag:s15] =	ssyncadd.s32 $0xFFFFF830  }
0x18: {  	[tilespmem:s1], [sflag:$0x3] =	stream.linear.gather [hbm4b:s9+s3], $0x7D0, $0x38;
	[tilespmem:$0x15BA8] =	vst v63  }
0x19: {  	_ =	swait.ge [sflag:s15], $0x7D0  }
0x1a: {  	[sflag:s15] =	ssyncset.done $0x0  }
0x1b: {  	[sflag:s15] =	ssyncadd.s32 $0xFFFFF830  }
0x1c: {  	v1 =	vld [tilespmem:s1+$0xFFFFE0D0]  }
0x1d: {  	v2 =	vld [tilespmem:s1+$0x0];
	_ =	sdelay $0x3  }
0x1e: {  	v3 =	vld [tilespmem:s1+$0xFFFFE0C0];
	v4 =	vadd.s32 $0x186A0, v1  }
0x1f: {  	v5 =	vadd.s32 $0x186A0, v2;
	[tilespmem:s1+$0xFFFFE8A0] =	vst v4  }
0x20: {  	v4 =	vadd.s32 $0x30D40, v1;
	[tilespmem:s1+$0x7D0] =	vst v5  }
0x21: {  	[tilespmem:s1+$0xFFFFF070] =	vst v4;
	v4 =	vadd.s32 $0x30D40, v2  }
0x22: {  	v2 =	vadd.s32 $0x493E0, v2;
	[tilespmem:s1+$0xFA0] =	vst v4  }
0x23: {  	v4 =	vadd.s32 $0x186A0, v3;
	[tilespmem:s1+$0x1770] =	vst v2  }
0x24: {  	v2 =	vadd.s32 $0x30D40, v3;
	[tilespmem:s1+$0xFFFFE890] =	vst v4  }
0x25: {  	[tilespmem:s1+$0xFFFFF060] =	vst v2;
	v2 =	vadd.s32 $0x493E0, v3;
	v3 =	vld [tilespmem:s1+$0x10]  }
0x26: {  	s23 =	sand.u32 $0x7C0, s3;
	v1 =	vadd.s32 $0x493E0, v1;
	[tilespmem:s1+$0xFFFFF830] =	vst v2  }
0x27: {  	[tilespmem:s23+$0x7928] =	vst v1  }
0x28: {  	v1 =	vld [tilespmem:s1+$0xFFFFE0E0];
	_ =	sdelay $0x1  }
0x29: {  	v2 =	vadd.s32 $0x186A0, v3  }
0x2a: {  	v4 =	vld [tilespmem:s1+$0x20];
	[tilespmem:s1+$0x7E0] =	vst v2;
	v2 =	vadd.s32 $0x30D40, v3  }
0x2b: {  	[tilespmem:s1+$0xFB0] =	vst v2;
	v2 =	vadd.s32 $0x493E0, v3  }
0x2c: {  	[tilespmem:s1+$0x1780] =	vst v2;
	v2 =	vadd.s32 $0x186A0, v1  }
0x2d: {  	[tilespmem:s1+$0xFFFFE8B0] =	vst v2;
	v2 =	vadd.s32 $0x30D40, v1  }
0x2e: {  	v1 =	vadd.s32 $0x493E0, v1;
	[tilespmem:s1+$0xFFFFF080] =	vst v2  }
0x2f: {  	[tilespmem:s1+$0xFFFFF850] =	vst v1;
	v1 =	vadd.s32 $0x186A0, v4  }
0x30: {  	[tilespmem:s1+$0x7F0] =	vst v1;
	v1 =	vadd.s32 $0x30D40, v4  }
0x31: {  	[tilespmem:s23+$0x90A8] =	vst v1  }
0x32: {  	v2 =	vld [tilespmem:s1+$0xFFFFE0F0]  }
0x33: {  	v5 =	vld [tilespmem:s1+$0x30];
	_ =	sdelay $0x2  }
0x34: {  	v1 =	vadd.s32 $0x493E0, v4  }
0x35: {  	[tilespmem:s1+$0x1790] =	vst v1;
	v3 =	vadd.s32 $0x186A0, v2;
	v1 =	vadd.s32 $0x30D40, v2;
	v2 =	vadd.s32 $0x493E0, v2  }
0x36: {  	s24 =	simm.s32 $0x0;
	s0 =	simm.s32 $0x0;
	v4 =	vadd.s32 $0x30D40, v5;
	[tilespmem:s23+$0x69A8] =	vst v3;
	v3 =	vadd.s32 $0x186A0, v5;
	v5 =	vadd.s32 $0x493E0, v5;
	s23 =	simm.s32 $0x8128  }
.LBB2_2:
0x37: {  	v6 =	vld [tilespmem:s23+$0xFFFFE0D0];
	[tilespmem:s1+$0x17A0] =	vst v5  }
0x38: {  	[tilespmem:s1+$0xFD0] =	vst v4  }
0x39: {  	v4 =	vld [tilespmem:s23+$0x0];
	[tilespmem:s1+$0x800] =	vst v3  }
0x3a: {  	[tilespmem:s1+$0xFFFFF860] =	vst v2  }
0x3b: {  	[tilespmem:s1+$0xFFFFF090] =	vst v1;
	s1 =	smov.u32 s23  }
0x3c: {  	v1 =	vld [tilespmem:s23+$0xFFFFE0C0];
	v2 =	vadd.s32 $0x186A0, v6  }
0x3d: {  	[tilespmem:s23+$0xFFFFE8A0] =	vst v2;
	v2 =	vadd.s32 $0x30D40, v6  }
0x3e: {  	v3 =	vadd.s32 $0x186A0, v4;
	[tilespmem:s23+$0xFFFFF070] =	vst v2  }
0x3f: {  	v2 =	vadd.s32 $0x30D40, v4;
	[tilespmem:s23+$0x7D0] =	vst v3  }
0x40: {  	[tilespmem:s23+$0xFA0] =	vst v2;
	v2 =	vadd.s32 $0x493E0, v4  }
0x41: {  	v3 =	vadd.s32 $0x186A0, v1;
	[tilespmem:s23+$0x1770] =	vst v2  }
0x42: {  	v2 =	vadd.s32 $0x30D40, v1;
	[tilespmem:s23+$0xFFFFE890] =	vst v3  }
0x43: {  	s24 =	sadd.s32 $0x40, s24;
	v1 =	vadd.s32 $0x493E0, v1;
	[tilespmem:s23+$0xFFFFF060] =	vst v2;
	v2 =	vld [tilespmem:s23+$0x10]  }
0x44: {  	s0 =	sadd.s32 $0x4, s0;
	s25 =	sand.u32 $0x7C0, s24;
	[tilespmem:s23+$0xFFFFF830] =	vst v1;
	v1 =	vadd.s32 $0x493E0, v6  }
0x45: {  	p1 =	slt.u32 s0, $0x78;
	[tilespmem:s25+$0x7928] =	vst v1  }
0x46: {  	v1 =	vld [tilespmem:s23+$0xFFFFE0E0];
	_ =	sdelay $0x1  }
0x47: {  	v3 =	vadd.s32 $0x186A0, v2  }
0x48: {  	[tilespmem:s23+$0x7E0] =	vst v3;
	v3 =	vadd.s32 $0x30D40, v2;
	v4 =	vld [tilespmem:s23+$0x20]  }
0x49: {  	v2 =	vadd.s32 $0x493E0, v2;
	[tilespmem:s23+$0xFB0] =	vst v3  }
0x4a: {  	[tilespmem:s23+$0x1780] =	vst v2;
	v2 =	vadd.s32 $0x186A0, v1  }
0x4b: {  	[tilespmem:s23+$0xFFFFE8B0] =	vst v2;
	v2 =	vadd.s32 $0x30D40, v1  }
0x4c: {  	v1 =	vadd.s32 $0x493E0, v1;
	[tilespmem:s23+$0xFFFFF080] =	vst v2  }
0x4d: {  	[tilespmem:s23+$0xFFFFF850] =	vst v1;
	v1 =	vadd.s32 $0x186A0, v4  }
0x4e: {  	[tilespmem:s23+$0x7F0] =	vst v1;
	v1 =	vadd.s32 $0x30D40, v4  }
0x4f: {  	[tilespmem:s25+$0x90A8] =	vst v1  }
0x50: {  	v2 =	vld [tilespmem:s23+$0xFFFFE0F0]  }
0x51: {  	v5 =	vld [tilespmem:s23+$0x30]  }
.Ltmp0:
0x52: {  	(pc) =	sbr.rel @p1 .LBB2_2-.Ltmp0, $4  }
0x53: {  	_ = 	snop  }
0x54: {  	v1 =	vadd.s32 $0x493E0, v4  }
0x55: {  	[tilespmem:s23+$0x1790] =	vst v1;
	v3 =	vadd.s32 $0x186A0, v2;
	v1 =	vadd.s32 $0x30D40, v2;
	v2 =	vadd.s32 $0x493E0, v2  }
0x56: {  	s23 =	sadd.s32 $0x40, s23;
	[tilespmem:s25+$0x69A8] =	vst v3;
	v3 =	vadd.s32 $0x186A0, v5;
	v4 =	vadd.s32 $0x30D40, v5;
	v5 =	vadd.s32 $0x493E0, v5  }
0x57: {  	[tilespmem:s1+$0x17A0] =	vst v5  }
0x58: {  	[tilespmem:s1+$0xFD0] =	vst v4  }
0x59: {  	[tilespmem:s1+$0x800] =	vst v3  }
0x5a: {  	[tilespmem:s1+$0xFFFFF860] =	vst v2  }
0x5b: {  	[tilespmem:s1+$0xFFFFF090] =	vst v1  }
0x5c: {  	v1 =	vld [tilespmem:$0x6968];
	_ =	sdelay $0x2  }
0x5d: {  	v2 =	vld [tilespmem:$0x88A8];
	_ =	sdelay $0x1  }
0x5e: {  	v3 =	vadd.s32 $0x186A0, v1  }
0x5f: {  	[tilespmem:$0x7138] =	vst v3;
	v3 =	vadd.s32 $0x30D40, v1  }
0x60: {  	v1 =	vadd.s32 $0x493E0, v1;
	[tilespmem:$0x7908] =	vst v3  }
0x61: {  	[tilespmem:$0x80D8] =	vst v1;
	v1 =	vadd.s32 $0x186A0, v2  }
0x62: {  	[tilespmem:$0x9078] =	vst v1;
	v1 =	vadd.s32 $0x30D40, v2  }
0x63: {  	[tilespmem:$0x9848] =	vst v1;
	v1 =	vadd.s32 $0x493E0, v2  }
0x64: {  	s23 =	simm.s32 $0x0;
	s24 =	simm.s32 $0x0;
	[tilespmem:$0xA018] =	vst v1  }
0x65: {  	[tilespmem:s17], [sflag:$0x1] =	stream.indirect.gather [spmem:s2], $0x1, s14, s16, $0xb8;
	[tilespmem:$0x15BA8] =	vst v63  }
.LBB2_4:
0x66: {  	s26 =	smul.u32 $0xFA0, s24;
	_ =	sdelay $0x1  }
0x67: {  	s0 =	sadd.s32 s26, s10  }
0x68: {  	s25 =	sshrl.u32 s0, $0x3  }
0x69: {  	s0 =	sadd.s32 s5, s25  }
0x6a: {  	[tilespmem:s18], [sflag:$0x3] =	stream.linear.gather [hbm4b:s0+s23], $0x7D0, $0x38;
	[tilespmem:$0x15BA8] =	vst v63  }
0x6b: {  	_ =	swait.ge [sflag:s15], $0x7D0  }
0x6c: {  	[sflag:s15] =	ssyncset.done $0x0  }
0x6d: {  	s1 =	simm.s32 $0xBF68;
	s31 =	sadd.s32 s6, s25;
	[sflag:s15] =	ssyncadd.s32 $0xFFFFF830  }
0x6e: {  	[tilespmem:s1], [sflag:$0x3] =	stream.linear.gather [hbm4b:s31+s23], $0x7D0, $0x38;
	[tilespmem:$0x15BA8] =	vst v63  }
0x6f: {  	_ =	swait.ge [sflag:s15], $0x7D0  }
0x70: {  	[sflag:s15] =	ssyncset.done $0x0  }
0x71: {  	[sflag:s15] =	ssyncadd.s32 $0xFFFFF830  }
0x72: {  	v1 =	vld [tilespmem:s1+$0xFFFFE0D0]  }
0x73: {  	v2 =	vld [tilespmem:s1+$0x0];
	_ =	sdelay $0x3  }
0x74: {  	v3 =	vld [tilespmem:s1+$0xFFFFE0C0];
	v4 =	vadd.s32 $0x186A0, v1  }
0x75: {  	v5 =	vadd.s32 $0x186A0, v2;
	[tilespmem:s1+$0xFFFFE8A0] =	vst v4  }
0x76: {  	v4 =	vadd.s32 $0x30D40, v1;
	[tilespmem:s1+$0x7D0] =	vst v5  }
0x77: {  	[tilespmem:s1+$0xFFFFF070] =	vst v4;
	v4 =	vadd.s32 $0x30D40, v2  }
0x78: {  	v2 =	vadd.s32 $0x493E0, v2;
	[tilespmem:s1+$0xFA0] =	vst v4  }
0x79: {  	v4 =	vadd.s32 $0x186A0, v3;
	[tilespmem:s1+$0x1770] =	vst v2  }
0x7a: {  	v2 =	vadd.s32 $0x30D40, v3;
	[tilespmem:s1+$0xFFFFE890] =	vst v4  }
0x7b: {  	[tilespmem:s1+$0xFFFFF060] =	vst v2;
	v2 =	vadd.s32 $0x493E0, v3;
	v3 =	vld [tilespmem:s1+$0x10]  }
0x7c: {  	s28 =	sand.u32 $0x7C0, s23;
	v1 =	vadd.s32 $0x493E0, v1;
	[tilespmem:s1+$0xFFFFF830] =	vst v2  }
0x7d: {  	[tilespmem:s28+$0xB7A8] =	vst v1  }
0x7e: {  	v1 =	vld [tilespmem:s1+$0xFFFFE0E0];
	_ =	sdelay $0x1  }
0x7f: {  	v2 =	vadd.s32 $0x186A0, v3  }
0x80: {  	v4 =	vld [tilespmem:s1+$0x20];
	[tilespmem:s1+$0x7E0] =	vst v2;
	v2 =	vadd.s32 $0x30D40, v3  }
0x81: {  	[tilespmem:s1+$0xFB0] =	vst v2;
	v2 =	vadd.s32 $0x493E0, v3  }
0x82: {  	[tilespmem:s1+$0x1780] =	vst v2;
	v2 =	vadd.s32 $0x186A0, v1  }
0x83: {  	[tilespmem:s1+$0xFFFFE8B0] =	vst v2;
	v2 =	vadd.s32 $0x30D40, v1  }
0x84: {  	v1 =	vadd.s32 $0x493E0, v1;
	[tilespmem:s1+$0xFFFFF080] =	vst v2  }
0x85: {  	[tilespmem:s1+$0xFFFFF850] =	vst v1;
	v1 =	vadd.s32 $0x186A0, v4  }
0x86: {  	[tilespmem:s1+$0x7F0] =	vst v1;
	v1 =	vadd.s32 $0x30D40, v4  }
0x87: {  	[tilespmem:s28+$0xCF28] =	vst v1  }
0x88: {  	v2 =	vld [tilespmem:s1+$0xFFFFE0F0]  }
0x89: {  	v5 =	vld [tilespmem:s1+$0x30];
	_ =	sdelay $0x2  }
0x8a: {  	v1 =	vadd.s32 $0x493E0, v4  }
0x8b: {  	[tilespmem:s1+$0x1790] =	vst v1;
	v3 =	vadd.s32 $0x186A0, v2;
	v1 =	vadd.s32 $0x30D40, v2;
	v2 =	vadd.s32 $0x493E0, v2  }
0x8c: {  	s29 =	simm.s32 $0x0;
	s0 =	simm.s32 $0x0;
	v4 =	vadd.s32 $0x30D40, v5;
	[tilespmem:s28+$0xA828] =	vst v3;
	v3 =	vadd.s32 $0x186A0, v5;
	v5 =	vadd.s32 $0x493E0, v5;
	s28 =	simm.s32 $0xBFA8  }
.LBB2_5:
0x8d: {  	v6 =	vld [tilespmem:s28+$0xFFFFE0D0];
	[tilespmem:s1+$0x17A0] =	vst v5  }
0x8e: {  	[tilespmem:s1+$0xFD0] =	vst v4  }
0x8f: {  	v4 =	vld [tilespmem:s28+$0x0];
	[tilespmem:s1+$0x800] =	vst v3  }
0x90: {  	[tilespmem:s1+$0xFFFFF860] =	vst v2  }
0x91: {  	[tilespmem:s1+$0xFFFFF090] =	vst v1;
	s1 =	smov.u32 s28  }
0x92: {  	v1 =	vld [tilespmem:s28+$0xFFFFE0C0];
	v2 =	vadd.s32 $0x186A0, v6  }
0x93: {  	[tilespmem:s28+$0xFFFFE8A0] =	vst v2;
	v2 =	vadd.s32 $0x30D40, v6  }
0x94: {  	v3 =	vadd.s32 $0x186A0, v4;
	[tilespmem:s28+$0xFFFFF070] =	vst v2  }
0x95: {  	v2 =	vadd.s32 $0x30D40, v4;
	[tilespmem:s28+$0x7D0] =	vst v3  }
0x96: {  	[tilespmem:s28+$0xFA0] =	vst v2;
	v2 =	vadd.s32 $0x493E0, v4  }
0x97: {  	v3 =	vadd.s32 $0x186A0, v1;
	[tilespmem:s28+$0x1770] =	vst v2  }
0x98: {  	v2 =	vadd.s32 $0x30D40, v1;
	[tilespmem:s28+$0xFFFFE890] =	vst v3  }
0x99: {  	s29 =	sadd.s32 $0x40, s29;
	v1 =	vadd.s32 $0x493E0, v1;
	[tilespmem:s28+$0xFFFFF060] =	vst v2;
	v2 =	vld [tilespmem:s28+$0x10]  }
0x9a: {  	s0 =	sadd.s32 $0x4, s0;
	s30 =	sand.u32 $0x7C0, s29;
	[tilespmem:s28+$0xFFFFF830] =	vst v1;
	v1 =	vadd.s32 $0x493E0, v6  }
0x9b: {  	p1 =	slt.u32 s0, $0x78;
	[tilespmem:s30+$0xB7A8] =	vst v1  }
0x9c: {  	v1 =	vld [tilespmem:s28+$0xFFFFE0E0];
	_ =	sdelay $0x1  }
0x9d: {  	v3 =	vadd.s32 $0x186A0, v2  }
0x9e: {  	[tilespmem:s28+$0x7E0] =	vst v3;
	v3 =	vadd.s32 $0x30D40, v2;
	v4 =	vld [tilespmem:s28+$0x20]  }
0x9f: {  	v2 =	vadd.s32 $0x493E0, v2;
	[tilespmem:s28+$0xFB0] =	vst v3  }
0xa0: {  	[tilespmem:s28+$0x1780] =	vst v2;
	v2 =	vadd.s32 $0x186A0, v1  }
0xa1: {  	[tilespmem:s28+$0xFFFFE8B0] =	vst v2;
	v2 =	vadd.s32 $0x30D40, v1  }
0xa2: {  	v1 =	vadd.s32 $0x493E0, v1;
	[tilespmem:s28+$0xFFFFF080] =	vst v2  }
0xa3: {  	[tilespmem:s28+$0xFFFFF850] =	vst v1;
	v1 =	vadd.s32 $0x186A0, v4  }
0xa4: {  	[tilespmem:s28+$0x7F0] =	vst v1;
	v1 =	vadd.s32 $0x30D40, v4  }
0xa5: {  	[tilespmem:s30+$0xCF28] =	vst v1  }
0xa6: {  	v2 =	vld [tilespmem:s28+$0xFFFFE0F0]  }
0xa7: {  	v5 =	vld [tilespmem:s28+$0x30]  }
.Ltmp1:
0xa8: {  	(pc) =	sbr.rel @p1 .LBB2_5-.Ltmp1, $4  }
0xa9: {  	_ = 	snop  }
0xaa: {  	v1 =	vadd.s32 $0x493E0, v4  }
0xab: {  	[tilespmem:s28+$0x1790] =	vst v1;
	v3 =	vadd.s32 $0x186A0, v2;
	v1 =	vadd.s32 $0x30D40, v2;
	v2 =	vadd.s32 $0x493E0, v2  }
0xac: {  	s28 =	sadd.s32 $0x40, s28;
	[tilespmem:s30+$0xA828] =	vst v3;
	v3 =	vadd.s32 $0x186A0, v5;
	v4 =	vadd.s32 $0x30D40, v5;
	v5 =	vadd.s32 $0x493E0, v5  }
0xad: {  	[tilespmem:s1+$0x17A0] =	vst v5  }
0xae: {  	[tilespmem:s1+$0xFD0] =	vst v4  }
0xaf: {  	[tilespmem:s1+$0x800] =	vst v3  }
0xb0: {  	[tilespmem:s1+$0xFFFFF860] =	vst v2  }
0xb1: {  	[tilespmem:s1+$0xFFFFF090] =	vst v1  }
0xb2: {  	v1 =	vld [tilespmem:$0xA7E8];
	_ =	sdelay $0x2  }
0xb3: {  	v2 =	vld [tilespmem:$0xC728];
	_ =	sdelay $0x1  }
0xb4: {  	v3 =	vadd.s32 $0x186A0, v1  }
0xb5: {  	[tilespmem:$0xAFB8] =	vst v3;
	v3 =	vadd.s32 $0x30D40, v1  }
0xb6: {  	v1 =	vadd.s32 $0x493E0, v1;
	[tilespmem:$0xB788] =	vst v3  }
0xb7: {  	[tilespmem:$0xBF58] =	vst v1;
	v1 =	vadd.s32 $0x186A0, v2  }
0xb8: {  	[tilespmem:$0xCEF8] =	vst v1;
	v1 =	vadd.s32 $0x30D40, v2  }
0xb9: {  	[tilespmem:$0xD6C8] =	vst v1;
	v1 =	vadd.s32 $0x493E0, v2  }
0xba: {  	[tilespmem:$0xDE98] =	vst v1  }
0xbb: {  	[tilespmem:s19], [sflag:$0x2] =	stream.indirect.gather [spmem:s2], $0x1, s18, s16, $0xb8;
	[tilespmem:$0x15BA8] =	vst v63  }
0xbc: {  	_ =	swait.ge [sflag:s20], $0x3E80  }
0xbd: {  	[sflag:s20] =	ssyncset.done $0x0  }
0xbe: {  	s28 =	simm.s32 $0xFDE8;
	[sflag:s20] =	ssyncadd.s32 $0xFFFFC180  }
0xbf: {  	v1 =	vld [tilespmem:s28+$0xFFFFE0C0]  }
0xc0: {  	v2 =	vld [tilespmem:s28+$0x0];
	_ =	sdelay $0x3  }
0xc1: {  	v3 =	vld [tilespmem:s28+$0x7D0]  }
0xc2: {  	v4 =	vld [tilespmem:s28+$0xFA0];
	v2 =	vsub.f32 v1, v2  }
0xc3: {  	v5 =	vld [tilespmem:s28+$0xFFFFF060]  }
0xc4: {  	v6 =	vld [tilespmem:s28+$0x1770];
	(erf) = vrcp.f32 v2  }
0xc5: {  	v7 =	vld [tilespmem:s28+$0xFFFFE890]  }
0xc6: {  	v2 =	vld [tilespmem:s28+$0xFFFFF830];
	_ =	sdelay $0x2  }
0xc7: {  	v4 =	vsub.f32 v5, v4;
	_ =	sdelay $0x1  }
0xc8: {  	v3 =	vsub.f32 v7, v3;
	v2 =	vsub.f32 v2, v6  }
0xc9: {  	v1 =	vmul.f32 v4, v1  }
0xca: {  	v3 =	vmul.f32 v3, v3;
	v2 =	vmul.f32 v2, v2;
	v4 =	vpop (erf)  }
0xcb: {  	v1 =	vmul.f32 v1, v4  }
0xcc: {  	v2 =	vadd.f32 v2, v3  }
0xcd: {  	v1 =	vsub.f32 v5, v1  }
0xce: {  	v4 =	vmul.f32 $3.600000130e-05, v2  }
0xcf: {  	v1 =	vand.u32 $0x7FFFFFFF, v1  }
0xd0: {  	vm0 =	vlt.f32 v3, v4;
	vm1 =	vlt.f32 v1, $1.500000000e+02  }
0xd1: {  	vm6 =	vlt.f32 v2, $2.890000100e+00;
	vm0 =	vmand vm0, vm1  }
0xd2: {  	vm0 =	vmand vm6, vm0  }
0xd3: {  	s29 =	simm.s32 $0x61C8;
	v1 =	vsel vm0, $0x1, v0  }
0xd4: {  	[tilespmem:s29+$0xFFFFFFE0] =	vst v1  }
0xd5: {  	v1 =	vld [tilespmem:s28+$0xFFFFE0D0]  }
0xd6: {  	v2 =	vld [tilespmem:s28+$0x10];
	_ =	sdelay $0x3  }
0xd7: {  	v3 =	vld [tilespmem:s28+$0xFFFFE8A0]  }
0xd8: {  	v4 =	vld [tilespmem:s28+$0x1780];
	v2 =	vsub.f32 v1, v2  }
0xd9: {  	v5 =	vld [tilespmem:s28+$0x7E0]  }
0xda: {  	s30 =	simm.s32 $0x0;
	v6 =	vld [tilespmem:s28+$0xFB0];
	(erf) = vrcp.f32 v2  }
0xdb: {  	s0 =	sand.u32 $0x7F0, s30;
	v2 =	vld [tilespmem:s28+$0xFFFFF070]  }
0xdc: {  	v7 =	vld [tilespmem:s0+$0xF628];
	_ =	sdelay $0x3  }
0xdd: {  	v6 =	vsub.f32 v2, v6  }
0xde: {  	v3 =	vsub.f32 v3, v5;
	v4 =	vsub.f32 v7, v4  }
0xdf: {  	v1 =	vmul.f32 v6, v1  }
0xe0: {  	v3 =	vmul.f32 v3, v3;
	v4 =	vmul.f32 v4, v4;
	v5 =	vpop (erf)  }
0xe1: {  	v1 =	vmul.f32 v1, v5  }
0xe2: {  	v4 =	vadd.f32 v4, v3  }
0xe3: {  	v1 =	vsub.f32 v2, v1  }
0xe4: {  	v2 =	vmul.f32 $3.600000130e-05, v4  }
0xe5: {  	v1 =	vand.u32 $0x7FFFFFFF, v1  }
0xe6: {  	vm7 =	vlt.f32 v3, v2;
	vm8 =	vlt.f32 v1, $1.500000000e+02  }
0xe7: {  	vm9 =	vlt.f32 v4, $2.890000100e+00;
	vm0 =	vmand vm7, vm8  }
0xe8: {  	vm0 =	vmand vm9, vm0  }
0xe9: {  	v1 =	vsel vm0, $0x1, v0  }
0xea: {  	[tilespmem:s29+$0xFFFFFFF0] =	vst v1  }
0xeb: {  	v1 =	vld [tilespmem:s28+$0xFFFFE0E0]  }
0xec: {  	v2 =	vld [tilespmem:s28+$0x20];
	_ =	sdelay $0x3  }
0xed: {  	v3 =	vld [tilespmem:s28+$0x7F0]  }
0xee: {  	v4 =	vld [tilespmem:s28+$0x1790];
	v2 =	vsub.f32 v1, v2  }
0xef: {  	v5 =	vld [tilespmem:s28+$0xFFFFF850]  }
0xf0: {  	v6 =	vld [tilespmem:s0+$0x10DA8];
	(erf) = vrcp.f32 v2  }
0xf1: {  	v2 =	vld [tilespmem:s28+$0xFFFFF080]  }
0xf2: {  	v7 =	vld [tilespmem:s28+$0xFFFFE8B0];
	_ =	sdelay $0x3  }
0xf3: {  	v6 =	vsub.f32 v2, v6  }
0xf4: {  	v4 =	vsub.f32 v5, v4;
	v3 =	vsub.f32 v7, v3  }
0xf5: {  	v1 =	vmul.f32 v6, v1  }
0xf6: {  	v4 =	vmul.f32 v4, v4;
	v3 =	vmul.f32 v3, v3;
	v5 =	vpop (erf)  }
0xf7: {  	v1 =	vmul.f32 v1, v5  }
0xf8: {  	v4 =	vadd.f32 v4, v3  }
0xf9: {  	v1 =	vsub.f32 v2, v1  }
0xfa: {  	v2 =	vmul.f32 $3.600000130e-05, v4  }
0xfb: {  	v1 =	vand.u32 $0x7FFFFFFF, v1  }
0xfc: {  	vm10 =	vlt.f32 v3, v2;
	vm11 =	vlt.f32 v1, $1.500000000e+02  }
0xfd: {  	vm12 =	vlt.f32 v4, $2.890000100e+00;
	vm0 =	vmand vm10, vm11  }
0xfe: {  	vm0 =	vmand vm12, vm0  }
0xff: {  	v1 =	vsel vm0, $0x1, v0  }
0x100: {  	[tilespmem:s29+$0x0] =	vst v1  }
0x101: {  	v1 =	vld [tilespmem:s28+$0xFFFFE0F0]  }
0x102: {  	v2 =	vld [tilespmem:s28+$0x30];
	_ =	sdelay $0x3  }
0x103: {  	v3 =	vld [tilespmem:s28+$0xFD0]  }
0x104: {  	v4 =	vld [tilespmem:s0+$0xE6A8];
	v2 =	vsub.f32 v1, v2  }
0x105: {  	v5 =	vld [tilespmem:s28+$0xFFFFF860]  }
0x106: {  	v7 =	vld [tilespmem:s28+$0x17A0];
	(erf) = vrcp.f32 v2  }
0x107: {  	v2 =	vld [tilespmem:s28+$0xFFFFF090]  }
0x108: {  	v6 =	vld [tilespmem:s28+$0x800];
	_ =	sdelay $0x2  }
0x109: {  	v5 =	vsub.f32 v5, v7  }
0x10a: {  	v3 =	vsub.f32 v2, v3  }
0x10b: {  	v4 =	vsub.f32 v4, v6  }
0x10c: {  	v1 =	vmul.f32 v3, v1  }
0x10d: {  	v4 =	vmul.f32 v4, v4;
	v3 =	vmul.f32 v5, v5;
	v5 =	vpop (erf)  }
0x10e: {  	v1 =	vmul.f32 v1, v5  }
0x10f: {  	v3 =	vadd.f32 v3, v4  }
0x110: {  	v1 =	vsub.f32 v2, v1  }
0x111: {  	v2 =	vmul.f32 $3.600000130e-05, v3  }
0x112: {  	v1 =	vand.u32 $0x7FFFFFFF, v1  }
0x113: {  	vm13 =	vlt.f32 v4, v2;
	vm14 =	vlt.f32 v1, $1.500000000e+02  }
0x114: {  	vm15 =	vlt.f32 v3, $2.890000100e+00;
	vm0 =	vmand vm13, vm14  }
0x115: {  	vm0 =	vmand vm15, vm0  }
0x116: {  	v1 =	vsel vm0, $0x1, v0  }
0x117: {  	[tilespmem:s29+$0x10] =	vst v1  }
0x118: {  	v4 =	vld [tilespmem:s28+$0xFFFFE100]  }
0x119: {  	v1 =	vld [tilespmem:s0+$0xFE28];
	_ =	sdelay $0x1  }
0x11a: {  	v2 =	vld [tilespmem:s28+$0xFFFFE8D0]  }
0x11b: {  	v3 =	vld [tilespmem:s28+$0xFFFFF870]  }
0x11c: {  	v5 =	vld [tilespmem:s28+$0x17B0]  }
0x11d: {  	v6 =	vld [tilespmem:s28+$0x810];
	v1 =	vsub.f32 v4, v1;
	_ =	sdelay $0x1  }
0x11e: {  	(erf) = vrcp.f32 v1  }
0x11f: {  	v7 =	vld [tilespmem:s28+$0xFE0]  }
0x120: {  	v1 =	vld [tilespmem:s28+$0xFFFFF0A0]  }
0x121: {  	v3 =	vsub.f32 v3, v5;
	v2 =	vsub.f32 v2, v6;
	_ =	sdelay $0x1  }
0x122: {  	v3 =	vmul.f32 v3, v3;
	v2 =	vmul.f32 v2, v2;
	_ =	sdelay $0x1  }
0x123: {  	v3 =	vadd.f32 v3, v2;
	v6 =	vsub.f32 v1, v7;
	_ =	sdelay $0x1  }
0x124: {  	s31 =	simm.s32 $0x0;
	s1 =	simm.s32 $0x6218;
	v6 =	vmul.f32 v6, v4;
	v4 =	vmul.f32 $3.600000130e-05, v3;
	v5 =	vpop (erf)  }
.LBB2_7:
0x125: {  	s31 =	sadd.s32 $0x5, s31;
	s28 =	sadd.s32 $0x50, s28;
	s30 =	sadd.s32 $0x50, s30  }
0x126: {  	v5 =	vmul.f32 v6, v5;
	p1 =	slt.u32 s31, $0x78;
	_ =	sdelay $0x1  }
0x127: {  	v1 =	vsub.f32 v1, v5;
	_ =	sdelay $0x1  }
0x128: {  	v1 =	vand.u32 $0x7FFFFFFF, v1  }
0x129: {  	vm0 =	vlt.f32 v2, v4;
	vm1 =	vlt.f32 v1, $1.500000000e+02  }
0x12a: {  	vm0 =	vmand vm0, vm1;
	vm1 =	vlt.f32 v3, $2.890000100e+00  }
0x12b: {  	vm0 =	vmand vm1, vm0  }
0x12c: {  	v1 =	vsel vm0, $0x1, v0  }
0x12d: {  	[tilespmem:s29+$0x20] =	vst v1;
	s29 =	smov.u32 s1  }
0x12e: {  	v1 =	vld [tilespmem:s28+$0xFFFFE0C0]  }
0x12f: {  	v2 =	vld [tilespmem:s28+$0x0];
	_ =	sdelay $0x3  }
0x130: {  	v3 =	vld [tilespmem:s28+$0x7D0]  }
0x131: {  	v4 =	vld [tilespmem:s28+$0xFA0];
	v2 =	vsub.f32 v1, v2  }
0x132: {  	v5 =	vld [tilespmem:s28+$0xFFFFF060]  }
0x133: {  	v6 =	vld [tilespmem:s28+$0x1770];
	(erf) = vrcp.f32 v2  }
0x134: {  	v2 =	vld [tilespmem:s28+$0xFFFFF830]  }
0x135: {  	v7 =	vld [tilespmem:s28+$0xFFFFE890];
	_ =	sdelay $0x3  }
0x136: {  	v8 =	vsub.f32 v5, v4  }
0x137: {  	v2 =	vsub.f32 v2, v6;
	v3 =	vsub.f32 v7, v3  }
0x138: {  	v1 =	vmul.f32 v8, v1  }
0x139: {  	v2 =	vmul.f32 v2, v2;
	v3 =	vmul.f32 v3, v3;
	v4 =	vpop (erf)  }
0x13a: {  	v1 =	vmul.f32 v1, v4  }
0x13b: {  	v2 =	vadd.f32 v2, v3  }
0x13c: {  	v1 =	vsub.f32 v5, v1  }
0x13d: {  	v4 =	vmul.f32 $3.600000130e-05, v2  }
0x13e: {  	v1 =	vand.u32 $0x7FFFFFFF, v1  }
0x13f: {  	vm0 =	vlt.f32 v3, v4;
	vm1 =	vlt.f32 v1, $1.500000000e+02  }
0x140: {  	vm0 =	vmand vm0, vm1;
	vm1 =	vlt.f32 v2, $2.890000100e+00  }
0x141: {  	vm0 =	vmand vm1, vm0  }
0x142: {  	v1 =	vsel vm0, $0x1, v0  }
0x143: {  	[tilespmem:s1+$0xFFFFFFE0] =	vst v1  }
0x144: {  	v1 =	vld [tilespmem:s28+$0xFFFFE0D0]  }
0x145: {  	v2 =	vld [tilespmem:s28+$0x10];
	_ =	sdelay $0x3  }
0x146: {  	v3 =	vld [tilespmem:s28+$0xFFFFE8A0]  }
0x147: {  	v4 =	vld [tilespmem:s28+$0x1780];
	v2 =	vsub.f32 v1, v2  }
0x148: {  	v5 =	vld [tilespmem:s28+$0x7E0]  }
0x149: {  	v6 =	vld [tilespmem:s28+$0xFB0];
	(erf) = vrcp.f32 v2  }
0x14a: {  	s0 =	sand.u32 $0x7F0, s30;
	v2 =	vld [tilespmem:s28+$0xFFFFF070]  }
0x14b: {  	v7 =	vld [tilespmem:s0+$0xF628];
	_ =	sdelay $0x1  }
0x14c: {  	v3 =	vsub.f32 v3, v5;
	_ =	sdelay $0x1  }
0x14d: {  	v6 =	vsub.f32 v2, v6;
	v3 =	vmul.f32 v3, v3  }
0x14e: {  	v4 =	vsub.f32 v7, v4  }
0x14f: {  	v1 =	vmul.f32 v6, v1  }
0x150: {  	v4 =	vmul.f32 v4, v4;
	v5 =	vpop (erf)  }
0x151: {  	v1 =	vmul.f32 v1, v5  }
0x152: {  	v4 =	vadd.f32 v4, v3  }
0x153: {  	v1 =	vsub.f32 v2, v1  }
0x154: {  	v2 =	vmul.f32 $3.600000130e-05, v4  }
0x155: {  	v1 =	vand.u32 $0x7FFFFFFF, v1  }
0x156: {  	vm0 =	vlt.f32 v3, v2;
	vm1 =	vlt.f32 v1, $1.500000000e+02  }
0x157: {  	vm0 =	vmand vm0, vm1;
	vm1 =	vlt.f32 v4, $2.890000100e+00  }
0x158: {  	vm0 =	vmand vm1, vm0  }
0x159: {  	v1 =	vsel vm0, $0x1, v0  }
0x15a: {  	[tilespmem:s1+$0xFFFFFFF0] =	vst v1  }
0x15b: {  	v1 =	vld [tilespmem:s28+$0xFFFFE0E0]  }
0x15c: {  	v2 =	vld [tilespmem:s28+$0x20];
	_ =	sdelay $0x3  }
0x15d: {  	v3 =	vld [tilespmem:s28+$0x7F0]  }
0x15e: {  	v4 =	vld [tilespmem:s28+$0x1790];
	v2 =	vsub.f32 v1, v2  }
0x15f: {  	v5 =	vld [tilespmem:s28+$0xFFFFF850]  }
0x160: {  	v6 =	vld [tilespmem:s0+$0x10DA8];
	(erf) = vrcp.f32 v2  }
0x161: {  	v2 =	vld [tilespmem:s28+$0xFFFFF080]  }
0x162: {  	v7 =	vld [tilespmem:s28+$0xFFFFE8B0];
	_ =	sdelay $0x1  }
0x163: {  	v4 =	vsub.f32 v5, v4;
	_ =	sdelay $0x1  }
0x164: {  	v6 =	vsub.f32 v2, v6  }
0x165: {  	v3 =	vsub.f32 v7, v3  }
0x166: {  	v1 =	vmul.f32 v6, v1  }
0x167: {  	v4 =	vmul.f32 v4, v4;
	v3 =	vmul.f32 v3, v3;
	v5 =	vpop (erf)  }
0x168: {  	v1 =	vmul.f32 v1, v5  }
0x169: {  	v4 =	vadd.f32 v4, v3  }
0x16a: {  	v1 =	vsub.f32 v2, v1  }
0x16b: {  	v2 =	vmul.f32 $3.600000130e-05, v4  }
0x16c: {  	v1 =	vand.u32 $0x7FFFFFFF, v1  }
0x16d: {  	vm0 =	vlt.f32 v3, v2;
	vm1 =	vlt.f32 v1, $1.500000000e+02  }
0x16e: {  	vm0 =	vmand vm0, vm1;
	vm1 =	vlt.f32 v4, $2.890000100e+00  }
0x16f: {  	vm0 =	vmand vm1, vm0  }
0x170: {  	v1 =	vsel vm0, $0x1, v0  }
0x171: {  	[tilespmem:s1+$0x0] =	vst v1  }
0x172: {  	v1 =	vld [tilespmem:s28+$0xFFFFE0F0]  }
0x173: {  	v2 =	vld [tilespmem:s28+$0x30]  }
0x174: {  	v3 =	vld [tilespmem:s28+$0xFD0]  }
0x175: {  	v4 =	vld [tilespmem:s0+$0xE6A8]  }
0x176: {  	v5 =	vld [tilespmem:s28+$0xFFFFF860]  }
0x177: {  	v6 =	vld [tilespmem:s28+$0x800]  }
0x178: {  	v2 =	vsub.f32 v1, v2  }
0x179: {  	v7 =	vld [tilespmem:s28+$0x17A0]  }
0x17a: {  	(erf) = vrcp.f32 v2  }
0x17b: {  	v2 =	vld [tilespmem:s28+$0xFFFFF090]  }
0x17c: {  	v4 =	vsub.f32 v4, v6;
	_ =	sdelay $0x1  }
0x17d: {  	v5 =	vsub.f32 v5, v7;
	_ =	sdelay $0x1  }
0x17e: {  	v3 =	vsub.f32 v2, v3;
	_ =	sdelay $0x1  }
0x17f: {  	v1 =	vmul.f32 v3, v1  }
0x180: {  	v4 =	vmul.f32 v4, v4;
	v3 =	vmul.f32 v5, v5;
	v5 =	vpop (erf)  }
0x181: {  	v1 =	vmul.f32 v1, v5  }
0x182: {  	v3 =	vadd.f32 v3, v4  }
0x183: {  	v1 =	vsub.f32 v2, v1  }
0x184: {  	v2 =	vmul.f32 $3.600000130e-05, v3  }
0x185: {  	v1 =	vand.u32 $0x7FFFFFFF, v1  }
0x186: {  	vm0 =	vlt.f32 v4, v2;
	vm1 =	vlt.f32 v1, $1.500000000e+02  }
0x187: {  	vm0 =	vmand vm0, vm1;
	vm1 =	vlt.f32 v3, $2.890000100e+00  }
0x188: {  	vm0 =	vmand vm1, vm0  }
0x189: {  	v1 =	vsel vm0, $0x1, v0  }
0x18a: {  	[tilespmem:s1+$0x10] =	vst v1  }
0x18b: {  	v4 =	vld [tilespmem:s28+$0xFFFFE100]  }
0x18c: {  	v2 =	vld [tilespmem:s0+$0xFE28]  }
0x18d: {  	v1 =	vld [tilespmem:s28+$0xFFFFF0A0]  }
0x18e: {  	v3 =	vld [tilespmem:s28+$0xFFFFE8D0]  }
0x18f: {  	v5 =	vld [tilespmem:s28+$0xFFFFF870];
	_ =	sdelay $0x1  }
0x190: {  	v2 =	vsub.f32 v4, v2;
	_ =	sdelay $0x1  }
0x191: {  	v6 =	vld [tilespmem:s28+$0x17B0];
	(erf) = vrcp.f32 v2  }
0x192: {  	v2 =	vld [tilespmem:s28+$0x810];
	_ =	sdelay $0x3  }
0x193: {  	v7 =	vld [tilespmem:s28+$0xFE0];
	v5 =	vsub.f32 v5, v6  }
0x194: {  	v2 =	vsub.f32 v3, v2;
	_ =	sdelay $0x1  }
0x195: {  	v3 =	vmul.f32 v5, v5;
	v2 =	vmul.f32 v2, v2  }
.Ltmp2:
0x196: {  	v5 =	vpop (erf);
	(pc) =	sbr.rel @p1 .LBB2_7-.Ltmp2, $3  }
0x197: {  	v6 =	vsub.f32 v1, v7;
	v3 =	vadd.f32 v3, v2;
	_ =	sdelay $0x1  }
0x198: {  	v6 =	vmul.f32 v6, v4;
	v4 =	vmul.f32 $3.600000130e-05, v3  }
0x199: {  	s1 =	sadd.s32 $0x50, s1  }
0x19a: {  	v5 =	vmul.f32 v6, v5;
	_ =	sdelay $0x1  }
0x19b: {  	v1 =	vsub.f32 v1, v5;
	_ =	sdelay $0x1  }
0x19c: {  	v1 =	vand.u32 $0x7FFFFFFF, v1  }
0x19d: {  	vm0 =	vlt.f32 v2, v4;
	vm1 =	vlt.f32 v1, $1.500000000e+02  }
0x19e: {  	vm15 =	vlt.f32 v3, $2.890000100e+00;
	vm0 =	vmand vm0, vm1  }
0x19f: {  	s0 =	sadd.s32 s4, s26;
	vm0 =	vmand vm15, vm0  }
0x1a0: {  	p1 =	seq.s32 s24, $0x31;
	s0 =	sshrl.u32 s0, $0x3;
	v1 =	vsel vm0, $0x1, v0  }
.Ltmp3:
0x1a1: {  	s0 =	sadd.s32 s7, s0;
	[tilespmem:s29+$0x20] =	vst v1;
	(pc) =	sbr.rel @p1 .LBB2_12-.Ltmp3, $4  }
0x1a2: {  	[hbm4b:s0+s3] =	stream.linear.scatter [tilespmem:s14], [sflag:$0x3], $0x7D0, $0x38;
	[tilespmem:$0x15BA8] =	vst v63  }
0x1a3: {  	_ =	swait.ge [sflag:s15], $0x7D0  }
0x1a4: {  	[sflag:s15] =	ssyncset.done $0x0  }
0x1a5: {  	[sflag:s15] =	ssyncadd.s32 $0xFFFFF830  }
0x1a6: {  	s0 =	sadd.s32 s26, s11  }
0x1a7: {  	s0 =	sshrl.u32 s0, $0x3  }
0x1a8: {  	s1 =	simm.s32 $0x0;
	s31 =	sadd.s32 s5, s0  }
0x1a9: {  	[tilespmem:s14], [sflag:$0x3] =	stream.linear.gather [hbm4b:s31+s1], $0x7D0, $0x38;
	[tilespmem:$0x15BA8] =	vst v63  }
0x1aa: {  	_ =	swait.ge [sflag:s15], $0x7D0  }
0x1ab: {  	[sflag:s15] =	ssyncset.done $0x0  }
0x1ac: {  	s26 =	simm.s32 $0x80E8;
	s0 =	sadd.s32 s6, s0;
	[sflag:s15] =	ssyncadd.s32 $0xFFFFF830  }
0x1ad: {  	[tilespmem:s26], [sflag:$0x3] =	stream.linear.gather [hbm4b:s0+s1], $0x7D0, $0x38;
	[tilespmem:$0x15BA8] =	vst v63  }
0x1ae: {  	_ =	swait.ge [sflag:s15], $0x7D0  }
0x1af: {  	[sflag:s15] =	ssyncset.done $0x0  }
0x1b0: {  	[sflag:s15] =	ssyncadd.s32 $0xFFFFF830  }
0x1b1: {  	v1 =	vld [tilespmem:s26+$0xFFFFE0D0]  }
0x1b2: {  	v2 =	vld [tilespmem:s26+$0x0];
	_ =	sdelay $0x3  }
0x1b3: {  	v3 =	vld [tilespmem:s26+$0xFFFFE0C0];
	v4 =	vadd.s32 $0x186A0, v1  }
0x1b4: {  	v5 =	vadd.s32 $0x186A0, v2;
	[tilespmem:s26+$0xFFFFE8A0] =	vst v4  }
0x1b5: {  	v4 =	vadd.s32 $0x30D40, v1;
	[tilespmem:s26+$0x7D0] =	vst v5  }
0x1b6: {  	[tilespmem:s26+$0xFFFFF070] =	vst v4;
	v4 =	vadd.s32 $0x30D40, v2  }
0x1b7: {  	v2 =	vadd.s32 $0x493E0, v2;
	[tilespmem:s26+$0xFA0] =	vst v4  }
0x1b8: {  	v4 =	vadd.s32 $0x186A0, v3;
	[tilespmem:s26+$0x1770] =	vst v2  }
0x1b9: {  	v2 =	vadd.s32 $0x30D40, v3;
	[tilespmem:s26+$0xFFFFE890] =	vst v4  }
0x1ba: {  	[tilespmem:s26+$0xFFFFF060] =	vst v2;
	v2 =	vadd.s32 $0x493E0, v3;
	v3 =	vld [tilespmem:s26+$0x10]  }
0x1bb: {  	s28 =	sand.u32 $0x7C0, s1;
	v1 =	vadd.s32 $0x493E0, v1;
	[tilespmem:s26+$0xFFFFF830] =	vst v2  }
0x1bc: {  	[tilespmem:s28+$0x7928] =	vst v1  }
0x1bd: {  	v1 =	vld [tilespmem:s26+$0xFFFFE0E0];
	_ =	sdelay $0x1  }
0x1be: {  	v2 =	vadd.s32 $0x186A0, v3  }
0x1bf: {  	v4 =	vld [tilespmem:s26+$0x20];
	[tilespmem:s26+$0x7E0] =	vst v2;
	v2 =	vadd.s32 $0x30D40, v3  }
0x1c0: {  	[tilespmem:s26+$0xFB0] =	vst v2;
	v2 =	vadd.s32 $0x493E0, v3  }
0x1c1: {  	[tilespmem:s26+$0x1780] =	vst v2;
	v2 =	vadd.s32 $0x186A0, v1  }
0x1c2: {  	[tilespmem:s26+$0xFFFFE8B0] =	vst v2;
	v2 =	vadd.s32 $0x30D40, v1  }
0x1c3: {  	v1 =	vadd.s32 $0x493E0, v1;
	[tilespmem:s26+$0xFFFFF080] =	vst v2  }
0x1c4: {  	[tilespmem:s26+$0xFFFFF850] =	vst v1;
	v1 =	vadd.s32 $0x186A0, v4  }
0x1c5: {  	[tilespmem:s26+$0x7F0] =	vst v1;
	v1 =	vadd.s32 $0x30D40, v4  }
0x1c6: {  	[tilespmem:s28+$0x90A8] =	vst v1  }
0x1c7: {  	v2 =	vld [tilespmem:s26+$0xFFFFE0F0]  }
0x1c8: {  	v5 =	vld [tilespmem:s26+$0x30];
	_ =	sdelay $0x2  }
0x1c9: {  	v1 =	vadd.s32 $0x493E0, v4  }
0x1ca: {  	[tilespmem:s26+$0x1790] =	vst v1;
	v3 =	vadd.s32 $0x186A0, v2;
	v1 =	vadd.s32 $0x30D40, v2;
	v2 =	vadd.s32 $0x493E0, v2  }
0x1cb: {  	s0 =	simm.s32 $0x0;
	v4 =	vadd.s32 $0x30D40, v5;
	[tilespmem:s28+$0x69A8] =	vst v3;
	v3 =	vadd.s32 $0x186A0, v5;
	v5 =	vadd.s32 $0x493E0, v5;
	s28 =	simm.s32 $0x8128  }
.LBB2_10:
0x1cc: {  	v6 =	vld [tilespmem:s28+$0xFFFFE0D0];
	[tilespmem:s26+$0x17A0] =	vst v5  }
0x1cd: {  	[tilespmem:s26+$0xFD0] =	vst v4  }
0x1ce: {  	v4 =	vld [tilespmem:s28+$0x0];
	[tilespmem:s26+$0x800] =	vst v3  }
0x1cf: {  	[tilespmem:s26+$0xFFFFF860] =	vst v2  }
0x1d0: {  	[tilespmem:s26+$0xFFFFF090] =	vst v1;
	s26 =	smov.u32 s28  }
0x1d1: {  	v1 =	vld [tilespmem:s28+$0xFFFFE0C0];
	v2 =	vadd.s32 $0x186A0, v6  }
0x1d2: {  	[tilespmem:s28+$0xFFFFE8A0] =	vst v2;
	v2 =	vadd.s32 $0x30D40, v6  }
0x1d3: {  	v3 =	vadd.s32 $0x186A0, v4;
	[tilespmem:s28+$0xFFFFF070] =	vst v2  }
0x1d4: {  	v2 =	vadd.s32 $0x30D40, v4;
	[tilespmem:s28+$0x7D0] =	vst v3  }
0x1d5: {  	[tilespmem:s28+$0xFA0] =	vst v2;
	v2 =	vadd.s32 $0x493E0, v4  }
0x1d6: {  	v3 =	vadd.s32 $0x186A0, v1;
	[tilespmem:s28+$0x1770] =	vst v2  }
0x1d7: {  	v2 =	vadd.s32 $0x30D40, v1;
	[tilespmem:s28+$0xFFFFE890] =	vst v3  }
0x1d8: {  	s1 =	sadd.s32 $0x40, s1;
	v1 =	vadd.s32 $0x493E0, v1;
	[tilespmem:s28+$0xFFFFF060] =	vst v2;
	v2 =	vld [tilespmem:s28+$0x10]  }
0x1d9: {  	s0 =	sadd.s32 $0x4, s0;
	s29 =	sand.u32 $0x7C0, s1;
	[tilespmem:s28+$0xFFFFF830] =	vst v1;
	v1 =	vadd.s32 $0x493E0, v6  }
0x1da: {  	p1 =	slt.u32 s0, $0x78;
	[tilespmem:s29+$0x7928] =	vst v1  }
0x1db: {  	v1 =	vld [tilespmem:s28+$0xFFFFE0E0];
	_ =	sdelay $0x1  }
0x1dc: {  	v3 =	vadd.s32 $0x186A0, v2  }
0x1dd: {  	[tilespmem:s28+$0x7E0] =	vst v3;
	v3 =	vadd.s32 $0x30D40, v2;
	v4 =	vld [tilespmem:s28+$0x20]  }
0x1de: {  	v2 =	vadd.s32 $0x493E0, v2;
	[tilespmem:s28+$0xFB0] =	vst v3  }
0x1df: {  	[tilespmem:s28+$0x1780] =	vst v2;
	v2 =	vadd.s32 $0x186A0, v1  }
0x1e0: {  	[tilespmem:s28+$0xFFFFE8B0] =	vst v2;
	v2 =	vadd.s32 $0x30D40, v1  }
0x1e1: {  	v1 =	vadd.s32 $0x493E0, v1;
	[tilespmem:s28+$0xFFFFF080] =	vst v2  }
0x1e2: {  	[tilespmem:s28+$0xFFFFF850] =	vst v1;
	v1 =	vadd.s32 $0x186A0, v4  }
0x1e3: {  	[tilespmem:s28+$0x7F0] =	vst v1;
	v1 =	vadd.s32 $0x30D40, v4  }
0x1e4: {  	[tilespmem:s29+$0x90A8] =	vst v1  }
0x1e5: {  	v2 =	vld [tilespmem:s28+$0xFFFFE0F0]  }
0x1e6: {  	v5 =	vld [tilespmem:s28+$0x30]  }
.Ltmp4:
0x1e7: {  	(pc) =	sbr.rel @p1 .LBB2_10-.Ltmp4, $4  }
0x1e8: {  	_ = 	snop  }
0x1e9: {  	v1 =	vadd.s32 $0x493E0, v4  }
0x1ea: {  	[tilespmem:s28+$0x1790] =	vst v1;
	v3 =	vadd.s32 $0x186A0, v2;
	v1 =	vadd.s32 $0x30D40, v2;
	v2 =	vadd.s32 $0x493E0, v2  }
0x1eb: {  	s28 =	sadd.s32 $0x40, s28;
	[tilespmem:s29+$0x69A8] =	vst v3;
	v3 =	vadd.s32 $0x186A0, v5;
	v4 =	vadd.s32 $0x30D40, v5;
	v5 =	vadd.s32 $0x493E0, v5  }
0x1ec: {  	[tilespmem:s26+$0x17A0] =	vst v5  }
0x1ed: {  	[tilespmem:s26+$0xFD0] =	vst v4  }
0x1ee: {  	[tilespmem:s26+$0x800] =	vst v3  }
0x1ef: {  	[tilespmem:s26+$0xFFFFF860] =	vst v2  }
0x1f0: {  	[tilespmem:s26+$0xFFFFF090] =	vst v1  }
0x1f1: {  	v1 =	vld [tilespmem:$0x6968];
	_ =	sdelay $0x2  }
0x1f2: {  	v2 =	vld [tilespmem:$0x88A8];
	_ =	sdelay $0x1  }
0x1f3: {  	v3 =	vadd.s32 $0x186A0, v1  }
0x1f4: {  	[tilespmem:$0x7138] =	vst v3;
	v3 =	vadd.s32 $0x30D40, v1  }
0x1f5: {  	v1 =	vadd.s32 $0x493E0, v1;
	[tilespmem:$0x7908] =	vst v3  }
0x1f6: {  	[tilespmem:$0x80D8] =	vst v1;
	v1 =	vadd.s32 $0x186A0, v2  }
0x1f7: {  	[tilespmem:$0x9078] =	vst v1;
	v1 =	vadd.s32 $0x30D40, v2  }
0x1f8: {  	[tilespmem:$0x9848] =	vst v1;
	v1 =	vadd.s32 $0x493E0, v2  }
0x1f9: {  	[tilespmem:$0xA018] =	vst v1  }
0x1fa: {  	[tilespmem:s17], [sflag:$0x1] =	stream.indirect.gather [spmem:s2], $0x1, s14, s16, $0xb8;
	[tilespmem:$0x15BA8] =	vst v63  }
.LBB2_12:
0x1fb: {  	_ =	swait.ge [sflag:s21], $0x3E80  }
0x1fc: {  	[sflag:s21] =	ssyncset.done $0x0  }
0x1fd: {  	s26 =	simm.s32 $0x13C68;
	[sflag:s21] =	ssyncadd.s32 $0xFFFFC180  }
0x1fe: {  	v1 =	vld [tilespmem:s26+$0xFFFFE0C0]  }
0x1ff: {  	v2 =	vld [tilespmem:s26+$0x0];
	_ =	sdelay $0x3  }
0x200: {  	v3 =	vld [tilespmem:s26+$0x7D0]  }
0x201: {  	v4 =	vld [tilespmem:s26+$0xFA0];
	v2 =	vsub.f32 v1, v2  }
0x202: {  	v5 =	vld [tilespmem:s26+$0xFFFFF060]  }
0x203: {  	v6 =	vld [tilespmem:s26+$0x1770];
	(erf) = vrcp.f32 v2  }
0x204: {  	v7 =	vld [tilespmem:s26+$0xFFFFE890]  }
0x205: {  	v2 =	vld [tilespmem:s26+$0xFFFFF830];
	_ =	sdelay $0x2  }
0x206: {  	v4 =	vsub.f32 v5, v4;
	_ =	sdelay $0x1  }
0x207: {  	v3 =	vsub.f32 v7, v3;
	v2 =	vsub.f32 v2, v6  }
0x208: {  	v1 =	vmul.f32 v4, v1  }
0x209: {  	v3 =	vmul.f32 v3, v3;
	v2 =	vmul.f32 v2, v2;
	v4 =	vpop (erf)  }
0x20a: {  	v1 =	vmul.f32 v1, v4  }
0x20b: {  	v2 =	vadd.f32 v2, v3  }
0x20c: {  	v1 =	vsub.f32 v5, v1  }
0x20d: {  	v4 =	vmul.f32 $3.600000130e-05, v2  }
0x20e: {  	v1 =	vand.u32 $0x7FFFFFFF, v1  }
0x20f: {  	vm0 =	vlt.f32 v3, v4;
	vm1 =	vlt.f32 v1, $1.500000000e+02  }
0x210: {  	vm6 =	vlt.f32 v2, $2.890000100e+00;
	vm0 =	vmand vm0, vm1  }
0x211: {  	vm0 =	vmand vm6, vm0  }
0x212: {  	s28 =	simm.s32 $0xA048;
	v1 =	vsel vm0, $0x1, v0  }
0x213: {  	[tilespmem:s28+$0xFFFFFFE0] =	vst v1  }
0x214: {  	v1 =	vld [tilespmem:s26+$0xFFFFE0D0]  }
0x215: {  	v2 =	vld [tilespmem:s26+$0x10];
	_ =	sdelay $0x3  }
0x216: {  	v3 =	vld [tilespmem:s26+$0xFFFFE8A0]  }
0x217: {  	v4 =	vld [tilespmem:s26+$0x1780];
	v2 =	vsub.f32 v1, v2  }
0x218: {  	v5 =	vld [tilespmem:s26+$0x7E0]  }
0x219: {  	s29 =	simm.s32 $0x0;
	v6 =	vld [tilespmem:s26+$0xFB0];
	(erf) = vrcp.f32 v2  }
0x21a: {  	s0 =	sand.u32 $0x7F0, s29;
	v2 =	vld [tilespmem:s26+$0xFFFFF070]  }
0x21b: {  	v7 =	vld [tilespmem:s0+$0x134A8];
	_ =	sdelay $0x3  }
0x21c: {  	v6 =	vsub.f32 v2, v6  }
0x21d: {  	v3 =	vsub.f32 v3, v5;
	v4 =	vsub.f32 v7, v4  }
0x21e: {  	v1 =	vmul.f32 v6, v1  }
0x21f: {  	v3 =	vmul.f32 v3, v3;
	v4 =	vmul.f32 v4, v4;
	v5 =	vpop (erf)  }
0x220: {  	v1 =	vmul.f32 v1, v5  }
0x221: {  	v4 =	vadd.f32 v4, v3  }
0x222: {  	v1 =	vsub.f32 v2, v1  }
0x223: {  	v2 =	vmul.f32 $3.600000130e-05, v4  }
0x224: {  	v1 =	vand.u32 $0x7FFFFFFF, v1  }
0x225: {  	vm7 =	vlt.f32 v3, v2;
	vm8 =	vlt.f32 v1, $1.500000000e+02  }
0x226: {  	vm9 =	vlt.f32 v4, $2.890000100e+00;
	vm0 =	vmand vm7, vm8  }
0x227: {  	vm0 =	vmand vm9, vm0  }
0x228: {  	v1 =	vsel vm0, $0x1, v0  }
0x229: {  	[tilespmem:s28+$0xFFFFFFF0] =	vst v1  }
0x22a: {  	v1 =	vld [tilespmem:s26+$0xFFFFE0E0]  }
0x22b: {  	v2 =	vld [tilespmem:s26+$0x20];
	_ =	sdelay $0x3  }
0x22c: {  	v3 =	vld [tilespmem:s26+$0x7F0]  }
0x22d: {  	v4 =	vld [tilespmem:s26+$0x1790];
	v2 =	vsub.f32 v1, v2  }
0x22e: {  	v5 =	vld [tilespmem:s26+$0xFFFFF850]  }
0x22f: {  	v6 =	vld [tilespmem:s0+$0x14C28];
	(erf) = vrcp.f32 v2  }
0x230: {  	v2 =	vld [tilespmem:s26+$0xFFFFF080]  }
0x231: {  	v7 =	vld [tilespmem:s26+$0xFFFFE8B0];
	_ =	sdelay $0x3  }
0x232: {  	v6 =	vsub.f32 v2, v6  }
0x233: {  	v4 =	vsub.f32 v5, v4;
	v3 =	vsub.f32 v7, v3  }
0x234: {  	v1 =	vmul.f32 v6, v1  }
0x235: {  	v4 =	vmul.f32 v4, v4;
	v3 =	vmul.f32 v3, v3;
	v5 =	vpop (erf)  }
0x236: {  	v1 =	vmul.f32 v1, v5  }
0x237: {  	v4 =	vadd.f32 v4, v3  }
0x238: {  	v1 =	vsub.f32 v2, v1  }
0x239: {  	v2 =	vmul.f32 $3.600000130e-05, v4  }
0x23a: {  	v1 =	vand.u32 $0x7FFFFFFF, v1  }
0x23b: {  	vm10 =	vlt.f32 v3, v2;
	vm11 =	vlt.f32 v1, $1.500000000e+02  }
0x23c: {  	vm12 =	vlt.f32 v4, $2.890000100e+00;
	vm0 =	vmand vm10, vm11  }
0x23d: {  	vm0 =	vmand vm12, vm0  }
0x23e: {  	v1 =	vsel vm0, $0x1, v0  }
0x23f: {  	[tilespmem:s28+$0x0] =	vst v1  }
0x240: {  	v1 =	vld [tilespmem:s26+$0xFFFFE0F0]  }
0x241: {  	v2 =	vld [tilespmem:s26+$0x30];
	_ =	sdelay $0x3  }
0x242: {  	v3 =	vld [tilespmem:s26+$0xFD0]  }
0x243: {  	v4 =	vld [tilespmem:s0+$0x12528];
	v2 =	vsub.f32 v1, v2  }
0x244: {  	v5 =	vld [tilespmem:s26+$0xFFFFF860]  }
0x245: {  	v7 =	vld [tilespmem:s26+$0x17A0];
	(erf) = vrcp.f32 v2  }
0x246: {  	v2 =	vld [tilespmem:s26+$0xFFFFF090]  }
0x247: {  	v6 =	vld [tilespmem:s26+$0x800];
	_ =	sdelay $0x2  }
0x248: {  	v5 =	vsub.f32 v5, v7  }
0x249: {  	v3 =	vsub.f32 v2, v3  }
0x24a: {  	v4 =	vsub.f32 v4, v6  }
0x24b: {  	v1 =	vmul.f32 v3, v1  }
0x24c: {  	v4 =	vmul.f32 v4, v4;
	v3 =	vmul.f32 v5, v5;
	v5 =	vpop (erf)  }
0x24d: {  	v1 =	vmul.f32 v1, v5  }
0x24e: {  	v3 =	vadd.f32 v3, v4  }
0x24f: {  	v1 =	vsub.f32 v2, v1  }
0x250: {  	v2 =	vmul.f32 $3.600000130e-05, v3  }
0x251: {  	v1 =	vand.u32 $0x7FFFFFFF, v1  }
0x252: {  	vm13 =	vlt.f32 v4, v2;
	vm14 =	vlt.f32 v1, $1.500000000e+02  }
0x253: {  	vm15 =	vlt.f32 v3, $2.890000100e+00;
	vm0 =	vmand vm13, vm14  }
0x254: {  	vm0 =	vmand vm15, vm0  }
0x255: {  	v1 =	vsel vm0, $0x1, v0  }
0x256: {  	[tilespmem:s28+$0x10] =	vst v1  }
0x257: {  	v4 =	vld [tilespmem:s26+$0xFFFFE100]  }
0x258: {  	v1 =	vld [tilespmem:s0+$0x13CA8];
	_ =	sdelay $0x1  }
0x259: {  	v2 =	vld [tilespmem:s26+$0xFFFFE8D0]  }
0x25a: {  	v3 =	vld [tilespmem:s26+$0xFFFFF870]  }
0x25b: {  	v5 =	vld [tilespmem:s26+$0x17B0]  }
0x25c: {  	v6 =	vld [tilespmem:s26+$0x810];
	v1 =	vsub.f32 v4, v1;
	_ =	sdelay $0x1  }
0x25d: {  	(erf) = vrcp.f32 v1  }
0x25e: {  	v7 =	vld [tilespmem:s26+$0xFE0]  }
0x25f: {  	v1 =	vld [tilespmem:s26+$0xFFFFF0A0]  }
0x260: {  	v3 =	vsub.f32 v3, v5;
	v2 =	vsub.f32 v2, v6;
	_ =	sdelay $0x1  }
0x261: {  	v3 =	vmul.f32 v3, v3;
	v2 =	vmul.f32 v2, v2;
	_ =	sdelay $0x1  }
0x262: {  	v3 =	vadd.f32 v3, v2;
	v6 =	vsub.f32 v1, v7;
	_ =	sdelay $0x1  }
0x263: {  	s30 =	simm.s32 $0x0;
	s1 =	simm.s32 $0xA098;
	v6 =	vmul.f32 v6, v4;
	v4 =	vmul.f32 $3.600000130e-05, v3;
	v5 =	vpop (erf)  }
.LBB2_13:
0x264: {  	s30 =	sadd.s32 $0x5, s30;
	s26 =	sadd.s32 $0x50, s26;
	s29 =	sadd.s32 $0x50, s29  }
0x265: {  	v5 =	vmul.f32 v6, v5;
	p1 =	slt.u32 s30, $0x78;
	_ =	sdelay $0x1  }
0x266: {  	v1 =	vsub.f32 v1, v5;
	_ =	sdelay $0x1  }
0x267: {  	v1 =	vand.u32 $0x7FFFFFFF, v1  }
0x268: {  	vm0 =	vlt.f32 v2, v4;
	vm1 =	vlt.f32 v1, $1.500000000e+02  }
0x269: {  	vm0 =	vmand vm0, vm1;
	vm1 =	vlt.f32 v3, $2.890000100e+00  }
0x26a: {  	vm0 =	vmand vm1, vm0  }
0x26b: {  	v1 =	vsel vm0, $0x1, v0  }
0x26c: {  	[tilespmem:s28+$0x20] =	vst v1;
	s28 =	smov.u32 s1  }
0x26d: {  	v1 =	vld [tilespmem:s26+$0xFFFFE0C0]  }
0x26e: {  	v2 =	vld [tilespmem:s26+$0x0];
	_ =	sdelay $0x3  }
0x26f: {  	v3 =	vld [tilespmem:s26+$0x7D0]  }
0x270: {  	v4 =	vld [tilespmem:s26+$0xFA0];
	v2 =	vsub.f32 v1, v2  }
0x271: {  	v5 =	vld [tilespmem:s26+$0xFFFFF060]  }
0x272: {  	v6 =	vld [tilespmem:s26+$0x1770];
	(erf) = vrcp.f32 v2  }
0x273: {  	v2 =	vld [tilespmem:s26+$0xFFFFF830]  }
0x274: {  	v7 =	vld [tilespmem:s26+$0xFFFFE890];
	_ =	sdelay $0x3  }
0x275: {  	v8 =	vsub.f32 v5, v4  }
0x276: {  	v2 =	vsub.f32 v2, v6;
	v3 =	vsub.f32 v7, v3  }
0x277: {  	v1 =	vmul.f32 v8, v1  }
0x278: {  	v2 =	vmul.f32 v2, v2;
	v3 =	vmul.f32 v3, v3;
	v4 =	vpop (erf)  }
0x279: {  	v1 =	vmul.f32 v1, v4  }
0x27a: {  	v2 =	vadd.f32 v2, v3  }
0x27b: {  	v1 =	vsub.f32 v5, v1  }
0x27c: {  	v4 =	vmul.f32 $3.600000130e-05, v2  }
0x27d: {  	v1 =	vand.u32 $0x7FFFFFFF, v1  }
0x27e: {  	vm0 =	vlt.f32 v3, v4;
	vm1 =	vlt.f32 v1, $1.500000000e+02  }
0x27f: {  	vm0 =	vmand vm0, vm1;
	vm1 =	vlt.f32 v2, $2.890000100e+00  }
0x280: {  	vm0 =	vmand vm1, vm0  }
0x281: {  	v1 =	vsel vm0, $0x1, v0  }
0x282: {  	[tilespmem:s1+$0xFFFFFFE0] =	vst v1  }
0x283: {  	v1 =	vld [tilespmem:s26+$0xFFFFE0D0]  }
0x284: {  	v2 =	vld [tilespmem:s26+$0x10];
	_ =	sdelay $0x3  }
0x285: {  	v3 =	vld [tilespmem:s26+$0xFFFFE8A0]  }
0x286: {  	v4 =	vld [tilespmem:s26+$0x1780];
	v2 =	vsub.f32 v1, v2  }
0x287: {  	v5 =	vld [tilespmem:s26+$0x7E0]  }
0x288: {  	v6 =	vld [tilespmem:s26+$0xFB0];
	(erf) = vrcp.f32 v2  }
0x289: {  	s0 =	sand.u32 $0x7F0, s29;
	v2 =	vld [tilespmem:s26+$0xFFFFF070]  }
0x28a: {  	v7 =	vld [tilespmem:s0+$0x134A8];
	_ =	sdelay $0x1  }
0x28b: {  	v3 =	vsub.f32 v3, v5;
	_ =	sdelay $0x1  }
0x28c: {  	v6 =	vsub.f32 v2, v6;
	v3 =	vmul.f32 v3, v3  }
0x28d: {  	v4 =	vsub.f32 v7, v4  }
0x28e: {  	v1 =	vmul.f32 v6, v1  }
0x28f: {  	v4 =	vmul.f32 v4, v4;
	v5 =	vpop (erf)  }
0x290: {  	v1 =	vmul.f32 v1, v5  }
0x291: {  	v4 =	vadd.f32 v4, v3  }
0x292: {  	v1 =	vsub.f32 v2, v1  }
0x293: {  	v2 =	vmul.f32 $3.600000130e-05, v4  }
0x294: {  	v1 =	vand.u32 $0x7FFFFFFF, v1  }
0x295: {  	vm0 =	vlt.f32 v3, v2;
	vm1 =	vlt.f32 v1, $1.500000000e+02  }
0x296: {  	vm0 =	vmand vm0, vm1;
	vm1 =	vlt.f32 v4, $2.890000100e+00  }
0x297: {  	vm0 =	vmand vm1, vm0  }
0x298: {  	v1 =	vsel vm0, $0x1, v0  }
0x299: {  	[tilespmem:s1+$0xFFFFFFF0] =	vst v1  }
0x29a: {  	v1 =	vld [tilespmem:s26+$0xFFFFE0E0]  }
0x29b: {  	v2 =	vld [tilespmem:s26+$0x20];
	_ =	sdelay $0x3  }
0x29c: {  	v3 =	vld [tilespmem:s26+$0x7F0]  }
0x29d: {  	v4 =	vld [tilespmem:s26+$0x1790];
	v2 =	vsub.f32 v1, v2  }
0x29e: {  	v5 =	vld [tilespmem:s26+$0xFFFFF850]  }
0x29f: {  	v6 =	vld [tilespmem:s0+$0x14C28];
	(erf) = vrcp.f32 v2  }
0x2a0: {  	v2 =	vld [tilespmem:s26+$0xFFFFF080]  }
0x2a1: {  	v7 =	vld [tilespmem:s26+$0xFFFFE8B0];
	_ =	sdelay $0x1  }
0x2a2: {  	v4 =	vsub.f32 v5, v4;
	_ =	sdelay $0x1  }
0x2a3: {  	v6 =	vsub.f32 v2, v6  }
0x2a4: {  	v3 =	vsub.f32 v7, v3  }
0x2a5: {  	v1 =	vmul.f32 v6, v1  }
0x2a6: {  	v4 =	vmul.f32 v4, v4;
	v3 =	vmul.f32 v3, v3;
	v5 =	vpop (erf)  }
0x2a7: {  	v1 =	vmul.f32 v1, v5  }
0x2a8: {  	v4 =	vadd.f32 v4, v3  }
0x2a9: {  	v1 =	vsub.f32 v2, v1  }
0x2aa: {  	v2 =	vmul.f32 $3.600000130e-05, v4  }
0x2ab: {  	v1 =	vand.u32 $0x7FFFFFFF, v1  }
0x2ac: {  	vm0 =	vlt.f32 v3, v2;
	vm1 =	vlt.f32 v1, $1.500000000e+02  }
0x2ad: {  	vm0 =	vmand vm0, vm1;
	vm1 =	vlt.f32 v4, $2.890000100e+00  }
0x2ae: {  	vm0 =	vmand vm1, vm0  }
0x2af: {  	v1 =	vsel vm0, $0x1, v0  }
0x2b0: {  	[tilespmem:s1+$0x0] =	vst v1  }
0x2b1: {  	v1 =	vld [tilespmem:s26+$0xFFFFE0F0]  }
0x2b2: {  	v2 =	vld [tilespmem:s26+$0x30]  }
0x2b3: {  	v3 =	vld [tilespmem:s26+$0xFD0]  }
0x2b4: {  	v4 =	vld [tilespmem:s0+$0x12528]  }
0x2b5: {  	v5 =	vld [tilespmem:s26+$0xFFFFF860]  }
0x2b6: {  	v6 =	vld [tilespmem:s26+$0x800]  }
0x2b7: {  	v2 =	vsub.f32 v1, v2  }
0x2b8: {  	v7 =	vld [tilespmem:s26+$0x17A0]  }
0x2b9: {  	(erf) = vrcp.f32 v2  }
0x2ba: {  	v2 =	vld [tilespmem:s26+$0xFFFFF090]  }
0x2bb: {  	v4 =	vsub.f32 v4, v6;
	_ =	sdelay $0x1  }
0x2bc: {  	v5 =	vsub.f32 v5, v7;
	_ =	sdelay $0x1  }
0x2bd: {  	v3 =	vsub.f32 v2, v3;
	_ =	sdelay $0x1  }
0x2be: {  	v1 =	vmul.f32 v3, v1  }
0x2bf: {  	v4 =	vmul.f32 v4, v4;
	v3 =	vmul.f32 v5, v5;
	v5 =	vpop (erf)  }
0x2c0: {  	v1 =	vmul.f32 v1, v5  }
0x2c1: {  	v3 =	vadd.f32 v3, v4  }
0x2c2: {  	v1 =	vsub.f32 v2, v1  }
0x2c3: {  	v2 =	vmul.f32 $3.600000130e-05, v3  }
0x2c4: {  	v1 =	vand.u32 $0x7FFFFFFF, v1  }
0x2c5: {  	vm0 =	vlt.f32 v4, v2;
	vm1 =	vlt.f32 v1, $1.500000000e+02  }
0x2c6: {  	vm0 =	vmand vm0, vm1;
	vm1 =	vlt.f32 v3, $2.890000100e+00  }
0x2c7: {  	vm0 =	vmand vm1, vm0  }
0x2c8: {  	v1 =	vsel vm0, $0x1, v0  }
0x2c9: {  	[tilespmem:s1+$0x10] =	vst v1  }
0x2ca: {  	v4 =	vld [tilespmem:s26+$0xFFFFE100]  }
0x2cb: {  	v2 =	vld [tilespmem:s0+$0x13CA8]  }
0x2cc: {  	v1 =	vld [tilespmem:s26+$0xFFFFF0A0]  }
0x2cd: {  	v3 =	vld [tilespmem:s26+$0xFFFFE8D0]  }
0x2ce: {  	v5 =	vld [tilespmem:s26+$0xFFFFF870];
	_ =	sdelay $0x1  }
0x2cf: {  	v2 =	vsub.f32 v4, v2;
	_ =	sdelay $0x1  }
0x2d0: {  	v6 =	vld [tilespmem:s26+$0x17B0];
	(erf) = vrcp.f32 v2  }
0x2d1: {  	v2 =	vld [tilespmem:s26+$0x810];
	_ =	sdelay $0x3  }
0x2d2: {  	v7 =	vld [tilespmem:s26+$0xFE0];
	v5 =	vsub.f32 v5, v6  }
0x2d3: {  	v2 =	vsub.f32 v3, v2;
	_ =	sdelay $0x1  }
0x2d4: {  	v3 =	vmul.f32 v5, v5;
	v2 =	vmul.f32 v2, v2  }
.Ltmp5:
0x2d5: {  	v5 =	vpop (erf);
	(pc) =	sbr.rel @p1 .LBB2_13-.Ltmp5, $3  }
0x2d6: {  	v6 =	vsub.f32 v1, v7;
	v3 =	vadd.f32 v3, v2;
	_ =	sdelay $0x1  }
0x2d7: {  	v6 =	vmul.f32 v6, v4;
	v4 =	vmul.f32 $3.600000130e-05, v3  }
0x2d8: {  	s1 =	sadd.s32 $0x50, s1  }
0x2d9: {  	v5 =	vmul.f32 v6, v5;
	_ =	sdelay $0x1  }
0x2da: {  	v1 =	vsub.f32 v1, v5;
	_ =	sdelay $0x1  }
0x2db: {  	v1 =	vand.u32 $0x7FFFFFFF, v1  }
0x2dc: {  	vm0 =	vlt.f32 v2, v4;
	vm1 =	vlt.f32 v1, $1.500000000e+02  }
0x2dd: {  	vm15 =	vlt.f32 v3, $2.890000100e+00;
	vm0 =	vmand vm0, vm1  }
0x2de: {  	s24 =	sadd.s32 $0x1, s24;
	vm0 =	vmand vm15, vm0  }
0x2df: {  	p1 =	sne.s32 s24, $0x32;
	v1 =	vsel vm0, $0x1, v0  }
.Ltmp6:
0x2e0: {  	s0 =	sadd.s32 s7, s25;
	[tilespmem:s28+$0x20] =	vst v1;
	(pc) =	sbr.rel @p1 .LBB2_4-.Ltmp6, $4  }
0x2e1: {  	[hbm4b:s0+s3] =	stream.linear.scatter [tilespmem:s18], [sflag:$0x3], $0x7D0, $0x38;
	[tilespmem:$0x15BA8] =	vst v63  }
0x2e2: {  	_ =	swait.ge [sflag:s15], $0x7D0  }
0x2e3: {  	[sflag:s15] =	ssyncset.done $0x0  }
0x2e4: {  	[sflag:s15] =	ssyncadd.s32 $0xFFFFF830  }
0x2e5: {  	s22 =	sadd.s32 $0x1, s22  }
0x2e6: {  	p1 =	sne.s32 s22, s12  }
.Ltmp7:
0x2e7: {  	_ = 	snop;
	(pc) =	sbr.rel @p1 .LBB2_1-.Ltmp7, $1  }
0x2e8: {  	_ =	sdelay $0x3  }
0x2e9: {  	_ =	sfence.sel $0x180000  }
0x2ea: {  	[bflag:$0x0] =	sbarrier.arrive $0xFFFF  }
0x2eb: {  	_ =	strace $0x90000047  }
0x2ec: {  	[bflag:$0x2] =	sbarrier.arrive $0xFFFF  }
0x2ed: {  	s0 =	rddreg [dreg:$0x3]  }
0x2ee: {  	s0 =	sadd.s32 @!p0 $0x100000, s0  }
0x2ef: {  	[sflag:s0] =	ssyncadd.tile.s32 @!p0 $0x1;
	_ =	shalt  }
.Lfunc_end2:
_tile_overlayer_lowered:
.L_overlay_start_2:
0x2f0: {  	(tag) =	ssettag $0x2  }
0x2f1: {  	s0 =	rddreg [dreg:$0x0];
	s2 =	stileid.u32  }
0x2f2: {  	s1 =	rddreg [dreg:$0x1];
	p0 =	sne.s32 s2, $0x0  }
0x2f3: {  	s3 =	rddreg [dreg:$0x2];
	[bflag:$0x3] =	sbarrier.arrive $0xFFFF;
	s2 =	simm.s32 @!p0 $0x1C03  }
0x2f4: {  	[timem:s3], [sflag:s2] =	dma.local @!p0 [hbm:s0], s1  }
0x2f5: {  	s0 =	simm.s32 @!p0 $0x3  }
0x2f6: {  	_ =	swait.ge @!p0 [sflag:s0], s1  }
0x2f7: {  	s1 =	ssub.s32 @!p0 $0x0, s1;
	[sflag:s0] =	ssyncset.done @!p0 $0x0  }
0x2f8: {  	[sflag:s0] =	ssyncadd.s32 @!p0 s1  }
0x2f9: {  	[bflag:$0x3] =	sbarrier.arrive $0xFFFF  }
0x2fa: {  	_ =	shalt  }

</sc_bundles>
